<compile_context>
chip_gen: v7x
topology: tpu7x:2x2x1
jax: 0.10.2.dev20260603
libtpu: 0.0.44.dev20260713+nightly
codegen_flags: <defaults>
</compile_context>

<pallas_src>
import functools

import jax
import jax.numpy as jnp
from jax import lax
from jax.experimental import pallas as pl
from jax.experimental.pallas import tpu as pltpu
from jax.experimental.pallas import tpu_sc as plsc

N = 10000
E = 320000
F = 128
C = 10
L = 3
BN_EPS = 1e-5

NC = 2
NS = 16
NW = NC * NS
EPW = E // NW
CHUNK = 125
NCH = EPW // CHUNK
WCH = 16
NWIN = NCH // WCH
NP = 10240
RPT = NP // NS
ZR = 64


def _seg_sum_body(h_hbm, src_hbm, dst_hbm, out_hbm,
                  src_v, dst_v, rows_v, zbuf, acc, sem, zsem, ssem):
    c = lax.axis_index("c")
    s = lax.axis_index("s")
    wid = s * NC + c

    HT = N - (NS - 1) * RPT

    @pl.when(c == 0)
    def _():
        @pl.when(s < NS - 1)
        def _():
            pltpu.async_copy(h_hbm.at[pl.ds(s * RPT, RPT)],
                             acc.at[pl.ds(s * RPT, RPT)], zsem)

        @pl.when(s == NS - 1)
        def _():
            pltpu.async_copy(h_hbm.at[pl.ds((NS - 1) * RPT, HT)],
                             acc.at[pl.ds((NS - 1) * RPT, HT)], zsem)

    @pl.when(c == 1)
    def _():
        def _zrow(i, _):
            zbuf[i // 8, pl.ds((i % 8) * 16, 16)] = jnp.zeros((16,),
                                                             jnp.float32)
            return 0
        lax.fori_loop(0, ZR * 8, _zrow, 0)
        for t in range(RPT // ZR):
            pltpu.async_copy(zbuf, acc.at[pl.ds(s * RPT + t * ZR, ZR)], zsem)

    pltpu.sync_copy(src_hbm.at[wid, pl.ds(0, WCH)], src_v.at[0])
    pltpu.sync_copy(dst_hbm.at[wid, pl.ds(0, WCH)], dst_v.at[0])
    pltpu.async_copy(h_hbm.at[src_v.at[0, 0]], rows_v.at[0], sem)

    @pl.when(c == 0)
    def _():
        @pl.when(s < NS - 1)
        def _():
            pltpu.make_async_copy(h_hbm.at[pl.ds(s * RPT, RPT)],
                                  acc.at[pl.ds(s * RPT, RPT)], zsem).wait()

        @pl.when(s == NS - 1)
        def _():
            pltpu.make_async_copy(h_hbm.at[pl.ds((NS - 1) * RPT, HT)],
                                  acc.at[pl.ds((NS - 1) * RPT, HT)],
                                  zsem).wait()

    @pl.when(c == 1)
    def _():
        for t in range(RPT // ZR):
            pltpu.make_async_copy(zbuf, acc.at[pl.ds(s * RPT + t * ZR, ZR)],
                                  zsem).wait()
    plsc.subcore_barrier()

    def _edge(i, _):
        b = lax.rem(i, 2)
        nxt = i + 1
        nw = nxt // WCH
        nwb = lax.rem(nw, 2)

        @pl.when((lax.rem(nxt, WCH) == 0) & (nxt < NCH))
        def _():
            pltpu.sync_copy(src_hbm.at[wid, pl.ds(nw * WCH, WCH)], src_v.at[nwb])
            pltpu.sync_copy(dst_hbm.at[wid, pl.ds(nw * WCH, WCH)], dst_v.at[nwb])

        @pl.when(i > 0)
        def _():
            pltpu.make_async_copy(rows_v.at[1 - b], acc.at[pl.ds(0, CHUNK)],
                                  ssem).wait()

        @pl.when(nxt < NCH)
        def _():
            pltpu.async_copy(h_hbm.at[src_v.at[nwb, lax.rem(nxt, WCH)]],
                             rows_v.at[1 - b], sem)

        pltpu.make_async_copy(h_hbm.at[src_v.at[0, 0]], rows_v.at[b], sem).wait()
        pltpu.async_copy(rows_v.at[b],
                         acc.at[dst_v.at[lax.rem(i // WCH, 2), lax.rem(i, WCH)]],
                         ssem, add=True)
        return 0

    lax.fori_loop(0, NCH, _edge, 0)
    pltpu.make_async_copy(rows_v.at[lax.rem(NCH - 1, 2)],
                          acc.at[pl.ds(0, CHUNK)], ssem).wait()
    plsc.subcore_barrier()

    rbase = s * RPT
    pltpu.sync_copy(acc.at[pl.ds(rbase, RPT)],
                    out_hbm.at[c, pl.ds(rbase, RPT)])


@functools.cache
def _seg_sum():
  return pl.kernel(
    _seg_sum_body,
    out_type=jax.ShapeDtypeStruct((NC, NP, F), jnp.float32),
    mesh=plsc.VectorSubcoreMesh(core_axis_name="c", subcore_axis_name="s",
                                num_cores=NC, num_subcores=NS),
    scratch_types=[
        pltpu.VMEM((2, WCH, CHUNK), jnp.int32),
        pltpu.VMEM((2, WCH, CHUNK), jnp.int32),
        pltpu.VMEM((2, CHUNK, F), jnp.float32),
        pltpu.VMEM((ZR, F), jnp.float32),
        pltpu.VMEM_SHARED((NP, F), jnp.float32),
        pltpu.SemaphoreType.DMA,
        pltpu.SemaphoreType.DMA,
        pltpu.SemaphoreType.DMA,
    ],
  )


BS = 5000
_BN_SCALE = (1.0 + BN_EPS) ** -0.5


def _mlp_body(a_ref, w1_ref, b1_ref, w2_ref, b2_ref,
              g_ref, be_ref, out_ref):
    z = a_ref[0] + a_ref[1]
    z = jnp.dot(z, w1_ref[...], preferred_element_type=jnp.float32) + b1_ref[...]
    z = jnp.maximum(z, 0.0)
    z = jnp.dot(z, w2_ref[...], preferred_element_type=jnp.float32) + b2_ref[...]
    z = jnp.maximum(z, 0.0)
    out_ref[...] = z * (g_ref[...] * _BN_SCALE) + be_ref[...]


_mlp = pl.pallas_call(
    _mlp_body,
    grid=(N // BS,),
    in_specs=[
        pl.BlockSpec((NC, BS, F), lambda i: (0, i, 0)),
        pl.BlockSpec((F, F), lambda i: (0, 0)),
        pl.BlockSpec((1, F), lambda i: (0, 0)),
        pl.BlockSpec((F, F), lambda i: (0, 0)),
        pl.BlockSpec((1, F), lambda i: (0, 0)),
        pl.BlockSpec((1, F), lambda i: (0, 0)),
        pl.BlockSpec((1, F), lambda i: (0, 0)),
    ],
    out_specs=pl.BlockSpec((BS, F), lambda i: (i, 0)),
    out_shape=jax.ShapeDtypeStruct((N, F), jnp.float32),
)


def _last_body(a_ref, w1_ref, b1_ref, w2_ref, b2_ref,
               g_ref, be_ref, f1_ref, fb1_ref, f2_ref, fb2_ref, out_ref):
    z = a_ref[0] + a_ref[1]
    z = jnp.dot(z, w1_ref[...], preferred_element_type=jnp.float32) + b1_ref[...]
    z = jnp.maximum(z, 0.0)
    z = jnp.dot(z, w2_ref[...], preferred_element_type=jnp.float32) + b2_ref[...]
    z = jnp.maximum(z, 0.0)
    z = z * (g_ref[...] * _BN_SCALE) + be_ref[...]
    z = jnp.dot(z, f1_ref[...], preferred_element_type=jnp.float32) + fb1_ref[...]
    z = jnp.maximum(z, 0.0)
    logits = jnp.dot(z, f2_ref[...], preferred_element_type=jnp.float32) + fb2_ref[...]
    m = jnp.max(logits, axis=1, keepdims=True)
    lse = m + jnp.log(jnp.sum(jnp.exp(logits - m), axis=1, keepdims=True))
    out_ref[...] = (logits - lse)[:, :C]


_last = pl.pallas_call(
    _last_body,
    grid=(N // BS,),
    in_specs=[
        pl.BlockSpec((NC, BS, F), lambda i: (0, i, 0)),
        pl.BlockSpec((F, F), lambda i: (0, 0)),
        pl.BlockSpec((1, F), lambda i: (0, 0)),
        pl.BlockSpec((F, F), lambda i: (0, 0)),
        pl.BlockSpec((1, F), lambda i: (0, 0)),
        pl.BlockSpec((1, F), lambda i: (0, 0)),
        pl.BlockSpec((1, F), lambda i: (0, 0)),
        pl.BlockSpec((F, F), lambda i: (0, 0)),
        pl.BlockSpec((1, F), lambda i: (0, 0)),
        pl.BlockSpec((F, F), lambda i: (0, 0)),
        pl.BlockSpec((1, F), lambda i: (0, 0)),
    ],
    out_specs=pl.BlockSpec((BS, C), lambda i: (i, 0)),
    out_shape=jax.ShapeDtypeStruct((N, C), jnp.float32),
)


def kernel(x, edge_index, W1, B1, W2, B2, gamma, beta, fc1_w, fc1_b, fc2_w, fc2_b):
    src = edge_index[0].reshape(NW, NCH, CHUNK)
    dst = edge_index[1].reshape(NW, NCH, CHUNK)
    W1t = jnp.transpose(W1, (0, 2, 1))
    W2t = jnp.transpose(W2, (0, 2, 1))
    fc1t = fc1_w.T
    fc2t = jnp.zeros((F, F), jnp.float32).at[:, :C].set(fc2_w.T)
    b2p = jnp.full((1, F), -1e30, jnp.float32).at[0, :C].set(fc2_b)

    h = x
    for l in range(L - 1):
        acc = _seg_sum()(h, src, dst)
        h = _mlp(acc, W1t[l], B1[l][None], W2t[l], B2[l][None],
                 gamma[l][None], beta[l][None])
    acc = _seg_sum()(h, src, dst)
    return _last(acc, W1t[L - 1], B1[L - 1][None], W2t[L - 1],
                 B2[L - 1][None], gamma[L - 1][None], beta[L - 1][None],
                 fc1t, fc1_b[None], fc2t, b2p)

# --- scband reference (transcript-rebuilt; emitter-appended) ---
"""Pipeline reference for scband-gin-19920058318979 (READ-ONLY COPY).

The authoritative reference and input builder live on the scoring server;
editing this copy changes nothing except your own understanding.
"""

import jax, jax.numpy as jnp
import numpy as np

N = 10000
E = 320000
F = 128
H = 128
C = 10
L = 3  # num_layers - 1 GINConv layers
BN_EPS = 1e-5


def setup_inputs(seed: int = 0) -> dict:
    key = jax.random.key(seed)
    ks = jax.random.split(key, 14)
    x = jax.random.normal(ks[0], (N, F), dtype=jnp.float32)
    edge_index = jax.random.randint(ks[1], (2, E), 0, N, dtype=jnp.int32)
    # GINConv MLP params per layer: Linear(F->H), ReLU, Linear(H->H). F == H so stack.
    W1 = jax.random.normal(ks[2], (L, H, F), dtype=jnp.float32) * 0.05
    B1 = jax.random.normal(ks[3], (L, H), dtype=jnp.float32) * 0.05
    W2 = jax.random.normal(ks[4], (L, H, H), dtype=jnp.float32) * 0.05
    B2 = jax.random.normal(ks[5], (L, H), dtype=jnp.float32) * 0.05
    # BatchNorm1d params (eval mode: running_mean=0, running_var=1)
    gamma = jnp.ones((L, H), dtype=jnp.float32)
    beta = jnp.zeros((L, H), dtype=jnp.float32)
    fc1_w = jax.random.normal(ks[6], (H, H), dtype=jnp.float32) * 0.05
    fc1_b = jax.random.normal(ks[7], (H,), dtype=jnp.float32) * 0.05
    fc2_w = jax.random.normal(ks[8], (C, H), dtype=jnp.float32) * 0.05
    fc2_b = jax.random.normal(ks[9], (C,), dtype=jnp.float32) * 0.05
    return {"x": x, "edge_index": edge_index, "W1": W1, "B1": B1, "W2": W2, "B2": B2,
            "gamma": gamma, "beta": beta, "fc1_w": fc1_w, "fc1_b": fc1_b,
            "fc2_w": fc2_w, "fc2_b": fc2_b}


def reference(x, edge_index, W1, B1, W2, B2, gamma, beta, fc1_w, fc1_b, fc2_w, fc2_b):
    src = edge_index[0]
    dst = edge_index[1]
    h = x
    for l in range(L):
        # GINConv with eps=0: h_i' = MLP((1+eps)*h_i + sum_{j->i} h_j)
        agg = jax.ops.segment_sum(h[src], dst, num_segments=N)
        z = h + agg
        z = jnp.maximum(z @ W1[l].T + B1[l], 0.0)
        z = z @ W2[l].T + B2[l]
        # outer F.relu
        z = jnp.maximum(z, 0.0)
        # BatchNorm1d eval: (z - 0) / sqrt(1 + eps) * gamma + beta
        z = (z / jnp.sqrt(1.0 + BN_EPS)) * gamma[l] + beta[l]
        h = z
    h = jnp.maximum(h @ fc1_w.T + fc1_b, 0.0)
    # dropout is identity in eval mode
    logits = h @ fc2_w.T + fc2_b
    return jax.nn.log_softmax(logits, axis=-1)

if __name__ == "__main__":
    import jax
    _d = setup_inputs()
    print(jax.jit(kernel)(*tuple(_d.values())))

</pallas_src>

<mosaic_0001>
#map = affine_map<(d0, d1) -> (0, 0)>
#map1 = affine_map<(d0, d1) -> (0, 0, 0)>
module attributes {stable_mosaic.version = 14 : i64} {
  func.func @_seg_sum_body(%arg0: i32, %arg1: i32, %arg2: memref<10000x128xf32, #tpu.memory_space<hbm>>, %arg3: memref<32x80x125xi32, #tpu.memory_space<hbm>>, %arg4: memref<32x80x125xi32, #tpu.memory_space<hbm>>, %arg5: memref<2x10240x128xf32, #tpu.memory_space<hbm>>, %arg6: memref<2x16x125xi32, #tpu.memory_space<vmem>>, %arg7: memref<2x16x125xi32, #tpu.memory_space<vmem>>, %arg8: memref<2x125x128xf32, #tpu.memory_space<vmem>>, %arg9: memref<64x128xf32, #tpu.memory_space<vmem>>, %arg10: memref<10240x128xf32, #tpu.memory_space<vmem_shared>>, %arg11: memref<!tpu.dma_semaphore, #tpu.memory_space<semaphore_mem>>, %arg12: memref<!tpu.dma_semaphore, #tpu.memory_space<semaphore_mem>>, %arg13: memref<!tpu.dma_semaphore, #tpu.memory_space<semaphore_mem>>) attributes {dimension_semantics = [#tpu.dimension_semantics<core_parallel>, #tpu.dimension_semantics<subcore_parallel>], iteration_bounds = array<i64: 2, 16>, scalar_prefetch = 0 : i64, scratch_operands = 8 : i64, tpu.core_type = #tpu.core_type<sc_vector_subcore>, window_params = [{transform_indices = #map}, {transform_indices = #map1}, {transform_indices = #map1}, {transform_indices = #map1}]} {
    %mul3A = arith.constant 2 : i32
    %mul3A_0 = arith.muli %arg1, %mul3A : i32
    %add3A = arith.addi %mul3A_0, %arg0 : i32
    %eq3A = arith.constant 0 : i32
    %eq3A_1 = arith.cmpi eq, %arg0, %eq3A : i32
    %convert_element_type3A = arith.extui %eq3A_1 : i1 to i32
    %cond3A = arith.constant 0 : i32
    %cond3A_2 = arith.cmpi ne, %convert_element_type3A, %cond3A : i32
    scf.if %cond3A_2 {
      %lt3A = arith.constant 15 : i32
      %lt3A_55 = arith.cmpi slt, %arg1, %lt3A : i32
      %convert_element_type3A_56 = arith.extui %lt3A_55 : i1 to i32
      %cond3A_57 = arith.constant 0 : i32
      %cond3A_58 = arith.cmpi ne, %convert_element_type3A_56, %cond3A_57 : i32
      scf.if %cond3A_58 {
        %mul3A_64 = arith.constant 640 : i32
        %mul3A_65 = arith.muli %arg1, %mul3A_64 : i32
        %mul3A_66 = arith.constant 640 : i32
        %mul3A_67 = arith.muli %arg1, %mul3A_66 : i32
        %dma_start3A_68 = arith.constant 0 : i32
        %dma_start3A_69 = tpu.memref_slice %arg10[%mul3A_67, %dma_start3A_68] : memref<10240x128xf32, #tpu.memory_space<vmem_shared>> -> memref<640x128xf32, #tpu.memory_space<vmem_shared>>
        %dma_start3A_70 = arith.constant 0 : i32
        %dma_start3A_71 = tpu.memref_slice %arg2[%mul3A_65, %dma_start3A_70] : memref<10000x128xf32, #tpu.memory_space<hbm>> -> memref<640x128xf32, #tpu.memory_space<hbm>>
        tpu.enqueue_dma source(%dma_start3A_71 : memref<640x128xf32, #tpu.memory_space<hbm>>) target(%dma_start3A_69 : memref<640x128xf32, #tpu.memory_space<vmem_shared>>) target_semaphore(%arg12 : memref<!tpu.dma_semaphore, #tpu.memory_space<semaphore_mem>>)
      } else {
      }
      %eq3A_59 = arith.constant 15 : i32
      %eq3A_60 = arith.cmpi eq, %arg1, %eq3A_59 : i32
      %convert_element_type3A_61 = arith.extui %eq3A_60 : i1 to i32
      %cond3A_62 = arith.constant 0 : i32
      %cond3A_63 = arith.cmpi ne, %convert_element_type3A_61, %cond3A_62 : i32
      scf.if %cond3A_63 {
        %dma_start3A_64 = arith.constant 9600 : i32
        %dma_start3A_65 = arith.constant 0 : i32
        %dma_start3A_66 = tpu.memref_slice %arg10[%dma_start3A_64, %dma_start3A_65] : memref<10240x128xf32, #tpu.memory_space<vmem_shared>> -> memref<400x128xf32, #tpu.memory_space<vmem_shared>>
        %dma_start3A_67 = arith.constant 9600 : i32
        %dma_start3A_68 = arith.constant 0 : i32
        %dma_start3A_69 = tpu.memref_slice %arg2[%dma_start3A_67, %dma_start3A_68] : memref<10000x128xf32, #tpu.memory_space<hbm>> -> memref<400x128xf32, #tpu.memory_space<hbm>>
        tpu.enqueue_dma source(%dma_start3A_69 : memref<400x128xf32, #tpu.memory_space<hbm>>) target(%dma_start3A_66 : memref<400x128xf32, #tpu.memory_space<vmem_shared>>) target_semaphore(%arg12 : memref<!tpu.dma_semaphore, #tpu.memory_space<semaphore_mem>>)
      } else {
      }
    } else {
    }
    %eq3A_3 = arith.constant 1 : i32
    %eq3A_4 = arith.cmpi eq, %arg0, %eq3A_3 : i32
    %convert_element_type3A_5 = arith.extui %eq3A_4 : i1 to i32
    %cond3A_6 = arith.constant 0 : i32
    %cond3A_7 = arith.cmpi ne, %convert_element_type3A_5, %cond3A_6 : i32
    scf.if %cond3A_7 {
      %scan3A_55 = arith.constant 0 : i32
      %scan3A_56 = arith.constant 0 : i32
      %scan3A_57 = arith.constant 512 : i32
      %scan3A_58 = arith.addi %scan3A_56, %scan3A_57 : i32
      %scan3A_59 = arith.constant 1 : i32
      %scan3A_60 = scf.for %scan3A_142 = %scan3A_56 to %scan3A_58 step %scan3A_59 iter_args(%scan3A_143 = %scan3A_55) -> (i32)  : i32 {
        %broadcast_in_dim3A = arith.constant 0.000000e+00 : f32
        %broadcast_in_dim3A_144 = vector.broadcast %broadcast_in_dim3A : f32 to vector<16xf32>
        %jit3A = arith.constant 8 : i32
        %div3A = arith.divsi %scan3A_142, %jit3A : i32
        %sign3A = arith.constant 0 : i32
        %sign3A_145 = arith.cmpi sgt, %scan3A_142, %sign3A : i32
        %sign3A_146 = arith.extui %sign3A_145 : i1 to i32
        %sign3A_147 = arith.constant 0 : i32
        %sign3A_148 = arith.cmpi slt, %scan3A_142, %sign3A_147 : i32
        %sign3A_149 = arith.extui %sign3A_148 : i1 to i32
        %sign3A_150 = arith.subi %sign3A_146, %sign3A_149 : i32
        %sign3A_151 = arith.constant 0 : i32
        %sign3A_152 = arith.cmpi sgt, %jit3A, %sign3A_151 : i32
        %sign3A_153 = arith.extui %sign3A_152 : i1 to i32
        %sign3A_154 = arith.constant 0 : i32
        %sign3A_155 = arith.cmpi slt, %jit3A, %sign3A_154 : i32
        %sign3A_156 = arith.extui %sign3A_155 : i1 to i32
        %sign3A_157 = arith.subi %sign3A_153, %sign3A_156 : i32
        %ne3A = arith.cmpi ne, %sign3A_150, %sign3A_157 : i32
        %rem3A_158 = arith.remsi %scan3A_142, %jit3A : i32
        %ne3A_159 = arith.constant 0 : i32
        %ne3A_160 = arith.cmpi ne, %rem3A_158, %ne3A_159 : i32
        %and3A = arith.andi %ne3A, %ne3A_160 : i1
        %sub3A = arith.constant 1 : i32
        %sub3A_161 = arith.subi %div3A, %sub3A : i32
        %select_n3A = arith.select %and3A, %sub3A_161, %div3A : i32
        %jit3A_162 = arith.constant 8 : i32
        %eq3A_163 = arith.constant 0 : i32
        %eq3A_164 = arith.cmpi eq, %jit3A_162, %eq3A_163 : i32
        %jit3A_165 = arith.constant 1 : i32
        %select_n3A_166 = arith.select %eq3A_164, %jit3A_165, %jit3A_162 : i32
        %rem3A_167 = arith.remsi %scan3A_142, %select_n3A_166 : i32
        %ne3A_168 = arith.constant 0 : i32
        %ne3A_169 = arith.cmpi ne, %rem3A_167, %ne3A_168 : i32
        %lt3A = arith.constant 0 : i32
        %lt3A_170 = arith.cmpi slt, %rem3A_167, %lt3A : i32
        %lt3A_171 = arith.constant 0 : i32
        %lt3A_172 = arith.cmpi slt, %select_n3A_166, %lt3A_171 : i32
        %ne3A_173 = arith.xori %lt3A_170, %lt3A_172 : i1
        %and3A_174 = arith.andi %ne3A_173, %ne3A_169 : i1
        %add3A_175 = arith.addi %rem3A_167, %select_n3A_166 : i32
        %select_n3A_176 = arith.select %and3A_174, %add3A_175, %rem3A_167 : i32
        %mul3A_177 = arith.constant 16 : i32
        %mul3A_178 = arith.muli %select_n3A_176, %mul3A_177 : i32
        %swap3A = arith.index_cast %select_n3A : i32 to index
        %swap3A_179 = arith.index_cast %mul3A_178 : i32 to index
        %swap3A_180 = tpu.vector_load %arg9[%swap3A, %swap3A_179] {strides = array<i32>} : memref<64x128xf32, #tpu.memory_space<vmem>>, vector<1x16xf32>,
        %swap3A_181 = vector.shape_cast %swap3A_180 : vector<1x16xf32> to vector<16xf32>
        %swap3A_182 = vector.shape_cast %broadcast_in_dim3A_144 : vector<16xf32> to vector<1x16xf32>
        tpu.vector_store %arg9[%swap3A, %swap3A_179], %swap3A_182 {strides = array<i32>} : memref<64x128xf32, #tpu.memory_space<vmem>>, vector<1x16xf32>,
        %scan3A_183 = arith.constant 0 : i32
        scf.yield %scan3A_183 : i32
      }
      %scan3A_61 = arith.constant 512 : i32
      %mul3A_62 = arith.constant 640 : i32
      %mul3A_63 = arith.muli %arg1, %mul3A_62 : i32
      %add3A_64 = arith.constant 0 : i32
      %add3A_65 = arith.addi %mul3A_63, %add3A_64 : i32
      %dma_start3A_66 = arith.constant 0 : i32
      %dma_start3A_67 = tpu.memref_slice %arg10[%add3A_65, %dma_start3A_66] : memref<10240x128xf32, #tpu.memory_space<vmem_shared>> -> memref<64x128xf32, #tpu.memory_space<vmem_shared>>
      %dma_start3A_68 = arith.constant 0 : i32
      %dma_start3A_69 = tpu.memref_slice %arg10[%add3A_65, %dma_start3A_68] : memref<10240x128xf32, #tpu.memory_space<vmem_shared>> -> memref<64x128xf32, #tpu.memory_space<vmem_shared>>
      tpu.enqueue_dma source(%arg9 : memref<64x128xf32, #tpu.memory_space<vmem>>) target(%dma_start3A_69 : memref<64x128xf32, #tpu.memory_space<vmem_shared>>) target_semaphore(%arg12 : memref<!tpu.dma_semaphore, #tpu.memory_space<semaphore_mem>>)
      %mul3A_70 = arith.constant 640 : i32
      %mul3A_71 = arith.muli %arg1, %mul3A_70 : i32
      %add3A_72 = arith.constant 64 : i32
      %add3A_73 = arith.addi %mul3A_71, %add3A_72 : i32
      %dma_start3A_74 = arith.constant 0 : i32
      %dma_start3A_75 = tpu.memref_slice %arg10[%add3A_73, %dma_start3A_74] : memref<10240x128xf32, #tpu.memory_space<vmem_shared>> -> memref<64x128xf32, #tpu.memory_space<vmem_shared>>
      %dma_start3A_76 = arith.constant 0 : i32
      %dma_start3A_77 = tpu.memref_slice %arg10[%add3A_73, %dma_start3A_76] : memref<10240x128xf32, #tpu.memory_space<vmem_shared>> -> memref<64x128xf32, #tpu.memory_space<vmem_shared>>
      tpu.enqueue_dma source(%arg9 : memref<64x128xf32, #tpu.memory_space<vmem>>) target(%dma_start3A_77 : memref<64x128xf32, #tpu.memory_space<vmem_shared>>) target_semaphore(%arg12 : memref<!tpu.dma_semaphore, #tpu.memory_space<semaphore_mem>>)
      %mul3A_78 = arith.constant 640 : i32
      %mul3A_79 = arith.muli %arg1, %mul3A_78 : i32
      %add3A_80 = arith.constant 128 : i32
      %add3A_81 = arith.addi %mul3A_79, %add3A_80 : i32
      %dma_start3A_82 = arith.constant 0 : i32
      %dma_start3A_83 = tpu.memref_slice %arg10[%add3A_81, %dma_start3A_82] : memref<10240x128xf32, #tpu.memory_space<vmem_shared>> -> memref<64x128xf32, #tpu.memory_space<vmem_shared>>
      %dma_start3A_84 = arith.constant 0 : i32
      %dma_start3A_85 = tpu.memref_slice %arg10[%add3A_81, %dma_start3A_84] : memref<10240x128xf32, #tpu.memory_space<vmem_shared>> -> memref<64x128xf32, #tpu.memory_space<vmem_shared>>
      tpu.enqueue_dma source(%arg9 : memref<64x128xf32, #tpu.memory_space<vmem>>) target(%dma_start3A_85 : memref<64x128xf32, #tpu.memory_space<vmem_shared>>) target_semaphore(%arg12 : memref<!tpu.dma_semaphore, #tpu.memory_space<semaphore_mem>>)
      %mul3A_86 = arith.constant 640 : i32
      %mul3A_87 = arith.muli %arg1, %mul3A_86 : i32
      %add3A_88 = arith.constant 192 : i32
      %add3A_89 = arith.addi %mul3A_87, %add3A_88 : i32
      %dma_start3A_90 = arith.constant 0 : i32
      %dma_start3A_91 = tpu.memref_slice %arg10[%add3A_89, %dma_start3A_90] : memref<10240x128xf32, #tpu.memory_space<vmem_shared>> -> memref<64x128xf32, #tpu.memory_space<vmem_shared>>
      %dma_start3A_92 = arith.constant 0 : i32
      %dma_start3A_93 = tpu.memref_slice %arg10[%add3A_89, %dma_start3A_92] : memref<10240x128xf32, #tpu.memory_space<vmem_shared>> -> memref<64x128xf32, #tpu.memory_space<vmem_shared>>
      tpu.enqueue_dma source(%arg9 : memref<64x128xf32, #tpu.memory_space<vmem>>) target(%dma_start3A_93 : memref<64x128xf32, #tpu.memory_space<vmem_shared>>) target_semaphore(%arg12 : memref<!tpu.dma_semaphore, #tpu.memory_space<semaphore_mem>>)
      %mul3A_94 = arith.constant 640 : i32
      %mul3A_95 = arith.muli %arg1, %mul3A_94 : i32
      %add3A_96 = arith.constant 256 : i32
      %add3A_97 = arith.addi %mul3A_95, %add3A_96 : i32
      %dma_start3A_98 = arith.constant 0 : i32
      %dma_start3A_99 = tpu.memref_slice %arg10[%add3A_97, %dma_start3A_98] : memref<10240x128xf32, #tpu.memory_space<vmem_shared>> -> memref<64x128xf32, #tpu.memory_space<vmem_shared>>
      %dma_start3A_100 = arith.constant 0 : i32
      %dma_start3A_101 = tpu.memref_slice %arg10[%add3A_97, %dma_start3A_100] : memref<10240x128xf32, #tpu.memory_space<vmem_shared>> -> memref<64x128xf32, #tpu.memory_space<vmem_shared>>
      tpu.enqueue_dma source(%arg9 : memref<64x128xf32, #tpu.memory_space<vmem>>) target(%dma_start3A_101 : memref<64x128xf32, #tpu.memory_space<vmem_shared>>) target_semaphore(%arg12 : memref<!tpu.dma_semaphore, #tpu.memory_space<semaphore_mem>>)
      %mul3A_102 = arith.constant 640 : i32
      %mul3A_103 = arith.muli %arg1, %mul3A_102 : i32
      %add3A_104 = arith.constant 320 : i32
      %add3A_105 = arith.addi %mul3A_103, %add3A_104 : i32
      %dma_start3A_106 = arith.constant 0 : i32
      %dma_start3A_107 = tpu.memref_slice %arg10[%add3A_105, %dma_start3A_106] : memref<10240x128xf32, #tpu.memory_space<vmem_shared>> -> memref<64x128xf32, #tpu.memory_space<vmem_shared>>
      %dma_start3A_108 = arith.constant 0 : i32
      %dma_start3A_109 = tpu.memref_slice %arg10[%add3A_105, %dma_start3A_108] : memref<10240x128xf32, #tpu.memory_space<vmem_shared>> -> memref<64x128xf32, #tpu.memory_space<vmem_shared>>
      tpu.enqueue_dma source(%arg9 : memref<64x128xf32, #tpu.memory_space<vmem>>) target(%dma_start3A_109 : memref<64x128xf32, #tpu.memory_space<vmem_shared>>) target_semaphore(%arg12 : memref<!tpu.dma_semaphore, #tpu.memory_space<semaphore_mem>>)
      %mul3A_110 = arith.constant 640 : i32
      %mul3A_111 = arith.muli %arg1, %mul3A_110 : i32
      %add3A_112 = arith.constant 384 : i32
      %add3A_113 = arith.addi %mul3A_111, %add3A_112 : i32
      %dma_start3A_114 = arith.constant 0 : i32
      %dma_start3A_115 = tpu.memref_slice %arg10[%add3A_113, %dma_start3A_114] : memref<10240x128xf32, #tpu.memory_space<vmem_shared>> -> memref<64x128xf32, #tpu.memory_space<vmem_shared>>
      %dma_start3A_116 = arith.constant 0 : i32
      %dma_start3A_117 = tpu.memref_slice %arg10[%add3A_113, %dma_start3A_116] : memref<10240x128xf32, #tpu.memory_space<vmem_shared>> -> memref<64x128xf32, #tpu.memory_space<vmem_shared>>
      tpu.enqueue_dma source(%arg9 : memref<64x128xf32, #tpu.memory_space<vmem>>) target(%dma_start3A_117 : memref<64x128xf32, #tpu.memory_space<vmem_shared>>) target_semaphore(%arg12 : memref<!tpu.dma_semaphore, #tpu.memory_space<semaphore_mem>>)
      %mul3A_118 = arith.constant 640 : i32
      %mul3A_119 = arith.muli %arg1, %mul3A_118 : i32
      %add3A_120 = arith.constant 448 : i32
      %add3A_121 = arith.addi %mul3A_119, %add3A_120 : i32
      %dma_start3A_122 = arith.constant 0 : i32
      %dma_start3A_123 = tpu.memref_slice %arg10[%add3A_121, %dma_start3A_122] : memref<10240x128xf32, #tpu.memory_space<vmem_shared>> -> memref<64x128xf32, #tpu.memory_space<vmem_shared>>
      %dma_start3A_124 = arith.constant 0 : i32
      %dma_start3A_125 = tpu.memref_slice %arg10[%add3A_121, %dma_start3A_124] : memref<10240x128xf32, #tpu.memory_space<vmem_shared>> -> memref<64x128xf32, #tpu.memory_space<vmem_shared>>
      tpu.enqueue_dma source(%arg9 : memref<64x128xf32, #tpu.memory_space<vmem>>) target(%dma_start3A_125 : memref<64x128xf32, #tpu.memory_space<vmem_shared>>) target_semaphore(%arg12 : memref<!tpu.dma_semaphore, #tpu.memory_space<semaphore_mem>>)
      %mul3A_126 = arith.constant 640 : i32
      %mul3A_127 = arith.muli %arg1, %mul3A_126 : i32
      %add3A_128 = arith.constant 512 : i32
      %add3A_129 = arith.addi %mul3A_127, %add3A_128 : i32
      %dma_start3A_130 = arith.constant 0 : i32
      %dma_start3A_131 = tpu.memref_slice %arg10[%add3A_129, %dma_start3A_130] : memref<10240x128xf32, #tpu.memory_space<vmem_shared>> -> memref<64x128xf32, #tpu.memory_space<vmem_shared>>
      %dma_start3A_132 = arith.constant 0 : i32
      %dma_start3A_133 = tpu.memref_slice %arg10[%add3A_129, %dma_start3A_132] : memref<10240x128xf32, #tpu.memory_space<vmem_shared>> -> memref<64x128xf32, #tpu.memory_space<vmem_shared>>
      tpu.enqueue_dma source(%arg9 : memref<64x128xf32, #tpu.memory_space<vmem>>) target(%dma_start3A_133 : memref<64x128xf32, #tpu.memory_space<vmem_shared>>) target_semaphore(%arg12 : memref<!tpu.dma_semaphore, #tpu.memory_space<semaphore_mem>>)
      %mul3A_134 = arith.constant 640 : i32
      %mul3A_135 = arith.muli %arg1, %mul3A_134 : i32
      %add3A_136 = arith.constant 576 : i32
      %add3A_137 = arith.addi %mul3A_135, %add3A_136 : i32
      %dma_start3A_138 = arith.constant 0 : i32
      %dma_start3A_139 = tpu.memref_slice %arg10[%add3A_137, %dma_start3A_138] : memref<10240x128xf32, #tpu.memory_space<vmem_shared>> -> memref<64x128xf32, #tpu.memory_space<vmem_shared>>
      %dma_start3A_140 = arith.constant 0 : i32
      %dma_start3A_141 = tpu.memref_slice %arg10[%add3A_137, %dma_start3A_140] : memref<10240x128xf32, #tpu.memory_space<vmem_shared>> -> memref<64x128xf32, #tpu.memory_space<vmem_shared>>
      tpu.enqueue_dma source(%arg9 : memref<64x128xf32, #tpu.memory_space<vmem>>) target(%dma_start3A_141 : memref<64x128xf32, #tpu.memory_space<vmem_shared>>) target_semaphore(%arg12 : memref<!tpu.dma_semaphore, #tpu.memory_space<semaphore_mem>>)
    } else {
    }
    %run_scoped3A = arith.constant 0 : i32
    "tpu.region"() ({
      %run_scoped3A_55 = tpu.sem_alloc : memref<!tpu.dma_semaphore, #tpu.memory_space<semaphore_mem>>
      %dma_start3A_56 = arith.constant 0 : i32
      %dma_start3A_57 = arith.constant 0 : i32
      %dma_start3A_58 = tpu.memref_slice %arg6[%run_scoped3A, %dma_start3A_56, %dma_start3A_57] : memref<2x16x125xi32, #tpu.memory_space<vmem>> -> memref<1x16x125xi32, #tpu.memory_space<vmem>>
      %dma_start3A_59 = tpu.memref_squeeze %dma_start3A_58 : memref<1x16x125xi32, #tpu.memory_space<vmem>> -> memref<16x125xi32, #tpu.memory_space<vmem>>
      %dma_start3A_60 = arith.constant 0 : i32
      %dma_start3A_61 = arith.constant 0 : i32
      %dma_start3A_62 = tpu.memref_slice %arg3[%add3A, %dma_start3A_60, %dma_start3A_61] : memref<32x80x125xi32, #tpu.memory_space<hbm>> -> memref<1x16x125xi32, #tpu.memory_space<hbm>>
      %dma_start3A_63 = tpu.memref_squeeze %dma_start3A_62 : memref<1x16x125xi32, #tpu.memory_space<hbm>> -> memref<16x125xi32, #tpu.memory_space<hbm>>
      %dma_start3A_64 = arith.constant 0 : i32
      %dma_start3A_65 = arith.constant 0 : i32
      %dma_start3A_66 = tpu.memref_slice %arg6[%run_scoped3A, %dma_start3A_64, %dma_start3A_65] : memref<2x16x125xi32, #tpu.memory_space<vmem>> -> memref<1x16x125xi32, #tpu.memory_space<vmem>>
      %dma_start3A_67 = tpu.memref_squeeze %dma_start3A_66 : memref<1x16x125xi32, #tpu.memory_space<vmem>> -> memref<16x125xi32, #tpu.memory_space<vmem>>
      %dma_start3A_68 = arith.constant 0 : i32
      %dma_start3A_69 = arith.constant 0 : i32
      %dma_start3A_70 = tpu.memref_slice %arg3[%add3A, %dma_start3A_68, %dma_start3A_69] : memref<32x80x125xi32, #tpu.memory_space<hbm>> -> memref<1x16x125xi32, #tpu.memory_space<hbm>>
      %dma_start3A_71 = tpu.memref_squeeze %dma_start3A_70 : memref<1x16x125xi32, #tpu.memory_space<hbm>> -> memref<16x125xi32, #tpu.memory_space<hbm>>
      tpu.enqueue_dma source(%dma_start3A_71 : memref<16x125xi32, #tpu.memory_space<hbm>>) target(%dma_start3A_67 : memref<16x125xi32, #tpu.memory_space<vmem>>) target_semaphore(%run_scoped3A_55 : memref<!tpu.dma_semaphore, #tpu.memory_space<semaphore_mem>>)
      %dma_wait3A_72 = arith.constant 0 : i32
      %dma_wait3A_73 = arith.constant 0 : i32
      %dma_wait3A_74 = tpu.memref_slice %arg6[%run_scoped3A, %dma_wait3A_72, %dma_wait3A_73] : memref<2x16x125xi32, #tpu.memory_space<vmem>> -> memref<1x16x125xi32, #tpu.memory_space<vmem>>
      %dma_wait3A_75 = tpu.memref_squeeze %dma_wait3A_74 : memref<1x16x125xi32, #tpu.memory_space<vmem>> -> memref<16x125xi32, #tpu.memory_space<vmem>>
      %dma_wait3A_76 = arith.constant 0 : i32
      %dma_wait3A_77 = arith.constant 0 : i32
      %dma_wait3A_78 = tpu.memref_slice %arg3[%add3A, %dma_wait3A_76, %dma_wait3A_77] : memref<32x80x125xi32, #tpu.memory_space<hbm>> -> memref<1x16x125xi32, #tpu.memory_space<hbm>>
      %dma_wait3A_79 = tpu.memref_squeeze %dma_wait3A_78 : memref<1x16x125xi32, #tpu.memory_space<hbm>> -> memref<16x125xi32, #tpu.memory_space<hbm>>
      %dma_wait3A_80 = arith.constant 0 : i32
      %dma_wait3A_81 = arith.constant 0 : i32
      %dma_wait3A_82 = tpu.memref_slice %arg6[%run_scoped3A, %dma_wait3A_80, %dma_wait3A_81] : memref<2x16x125xi32, #tpu.memory_space<vmem>> -> memref<1x16x125xi32, #tpu.memory_space<vmem>>
      %dma_wait3A_83 = tpu.memref_squeeze %dma_wait3A_82 : memref<1x16x125xi32, #tpu.memory_space<vmem>> -> memref<16x125xi32, #tpu.memory_space<vmem>>
      %dma_wait3A_84 = arith.constant 0 : i32
      %dma_wait3A_85 = arith.constant 0 : i32
      %dma_wait3A_86 = tpu.memref_slice %arg3[%add3A, %dma_wait3A_84, %dma_wait3A_85] : memref<32x80x125xi32, #tpu.memory_space<hbm>> -> memref<1x16x125xi32, #tpu.memory_space<hbm>>
      %dma_wait3A_87 = tpu.memref_squeeze %dma_wait3A_86 : memref<1x16x125xi32, #tpu.memory_space<hbm>> -> memref<16x125xi32, #tpu.memory_space<hbm>>
      tpu.wait_dma2 semaphore(%run_scoped3A_55 : memref<!tpu.dma_semaphore, #tpu.memory_space<semaphore_mem>>) src(%dma_wait3A_87 : memref<16x125xi32, #tpu.memory_space<hbm>>) dst(%dma_wait3A_83 : memref<16x125xi32, #tpu.memory_space<vmem>>)
      tpu.yield
    }) : () -> ()
    %run_scoped3A_8 = arith.constant 0 : i32
    "tpu.region"() ({
      %run_scoped3A_55 = tpu.sem_alloc : memref<!tpu.dma_semaphore, #tpu.memory_space<semaphore_mem>>
      %dma_start3A_56 = arith.constant 0 : i32
      %dma_start3A_57 = arith.constant 0 : i32
      %dma_start3A_58 = tpu.memref_slice %arg7[%run_scoped3A_8, %dma_start3A_56, %dma_start3A_57] : memref<2x16x125xi32, #tpu.memory_space<vmem>> -> memref<1x16x125xi32, #tpu.memory_space<vmem>>
      %dma_start3A_59 = tpu.memref_squeeze %dma_start3A_58 : memref<1x16x125xi32, #tpu.memory_space<vmem>> -> memref<16x125xi32, #tpu.memory_space<vmem>>
      %dma_start3A_60 = arith.constant 0 : i32
      %dma_start3A_61 = arith.constant 0 : i32
      %dma_start3A_62 = tpu.memref_slice %arg4[%add3A, %dma_start3A_60, %dma_start3A_61] : memref<32x80x125xi32, #tpu.memory_space<hbm>> -> memref<1x16x125xi32, #tpu.memory_space<hbm>>
      %dma_start3A_63 = tpu.memref_squeeze %dma_start3A_62 : memref<1x16x125xi32, #tpu.memory_space<hbm>> -> memref<16x125xi32, #tpu.memory_space<hbm>>
      %dma_start3A_64 = arith.constant 0 : i32
      %dma_start3A_65 = arith.constant 0 : i32
      %dma_start3A_66 = tpu.memref_slice %arg7[%run_scoped3A_8, %dma_start3A_64, %dma_start3A_65] : memref<2x16x125xi32, #tpu.memory_space<vmem>> -> memref<1x16x125xi32, #tpu.memory_space<vmem>>
      %dma_start3A_67 = tpu.memref_squeeze %dma_start3A_66 : memref<1x16x125xi32, #tpu.memory_space<vmem>> -> memref<16x125xi32, #tpu.memory_space<vmem>>
      %dma_start3A_68 = arith.constant 0 : i32
      %dma_start3A_69 = arith.constant 0 : i32
      %dma_start3A_70 = tpu.memref_slice %arg4[%add3A, %dma_start3A_68, %dma_start3A_69] : memref<32x80x125xi32, #tpu.memory_space<hbm>> -> memref<1x16x125xi32, #tpu.memory_space<hbm>>
      %dma_start3A_71 = tpu.memref_squeeze %dma_start3A_70 : memref<1x16x125xi32, #tpu.memory_space<hbm>> -> memref<16x125xi32, #tpu.memory_space<hbm>>
      tpu.enqueue_dma source(%dma_start3A_71 : memref<16x125xi32, #tpu.memory_space<hbm>>) target(%dma_start3A_67 : memref<16x125xi32, #tpu.memory_space<vmem>>) target_semaphore(%run_scoped3A_55 : memref<!tpu.dma_semaphore, #tpu.memory_space<semaphore_mem>>)
      %dma_wait3A_72 = arith.constant 0 : i32
      %dma_wait3A_73 = arith.constant 0 : i32
      %dma_wait3A_74 = tpu.memref_slice %arg7[%run_scoped3A_8, %dma_wait3A_72, %dma_wait3A_73] : memref<2x16x125xi32, #tpu.memory_space<vmem>> -> memref<1x16x125xi32, #tpu.memory_space<vmem>>
      %dma_wait3A_75 = tpu.memref_squeeze %dma_wait3A_74 : memref<1x16x125xi32, #tpu.memory_space<vmem>> -> memref<16x125xi32, #tpu.memory_space<vmem>>
      %dma_wait3A_76 = arith.constant 0 : i32
      %dma_wait3A_77 = arith.constant 0 : i32
      %dma_wait3A_78 = tpu.memref_slice %arg4[%add3A, %dma_wait3A_76, %dma_wait3A_77] : memref<32x80x125xi32, #tpu.memory_space<hbm>> -> memref<1x16x125xi32, #tpu.memory_space<hbm>>
      %dma_wait3A_79 = tpu.memref_squeeze %dma_wait3A_78 : memref<1x16x125xi32, #tpu.memory_space<hbm>> -> memref<16x125xi32, #tpu.memory_space<hbm>>
      %dma_wait3A_80 = arith.constant 0 : i32
      %dma_wait3A_81 = arith.constant 0 : i32
      %dma_wait3A_82 = tpu.memref_slice %arg7[%run_scoped3A_8, %dma_wait3A_80, %dma_wait3A_81] : memref<2x16x125xi32, #tpu.memory_space<vmem>> -> memref<1x16x125xi32, #tpu.memory_space<vmem>>
      %dma_wait3A_83 = tpu.memref_squeeze %dma_wait3A_82 : memref<1x16x125xi32, #tpu.memory_space<vmem>> -> memref<16x125xi32, #tpu.memory_space<vmem>>
      %dma_wait3A_84 = arith.constant 0 : i32
      %dma_wait3A_85 = arith.constant 0 : i32
      %dma_wait3A_86 = tpu.memref_slice %arg4[%add3A, %dma_wait3A_84, %dma_wait3A_85] : memref<32x80x125xi32, #tpu.memory_space<hbm>> -> memref<1x16x125xi32, #tpu.memory_space<hbm>>
      %dma_wait3A_87 = tpu.memref_squeeze %dma_wait3A_86 : memref<1x16x125xi32, #tpu.memory_space<hbm>> -> memref<16x125xi32, #tpu.memory_space<hbm>>
      tpu.wait_dma2 semaphore(%run_scoped3A_55 : memref<!tpu.dma_semaphore, #tpu.memory_space<semaphore_mem>>) src(%dma_wait3A_87 : memref<16x125xi32, #tpu.memory_space<hbm>>) dst(%dma_wait3A_83 : memref<16x125xi32, #tpu.memory_space<vmem>>)
      tpu.yield
    }) : () -> ()
    %dma_start3A = arith.constant 0 : i32
    %dma_start3A_9 = arith.constant 0 : i32
    %dma_start3A_10 = arith.constant 0 : i32
    %dma_start3A_11 = arith.constant 0 : i32
    %dma_start3A_12 = arith.constant 0 : i32
    %dma_start3A_13 = tpu.memref_slice %arg8[%dma_start3A_10, %dma_start3A_11, %dma_start3A_12] : memref<2x125x128xf32, #tpu.memory_space<vmem>> -> memref<1x125x128xf32, #tpu.memory_space<vmem>>
    %dma_start3A_14 = tpu.memref_squeeze %dma_start3A_13 : memref<1x125x128xf32, #tpu.memory_space<vmem>> -> memref<125x128xf32, #tpu.memory_space<vmem>>
    %dma_start3A_15 = arith.constant 0 : i32
    %dma_start3A_16 = tpu.memref_slice %arg6[%dma_start3A, %dma_start3A_9, %dma_start3A_15] : memref<2x16x125xi32, #tpu.memory_space<vmem>> -> memref<1x1x125xi32, #tpu.memory_space<vmem>>
    %dma_start3A_17 = tpu.memref_squeeze %dma_start3A_16 : memref<1x1x125xi32, #tpu.memory_space<vmem>> -> memref<125xi32, #tpu.memory_space<vmem>>
    %dma_start3A_18 = arith.constant 0 : i32
    %dma_start3A_19 = arith.constant 0 : i32
    %dma_start3A_20 = tpu.memref_slice %arg2[%dma_start3A_18, %dma_start3A_19] : memref<10000x128xf32, #tpu.memory_space<hbm>> -> memref<10000x128xf32, #tpu.memory_space<hbm>>
    tpu.enqueue_indirect_dma source(%dma_start3A_20 : memref<10000x128xf32, #tpu.memory_space<hbm>>) target(%dma_start3A_14 : memref<125x128xf32, #tpu.memory_space<vmem>>) offsets(%dma_start3A_17 : memref<125xi32, #tpu.memory_space<vmem>>) semaphore(%arg11 : memref<!tpu.dma_semaphore, #tpu.memory_space<semaphore_mem>>)
    %eq3A_21 = arith.constant 0 : i32
    %eq3A_22 = arith.cmpi eq, %arg0, %eq3A_21 : i32
    %convert_element_type3A_23 = arith.extui %eq3A_22 : i1 to i32
    %cond3A_24 = arith.constant 0 : i32
    %cond3A_25 = arith.cmpi ne, %convert_element_type3A_23, %cond3A_24 : i32
    scf.if %cond3A_25 {
      %lt3A = arith.constant 15 : i32
      %lt3A_55 = arith.cmpi slt, %arg1, %lt3A : i32
      %convert_element_type3A_56 = arith.extui %lt3A_55 : i1 to i32
      %cond3A_57 = arith.constant 0 : i32
      %cond3A_58 = arith.cmpi ne, %convert_element_type3A_56, %cond3A_57 : i32
      scf.if %cond3A_58 {
        %mul3A_64 = arith.constant 640 : i32
        %mul3A_65 = arith.muli %arg1, %mul3A_64 : i32
        %mul3A_66 = arith.constant 640 : i32
        %mul3A_67 = arith.muli %arg1, %mul3A_66 : i32
        %dma_wait3A_68 = arith.constant 0 : i32
        %dma_wait3A_69 = tpu.memref_slice %arg10[%mul3A_67, %dma_wait3A_68] : memref<10240x128xf32, #tpu.memory_space<vmem_shared>> -> memref<640x128xf32, #tpu.memory_space<vmem_shared>>
        %dma_wait3A_70 = arith.constant 0 : i32
        %dma_wait3A_71 = tpu.memref_slice %arg2[%mul3A_65, %dma_wait3A_70] : memref<10000x128xf32, #tpu.memory_space<hbm>> -> memref<640x128xf32, #tpu.memory_space<hbm>>
        tpu.wait_dma2 semaphore(%arg12 : memref<!tpu.dma_semaphore, #tpu.memory_space<semaphore_mem>>) src(%dma_wait3A_71 : memref<640x128xf32, #tpu.memory_space<hbm>>) dst(%dma_wait3A_69 : memref<640x128xf32, #tpu.memory_space<vmem_shared>>)
      } else {
      }
      %eq3A_59 = arith.constant 15 : i32
      %eq3A_60 = arith.cmpi eq, %arg1, %eq3A_59 : i32
      %convert_element_type3A_61 = arith.extui %eq3A_60 : i1 to i32
      %cond3A_62 = arith.constant 0 : i32
      %cond3A_63 = arith.cmpi ne, %convert_element_type3A_61, %cond3A_62 : i32
      scf.if %cond3A_63 {
        %dma_wait3A_64 = arith.constant 9600 : i32
        %dma_wait3A_65 = arith.constant 0 : i32
        %dma_wait3A_66 = tpu.memref_slice %arg10[%dma_wait3A_64, %dma_wait3A_65] : memref<10240x128xf32, #tpu.memory_space<vmem_shared>> -> memref<400x128xf32, #tpu.memory_space<vmem_shared>>
        %dma_wait3A_67 = arith.constant 9600 : i32
        %dma_wait3A_68 = arith.constant 0 : i32
        %dma_wait3A_69 = tpu.memref_slice %arg2[%dma_wait3A_67, %dma_wait3A_68] : memref<10000x128xf32, #tpu.memory_space<hbm>> -> memref<400x128xf32, #tpu.memory_space<hbm>>
        tpu.wait_dma2 semaphore(%arg12 : memref<!tpu.dma_semaphore, #tpu.memory_space<semaphore_mem>>) src(%dma_wait3A_69 : memref<400x128xf32, #tpu.memory_space<hbm>>) dst(%dma_wait3A_66 : memref<400x128xf32, #tpu.memory_space<vmem_shared>>)
      } else {
      }
    } else {
    }
    %eq3A_26 = arith.constant 1 : i32
    %eq3A_27 = arith.cmpi eq, %arg0, %eq3A_26 : i32
    %convert_element_type3A_28 = arith.extui %eq3A_27 : i1 to i32
    %cond3A_29 = arith.constant 0 : i32
    %cond3A_30 = arith.cmpi ne, %convert_element_type3A_28, %cond3A_29 : i32
    scf.if %cond3A_30 {
      %mul3A_55 = arith.constant 640 : i32
      %mul3A_56 = arith.muli %arg1, %mul3A_55 : i32
      %add3A_57 = arith.constant 0 : i32
      %add3A_58 = arith.addi %mul3A_56, %add3A_57 : i32
      %dma_wait3A_59 = arith.constant 0 : i32
      %dma_wait3A_60 = tpu.memref_slice %arg10[%add3A_58, %dma_wait3A_59] : memref<10240x128xf32, #tpu.memory_space<vmem_shared>> -> memref<64x128xf32, #tpu.memory_space<vmem_shared>>
      %dma_wait3A_61 = arith.constant 0 : i32
      %dma_wait3A_62 = tpu.memref_slice %arg10[%add3A_58, %dma_wait3A_61] : memref<10240x128xf32, #tpu.memory_space<vmem_shared>> -> memref<64x128xf32, #tpu.memory_space<vmem_shared>>
      tpu.wait_dma2 semaphore(%arg12 : memref<!tpu.dma_semaphore, #tpu.memory_space<semaphore_mem>>) src(%arg9 : memref<64x128xf32, #tpu.memory_space<vmem>>) dst(%dma_wait3A_62 : memref<64x128xf32, #tpu.memory_space<vmem_shared>>)
      %mul3A_63 = arith.constant 640 : i32
      %mul3A_64 = arith.muli %arg1, %mul3A_63 : i32
      %add3A_65 = arith.constant 64 : i32
      %add3A_66 = arith.addi %mul3A_64, %add3A_65 : i32
      %dma_wait3A_67 = arith.constant 0 : i32
      %dma_wait3A_68 = tpu.memref_slice %arg10[%add3A_66, %dma_wait3A_67] : memref<10240x128xf32, #tpu.memory_space<vmem_shared>> -> memref<64x128xf32, #tpu.memory_space<vmem_shared>>
      %dma_wait3A_69 = arith.constant 0 : i32
      %dma_wait3A_70 = tpu.memref_slice %arg10[%add3A_66, %dma_wait3A_69] : memref<10240x128xf32, #tpu.memory_space<vmem_shared>> -> memref<64x128xf32, #tpu.memory_space<vmem_shared>>
      tpu.wait_dma2 semaphore(%arg12 : memref<!tpu.dma_semaphore, #tpu.memory_space<semaphore_mem>>) src(%arg9 : memref<64x128xf32, #tpu.memory_space<vmem>>) dst(%dma_wait3A_70 : memref<64x128xf32, #tpu.memory_space<vmem_shared>>)
      %mul3A_71 = arith.constant 640 : i32
      %mul3A_72 = arith.muli %arg1, %mul3A_71 : i32
      %add3A_73 = arith.constant 128 : i32
      %add3A_74 = arith.addi %mul3A_72, %add3A_73 : i32
      %dma_wait3A_75 = arith.constant 0 : i32
      %dma_wait3A_76 = tpu.memref_slice %arg10[%add3A_74, %dma_wait3A_75] : memref<10240x128xf32, #tpu.memory_space<vmem_shared>> -> memref<64x128xf32, #tpu.memory_space<vmem_shared>>
      %dma_wait3A_77 = arith.constant 0 : i32
      %dma_wait3A_78 = tpu.memref_slice %arg10[%add3A_74, %dma_wait3A_77] : memref<10240x128xf32, #tpu.memory_space<vmem_shared>> -> memref<64x128xf32, #tpu.memory_space<vmem_shared>>
      tpu.wait_dma2 semaphore(%arg12 : memref<!tpu.dma_semaphore, #tpu.memory_space<semaphore_mem>>) src(%arg9 : memref<64x128xf32, #tpu.memory_space<vmem>>) dst(%dma_wait3A_78 : memref<64x128xf32, #tpu.memory_space<vmem_shared>>)
      %mul3A_79 = arith.constant 640 : i32
      %mul3A_80 = arith.muli %arg1, %mul3A_79 : i32
      %add3A_81 = arith.constant 192 : i32
      %add3A_82 = arith.addi %mul3A_80, %add3A_81 : i32
      %dma_wait3A_83 = arith.constant 0 : i32
      %dma_wait3A_84 = tpu.memref_slice %arg10[%add3A_82, %dma_wait3A_83] : memref<10240x128xf32, #tpu.memory_space<vmem_shared>> -> memref<64x128xf32, #tpu.memory_space<vmem_shared>>
      %dma_wait3A_85 = arith.constant 0 : i32
      %dma_wait3A_86 = tpu.memref_slice %arg10[%add3A_82, %dma_wait3A_85] : memref<10240x128xf32, #tpu.memory_space<vmem_shared>> -> memref<64x128xf32, #tpu.memory_space<vmem_shared>>
      tpu.wait_dma2 semaphore(%arg12 : memref<!tpu.dma_semaphore, #tpu.memory_space<semaphore_mem>>) src(%arg9 : memref<64x128xf32, #tpu.memory_space<vmem>>) dst(%dma_wait3A_86 : memref<64x128xf32, #tpu.memory_space<vmem_shared>>)
      %mul3A_87 = arith.constant 640 : i32
      %mul3A_88 = arith.muli %arg1, %mul3A_87 : i32
      %add3A_89 = arith.constant 256 : i32
      %add3A_90 = arith.addi %mul3A_88, %add3A_89 : i32
      %dma_wait3A_91 = arith.constant 0 : i32
      %dma_wait3A_92 = tpu.memref_slice %arg10[%add3A_90, %dma_wait3A_91] : memref<10240x128xf32, #tpu.memory_space<vmem_shared>> -> memref<64x128xf32, #tpu.memory_space<vmem_shared>>
      %dma_wait3A_93 = arith.constant 0 : i32
      %dma_wait3A_94 = tpu.memref_slice %arg10[%add3A_90, %dma_wait3A_93] : memref<10240x128xf32, #tpu.memory_space<vmem_shared>> -> memref<64x128xf32, #tpu.memory_space<vmem_shared>>
      tpu.wait_dma2 semaphore(%arg12 : memref<!tpu.dma_semaphore, #tpu.memory_space<semaphore_mem>>) src(%arg9 : memref<64x128xf32, #tpu.memory_space<vmem>>) dst(%dma_wait3A_94 : memref<64x128xf32, #tpu.memory_space<vmem_shared>>)
      %mul3A_95 = arith.constant 640 : i32
      %mul3A_96 = arith.muli %arg1, %mul3A_95 : i32
      %add3A_97 = arith.constant 320 : i32
      %add3A_98 = arith.addi %mul3A_96, %add3A_97 : i32
      %dma_wait3A_99 = arith.constant 0 : i32
      %dma_wait3A_100 = tpu.memref_slice %arg10[%add3A_98, %dma_wait3A_99] : memref<10240x128xf32, #tpu.memory_space<vmem_shared>> -> memref<64x128xf32, #tpu.memory_space<vmem_shared>>
      %dma_wait3A_101 = arith.constant 0 : i32
      %dma_wait3A_102 = tpu.memref_slice %arg10[%add3A_98, %dma_wait3A_101] : memref<10240x128xf32, #tpu.memory_space<vmem_shared>> -> memref<64x128xf32, #tpu.memory_space<vmem_shared>>
      tpu.wait_dma2 semaphore(%arg12 : memref<!tpu.dma_semaphore, #tpu.memory_space<semaphore_mem>>) src(%arg9 : memref<64x128xf32, #tpu.memory_space<vmem>>) dst(%dma_wait3A_102 : memref<64x128xf32, #tpu.memory_space<vmem_shared>>)
      %mul3A_103 = arith.constant 640 : i32
      %mul3A_104 = arith.muli %arg1, %mul3A_103 : i32
      %add3A_105 = arith.constant 384 : i32
      %add3A_106 = arith.addi %mul3A_104, %add3A_105 : i32
      %dma_wait3A_107 = arith.constant 0 : i32
      %dma_wait3A_108 = tpu.memref_slice %arg10[%add3A_106, %dma_wait3A_107] : memref<10240x128xf32, #tpu.memory_space<vmem_shared>> -> memref<64x128xf32, #tpu.memory_space<vmem_shared>>
      %dma_wait3A_109 = arith.constant 0 : i32
      %dma_wait3A_110 = tpu.memref_slice %arg10[%add3A_106, %dma_wait3A_109] : memref<10240x128xf32, #tpu.memory_space<vmem_shared>> -> memref<64x128xf32, #tpu.memory_space<vmem_shared>>
      tpu.wait_dma2 semaphore(%arg12 : memref<!tpu.dma_semaphore, #tpu.memory_space<semaphore_mem>>) src(%arg9 : memref<64x128xf32, #tpu.memory_space<vmem>>) dst(%dma_wait3A_110 : memref<64x128xf32, #tpu.memory_space<vmem_shared>>)
      %mul3A_111 = arith.constant 640 : i32
      %mul3A_112 = arith.muli %arg1, %mul3A_111 : i32
      %add3A_113 = arith.constant 448 : i32
      %add3A_114 = arith.addi %mul3A_112, %add3A_113 : i32
      %dma_wait3A_115 = arith.constant 0 : i32
      %dma_wait3A_116 = tpu.memref_slice %arg10[%add3A_114, %dma_wait3A_115] : memref<10240x128xf32, #tpu.memory_space<vmem_shared>> -> memref<64x128xf32, #tpu.memory_space<vmem_shared>>
      %dma_wait3A_117 = arith.constant 0 : i32
      %dma_wait3A_118 = tpu.memref_slice %arg10[%add3A_114, %dma_wait3A_117] : memref<10240x128xf32, #tpu.memory_space<vmem_shared>> -> memref<64x128xf32, #tpu.memory_space<vmem_shared>>
      tpu.wait_dma2 semaphore(%arg12 : memref<!tpu.dma_semaphore, #tpu.memory_space<semaphore_mem>>) src(%arg9 : memref<64x128xf32, #tpu.memory_space<vmem>>) dst(%dma_wait3A_118 : memref<64x128xf32, #tpu.memory_space<vmem_shared>>)
      %mul3A_119 = arith.constant 640 : i32
      %mul3A_120 = arith.muli %arg1, %mul3A_119 : i32
      %add3A_121 = arith.constant 512 : i32
      %add3A_122 = arith.addi %mul3A_120, %add3A_121 : i32
      %dma_wait3A_123 = arith.constant 0 : i32
      %dma_wait3A_124 = tpu.memref_slice %arg10[%add3A_122, %dma_wait3A_123] : memref<10240x128xf32, #tpu.memory_space<vmem_shared>> -> memref<64x128xf32, #tpu.memory_space<vmem_shared>>
      %dma_wait3A_125 = arith.constant 0 : i32
      %dma_wait3A_126 = tpu.memref_slice %arg10[%add3A_122, %dma_wait3A_125] : memref<10240x128xf32, #tpu.memory_space<vmem_shared>> -> memref<64x128xf32, #tpu.memory_space<vmem_shared>>
      tpu.wait_dma2 semaphore(%arg12 : memref<!tpu.dma_semaphore, #tpu.memory_space<semaphore_mem>>) src(%arg9 : memref<64x128xf32, #tpu.memory_space<vmem>>) dst(%dma_wait3A_126 : memref<64x128xf32, #tpu.memory_space<vmem_shared>>)
      %mul3A_127 = arith.constant 640 : i32
      %mul3A_128 = arith.muli %arg1, %mul3A_127 : i32
      %add3A_129 = arith.constant 576 : i32
      %add3A_130 = arith.addi %mul3A_128, %add3A_129 : i32
      %dma_wait3A_131 = arith.constant 0 : i32
      %dma_wait3A_132 = tpu.memref_slice %arg10[%add3A_130, %dma_wait3A_131] : memref<10240x128xf32, #tpu.memory_space<vmem_shared>> -> memref<64x128xf32, #tpu.memory_space<vmem_shared>>
      %dma_wait3A_133 = arith.constant 0 : i32
      %dma_wait3A_134 = tpu.memref_slice %arg10[%add3A_130, %dma_wait3A_133] : memref<10240x128xf32, #tpu.memory_space<vmem_shared>> -> memref<64x128xf32, #tpu.memory_space<vmem_shared>>
      tpu.wait_dma2 semaphore(%arg12 : memref<!tpu.dma_semaphore, #tpu.memory_space<semaphore_mem>>) src(%arg9 : memref<64x128xf32, #tpu.memory_space<vmem>>) dst(%dma_wait3A_134 : memref<64x128xf32, #tpu.memory_space<vmem_shared>>)
    } else {
    }
    %barrier3A = arith.constant 0 : index
    tpu.barrier barrier_id(%barrier3A)
    %scan3A = arith.constant 0 : i32
    %scan3A_31 = arith.constant 0 : i32
    %scan3A_32 = arith.constant 80 : i32
    %scan3A_33 = arith.addi %scan3A_31, %scan3A_32 : i32
    %scan3A_34 = arith.constant 1 : i32
    %scan3A_35 = scf.for %scan3A_55 = %scan3A_31 to %scan3A_33 step %scan3A_34 iter_args(%scan3A_56 = %scan3A) -> (i32)  : i32 {
      %rem3A_57 = arith.constant 2 : i32
      %rem3A_58 = arith.remsi %scan3A_55, %rem3A_57 : i32
      %add3A_59 = arith.constant 1 : i32
      %add3A_60 = arith.addi %scan3A_55, %add3A_59 : i32
      %jit3A = arith.constant 16 : i32
      %div3A = arith.divsi %add3A_60, %jit3A : i32
      %sign3A = arith.constant 0 : i32
      %sign3A_61 = arith.cmpi sgt, %add3A_60, %sign3A : i32
      %sign3A_62 = arith.extui %sign3A_61 : i1 to i32
      %sign3A_63 = arith.constant 0 : i32
      %sign3A_64 = arith.cmpi slt, %add3A_60, %sign3A_63 : i32
      %sign3A_65 = arith.extui %sign3A_64 : i1 to i32
      %sign3A_66 = arith.subi %sign3A_62, %sign3A_65 : i32
      %sign3A_67 = arith.constant 0 : i32
      %sign3A_68 = arith.cmpi sgt, %jit3A, %sign3A_67 : i32
      %sign3A_69 = arith.extui %sign3A_68 : i1 to i32
      %sign3A_70 = arith.constant 0 : i32
      %sign3A_71 = arith.cmpi slt, %jit3A, %sign3A_70 : i32
      %sign3A_72 = arith.extui %sign3A_71 : i1 to i32
      %sign3A_73 = arith.subi %sign3A_69, %sign3A_72 : i32
      %ne3A = arith.cmpi ne, %sign3A_66, %sign3A_73 : i32
      %rem3A_74 = arith.remsi %add3A_60, %jit3A : i32
      %ne3A_75 = arith.constant 0 : i32
      %ne3A_76 = arith.cmpi ne, %rem3A_74, %ne3A_75 : i32
      %and3A = arith.andi %ne3A, %ne3A_76 : i1
      %sub3A = arith.constant 1 : i32
      %sub3A_77 = arith.subi %div3A, %sub3A : i32
      %select_n3A = arith.select %and3A, %sub3A_77, %div3A : i32
      %rem3A_78 = arith.constant 2 : i32
      %rem3A_79 = arith.remsi %select_n3A, %rem3A_78 : i32
      %rem3A_80 = arith.constant 16 : i32
      %rem3A_81 = arith.remsi %add3A_60, %rem3A_80 : i32
      %eq3A_82 = arith.constant 0 : i32
      %eq3A_83 = arith.cmpi eq, %rem3A_81, %eq3A_82 : i32
      %lt3A = arith.constant 80 : i32
      %lt3A_84 = arith.cmpi slt, %add3A_60, %lt3A : i32
      %and3A_85 = arith.andi %eq3A_83, %lt3A_84 : i1
      %convert_element_type3A_86 = arith.extui %and3A_85 : i1 to i32
      %cond3A_87 = arith.constant 0 : i32
      %cond3A_88 = arith.cmpi ne, %convert_element_type3A_86, %cond3A_87 : i32
      scf.if %cond3A_88 {
        %mul3A_149 = arith.constant 16 : i32
        %mul3A_150 = arith.muli %select_n3A, %mul3A_149 : i32
        "tpu.region"() ({
          %run_scoped3A_153 = tpu.sem_alloc : memref<!tpu.dma_semaphore, #tpu.memory_space<semaphore_mem>>
          %dma_start3A_154 = arith.constant 0 : i32
          %dma_start3A_155 = arith.constant 0 : i32
          %dma_start3A_156 = tpu.memref_slice %arg6[%rem3A_79, %dma_start3A_154, %dma_start3A_155] : memref<2x16x125xi32, #tpu.memory_space<vmem>> -> memref<1x16x125xi32, #tpu.memory_space<vmem>>
          %dma_start3A_157 = tpu.memref_squeeze %dma_start3A_156 : memref<1x16x125xi32, #tpu.memory_space<vmem>> -> memref<16x125xi32, #tpu.memory_space<vmem>>
          %dma_start3A_158 = arith.constant 0 : i32
          %dma_start3A_159 = tpu.memref_slice %arg3[%add3A, %mul3A_150, %dma_start3A_158] : memref<32x80x125xi32, #tpu.memory_space<hbm>> -> memref<1x16x125xi32, #tpu.memory_space<hbm>>
          %dma_start3A_160 = tpu.memref_squeeze %dma_start3A_159 : memref<1x16x125xi32, #tpu.memory_space<hbm>> -> memref<16x125xi32, #tpu.memory_space<hbm>>
          %dma_start3A_161 = arith.constant 0 : i32
          %dma_start3A_162 = arith.constant 0 : i32
          %dma_start3A_163 = tpu.memref_slice %arg6[%rem3A_79, %dma_start3A_161, %dma_start3A_162] : memref<2x16x125xi32, #tpu.memory_space<vmem>> -> memref<1x16x125xi32, #tpu.memory_space<vmem>>
          %dma_start3A_164 = tpu.memref_squeeze %dma_start3A_163 : memref<1x16x125xi32, #tpu.memory_space<vmem>> -> memref<16x125xi32, #tpu.memory_space<vmem>>
          %dma_start3A_165 = arith.constant 0 : i32
          %dma_start3A_166 = tpu.memref_slice %arg3[%add3A, %mul3A_150, %dma_start3A_165] : memref<32x80x125xi32, #tpu.memory_space<hbm>> -> memref<1x16x125xi32, #tpu.memory_space<hbm>>
          %dma_start3A_167 = tpu.memref_squeeze %dma_start3A_166 : memref<1x16x125xi32, #tpu.memory_space<hbm>> -> memref<16x125xi32, #tpu.memory_space<hbm>>
          tpu.enqueue_dma source(%dma_start3A_167 : memref<16x125xi32, #tpu.memory_space<hbm>>) target(%dma_start3A_164 : memref<16x125xi32, #tpu.memory_space<vmem>>) target_semaphore(%run_scoped3A_153 : memref<!tpu.dma_semaphore, #tpu.memory_space<semaphore_mem>>)
          %dma_wait3A_168 = arith.constant 0 : i32
          %dma_wait3A_169 = arith.constant 0 : i32
          %dma_wait3A_170 = tpu.memref_slice %arg6[%rem3A_79, %dma_wait3A_168, %dma_wait3A_169] : memref<2x16x125xi32, #tpu.memory_space<vmem>> -> memref<1x16x125xi32, #tpu.memory_space<vmem>>
          %dma_wait3A_171 = tpu.memref_squeeze %dma_wait3A_170 : memref<1x16x125xi32, #tpu.memory_space<vmem>> -> memref<16x125xi32, #tpu.memory_space<vmem>>
          %dma_wait3A_172 = arith.constant 0 : i32
          %dma_wait3A_173 = tpu.memref_slice %arg3[%add3A, %mul3A_150, %dma_wait3A_172] : memref<32x80x125xi32, #tpu.memory_space<hbm>> -> memref<1x16x125xi32, #tpu.memory_space<hbm>>
          %dma_wait3A_174 = tpu.memref_squeeze %dma_wait3A_173 : memref<1x16x125xi32, #tpu.memory_space<hbm>> -> memref<16x125xi32, #tpu.memory_space<hbm>>
          %dma_wait3A_175 = arith.constant 0 : i32
          %dma_wait3A_176 = arith.constant 0 : i32
          %dma_wait3A_177 = tpu.memref_slice %arg6[%rem3A_79, %dma_wait3A_175, %dma_wait3A_176] : memref<2x16x125xi32, #tpu.memory_space<vmem>> -> memref<1x16x125xi32, #tpu.memory_space<vmem>>
          %dma_wait3A_178 = tpu.memref_squeeze %dma_wait3A_177 : memref<1x16x125xi32, #tpu.memory_space<vmem>> -> memref<16x125xi32, #tpu.memory_space<vmem>>
          %dma_wait3A_179 = arith.constant 0 : i32
          %dma_wait3A_180 = tpu.memref_slice %arg3[%add3A, %mul3A_150, %dma_wait3A_179] : memref<32x80x125xi32, #tpu.memory_space<hbm>> -> memref<1x16x125xi32, #tpu.memory_space<hbm>>
          %dma_wait3A_181 = tpu.memref_squeeze %dma_wait3A_180 : memref<1x16x125xi32, #tpu.memory_space<hbm>> -> memref<16x125xi32, #tpu.memory_space<hbm>>
          tpu.wait_dma2 semaphore(%run_scoped3A_153 : memref<!tpu.dma_semaphore, #tpu.memory_space<semaphore_mem>>) src(%dma_wait3A_181 : memref<16x125xi32, #tpu.memory_space<hbm>>) dst(%dma_wait3A_178 : memref<16x125xi32, #tpu.memory_space<vmem>>)
          tpu.yield
        }) : () -> ()
        %mul3A_151 = arith.constant 16 : i32
        %mul3A_152 = arith.muli %select_n3A, %mul3A_151 : i32
        "tpu.region"() ({
          %run_scoped3A_153 = tpu.sem_alloc : memref<!tpu.dma_semaphore, #tpu.memory_space<semaphore_mem>>
          %dma_start3A_154 = arith.constant 0 : i32
          %dma_start3A_155 = arith.constant 0 : i32
          %dma_start3A_156 = tpu.memref_slice %arg7[%rem3A_79, %dma_start3A_154, %dma_start3A_155] : memref<2x16x125xi32, #tpu.memory_space<vmem>> -> memref<1x16x125xi32, #tpu.memory_space<vmem>>
          %dma_start3A_157 = tpu.memref_squeeze %dma_start3A_156 : memref<1x16x125xi32, #tpu.memory_space<vmem>> -> memref<16x125xi32, #tpu.memory_space<vmem>>
          %dma_start3A_158 = arith.constant 0 : i32
          %dma_start3A_159 = tpu.memref_slice %arg4[%add3A, %mul3A_152, %dma_start3A_158] : memref<32x80x125xi32, #tpu.memory_space<hbm>> -> memref<1x16x125xi32, #tpu.memory_space<hbm>>
          %dma_start3A_160 = tpu.memref_squeeze %dma_start3A_159 : memref<1x16x125xi32, #tpu.memory_space<hbm>> -> memref<16x125xi32, #tpu.memory_space<hbm>>
          %dma_start3A_161 = arith.constant 0 : i32
          %dma_start3A_162 = arith.constant 0 : i32
          %dma_start3A_163 = tpu.memref_slice %arg7[%rem3A_79, %dma_start3A_161, %dma_start3A_162] : memref<2x16x125xi32, #tpu.memory_space<vmem>> -> memref<1x16x125xi32, #tpu.memory_space<vmem>>
          %dma_start3A_164 = tpu.memref_squeeze %dma_start3A_163 : memref<1x16x125xi32, #tpu.memory_space<vmem>> -> memref<16x125xi32, #tpu.memory_space<vmem>>
          %dma_start3A_165 = arith.constant 0 : i32
          %dma_start3A_166 = tpu.memref_slice %arg4[%add3A, %mul3A_152, %dma_start3A_165] : memref<32x80x125xi32, #tpu.memory_space<hbm>> -> memref<1x16x125xi32, #tpu.memory_space<hbm>>
          %dma_start3A_167 = tpu.memref_squeeze %dma_start3A_166 : memref<1x16x125xi32, #tpu.memory_space<hbm>> -> memref<16x125xi32, #tpu.memory_space<hbm>>
          tpu.enqueue_dma source(%dma_start3A_167 : memref<16x125xi32, #tpu.memory_space<hbm>>) target(%dma_start3A_164 : memref<16x125xi32, #tpu.memory_space<vmem>>) target_semaphore(%run_scoped3A_153 : memref<!tpu.dma_semaphore, #tpu.memory_space<semaphore_mem>>)
          %dma_wait3A_168 = arith.constant 0 : i32
          %dma_wait3A_169 = arith.constant 0 : i32
          %dma_wait3A_170 = tpu.memref_slice %arg7[%rem3A_79, %dma_wait3A_168, %dma_wait3A_169] : memref<2x16x125xi32, #tpu.memory_space<vmem>> -> memref<1x16x125xi32, #tpu.memory_space<vmem>>
          %dma_wait3A_171 = tpu.memref_squeeze %dma_wait3A_170 : memref<1x16x125xi32, #tpu.memory_space<vmem>> -> memref<16x125xi32, #tpu.memory_space<vmem>>
          %dma_wait3A_172 = arith.constant 0 : i32
          %dma_wait3A_173 = tpu.memref_slice %arg4[%add3A, %mul3A_152, %dma_wait3A_172] : memref<32x80x125xi32, #tpu.memory_space<hbm>> -> memref<1x16x125xi32, #tpu.memory_space<hbm>>
          %dma_wait3A_174 = tpu.memref_squeeze %dma_wait3A_173 : memref<1x16x125xi32, #tpu.memory_space<hbm>> -> memref<16x125xi32, #tpu.memory_space<hbm>>
          %dma_wait3A_175 = arith.constant 0 : i32
          %dma_wait3A_176 = arith.constant 0 : i32
          %dma_wait3A_177 = tpu.memref_slice %arg7[%rem3A_79, %dma_wait3A_175, %dma_wait3A_176] : memref<2x16x125xi32, #tpu.memory_space<vmem>> -> memref<1x16x125xi32, #tpu.memory_space<vmem>>
          %dma_wait3A_178 = tpu.memref_squeeze %dma_wait3A_177 : memref<1x16x125xi32, #tpu.memory_space<vmem>> -> memref<16x125xi32, #tpu.memory_space<vmem>>
          %dma_wait3A_179 = arith.constant 0 : i32
          %dma_wait3A_180 = tpu.memref_slice %arg4[%add3A, %mul3A_152, %dma_wait3A_179] : memref<32x80x125xi32, #tpu.memory_space<hbm>> -> memref<1x16x125xi32, #tpu.memory_space<hbm>>
          %dma_wait3A_181 = tpu.memref_squeeze %dma_wait3A_180 : memref<1x16x125xi32, #tpu.memory_space<hbm>> -> memref<16x125xi32, #tpu.memory_space<hbm>>
          tpu.wait_dma2 semaphore(%run_scoped3A_153 : memref<!tpu.dma_semaphore, #tpu.memory_space<semaphore_mem>>) src(%dma_wait3A_181 : memref<16x125xi32, #tpu.memory_space<hbm>>) dst(%dma_wait3A_178 : memref<16x125xi32, #tpu.memory_space<vmem>>)
          tpu.yield
        }) : () -> ()
      } else {
      }
      %gt3A = arith.constant 0 : i32
      %gt3A_89 = arith.cmpi sgt, %scan3A_55, %gt3A : i32
      %convert_element_type3A_90 = arith.extui %gt3A_89 : i1 to i32
      %cond3A_91 = arith.constant 0 : i32
      %cond3A_92 = arith.cmpi ne, %convert_element_type3A_90, %cond3A_91 : i32
      scf.if %cond3A_92 {
        %sub3A_149 = arith.constant 1 : i32
        %sub3A_150 = arith.subi %sub3A_149, %rem3A_58 : i32
        %dma_wait3A_151 = arith.constant 0 : i32
        %dma_wait3A_152 = arith.constant 0 : i32
        %dma_wait3A_153 = tpu.memref_slice %arg8[%sub3A_150, %dma_wait3A_151, %dma_wait3A_152] : memref<2x125x128xf32, #tpu.memory_space<vmem>> -> memref<1x125x128xf32, #tpu.memory_space<vmem>>
        %dma_wait3A_154 = tpu.memref_squeeze %dma_wait3A_153 : memref<1x125x128xf32, #tpu.memory_space<vmem>> -> memref<125x128xf32, #tpu.memory_space<vmem>>
        %dma_wait3A_155 = arith.constant 0 : i32
        %dma_wait3A_156 = arith.constant 0 : i32
        %dma_wait3A_157 = tpu.memref_slice %arg10[%dma_wait3A_155, %dma_wait3A_156] : memref<10240x128xf32, #tpu.memory_space<vmem_shared>> -> memref<125x128xf32, #tpu.memory_space<vmem_shared>>
        %dma_wait3A_158 = arith.constant 0 : i32
        %dma_wait3A_159 = arith.constant 0 : i32
        %dma_wait3A_160 = tpu.memref_slice %arg10[%dma_wait3A_158, %dma_wait3A_159] : memref<10240x128xf32, #tpu.memory_space<vmem_shared>> -> memref<125x128xf32, #tpu.memory_space<vmem_shared>>
        %dma_wait3A_161 = arith.constant 0 : i32
        %dma_wait3A_162 = arith.constant 0 : i32
        %dma_wait3A_163 = tpu.memref_slice %arg8[%sub3A_150, %dma_wait3A_161, %dma_wait3A_162] : memref<2x125x128xf32, #tpu.memory_space<vmem>> -> memref<1x125x128xf32, #tpu.memory_space<vmem>>
        %dma_wait3A_164 = tpu.memref_squeeze %dma_wait3A_163 : memref<1x125x128xf32, #tpu.memory_space<vmem>> -> memref<125x128xf32, #tpu.memory_space<vmem>>
        tpu.wait_dma2 semaphore(%arg13 : memref<!tpu.dma_semaphore, #tpu.memory_space<semaphore_mem>>) src(%dma_wait3A_164 : memref<125x128xf32, #tpu.memory_space<vmem>>) dst(%dma_wait3A_160 : memref<125x128xf32, #tpu.memory_space<vmem_shared>>)
      } else {
      }
      %lt3A_93 = arith.constant 80 : i32
      %lt3A_94 = arith.cmpi slt, %add3A_60, %lt3A_93 : i32
      %convert_element_type3A_95 = arith.extui %lt3A_94 : i1 to i32
      %cond3A_96 = arith.constant 0 : i32
      %cond3A_97 = arith.cmpi ne, %convert_element_type3A_95, %cond3A_96 : i32
      scf.if %cond3A_97 {
        %rem3A_149 = arith.constant 16 : i32
        %rem3A_150 = arith.remsi %add3A_60, %rem3A_149 : i32
        %sub3A_151 = arith.constant 1 : i32
        %sub3A_152 = arith.subi %sub3A_151, %rem3A_58 : i32
        %dma_start3A_153 = arith.constant 0 : i32
        %dma_start3A_154 = arith.constant 0 : i32
        %dma_start3A_155 = tpu.memref_slice %arg8[%sub3A_152, %dma_start3A_153, %dma_start3A_154] : memref<2x125x128xf32, #tpu.memory_space<vmem>> -> memref<1x125x128xf32, #tpu.memory_space<vmem>>
        %dma_start3A_156 = tpu.memref_squeeze %dma_start3A_155 : memref<1x125x128xf32, #tpu.memory_space<vmem>> -> memref<125x128xf32, #tpu.memory_space<vmem>>
        %dma_start3A_157 = arith.constant 0 : i32
        %dma_start3A_158 = tpu.memref_slice %arg6[%rem3A_79, %rem3A_150, %dma_start3A_157] : memref<2x16x125xi32, #tpu.memory_space<vmem>> -> memref<1x1x125xi32, #tpu.memory_space<vmem>>
        %dma_start3A_159 = tpu.memref_squeeze %dma_start3A_158 : memref<1x1x125xi32, #tpu.memory_space<vmem>> -> memref<125xi32, #tpu.memory_space<vmem>>
        %dma_start3A_160 = arith.constant 0 : i32
        %dma_start3A_161 = arith.constant 0 : i32
        %dma_start3A_162 = tpu.memref_slice %arg2[%dma_start3A_160, %dma_start3A_161] : memref<10000x128xf32, #tpu.memory_space<hbm>> -> memref<10000x128xf32, #tpu.memory_space<hbm>>
        tpu.enqueue_indirect_dma source(%dma_start3A_162 : memref<10000x128xf32, #tpu.memory_space<hbm>>) target(%dma_start3A_156 : memref<125x128xf32, #tpu.memory_space<vmem>>) offsets(%dma_start3A_159 : memref<125xi32, #tpu.memory_space<vmem>>) semaphore(%arg11 : memref<!tpu.dma_semaphore, #tpu.memory_space<semaphore_mem>>)
      } else {
      }
      %dma_wait3A_98 = arith.constant 0 : i32
      %dma_wait3A_99 = arith.constant 0 : i32
      %dma_wait3A_100 = arith.constant 0 : i32
      %dma_wait3A_101 = arith.constant 0 : i32
      %dma_wait3A_102 = tpu.memref_slice %arg8[%rem3A_58, %dma_wait3A_100, %dma_wait3A_101] : memref<2x125x128xf32, #tpu.memory_space<vmem>> -> memref<1x125x128xf32, #tpu.memory_space<vmem>>
      %dma_wait3A_103 = tpu.memref_squeeze %dma_wait3A_102 : memref<1x125x128xf32, #tpu.memory_space<vmem>> -> memref<125x128xf32, #tpu.memory_space<vmem>>
      %dma_wait3A_104 = arith.constant 0 : i32
      %dma_wait3A_105 = tpu.memref_slice %arg6[%dma_wait3A_98, %dma_wait3A_99, %dma_wait3A_104] : memref<2x16x125xi32, #tpu.memory_space<vmem>> -> memref<1x1x125xi32, #tpu.memory_space<vmem>>
      %dma_wait3A_106 = tpu.memref_squeeze %dma_wait3A_105 : memref<1x1x125xi32, #tpu.memory_space<vmem>> -> memref<125xi32, #tpu.memory_space<vmem>>
      %dma_wait3A_107 = arith.constant 0 : i32
      %dma_wait3A_108 = arith.constant 0 : i32
      %dma_wait3A_109 = tpu.memref_slice %arg2[%dma_wait3A_107, %dma_wait3A_108] : memref<10000x128xf32, #tpu.memory_space<hbm>> -> memref<10000x128xf32, #tpu.memory_space<hbm>>
      tpu.wait_indirect_dma semaphore(%arg11 : memref<!tpu.dma_semaphore, #tpu.memory_space<semaphore_mem>>) src(%dma_wait3A_109 : memref<10000x128xf32, #tpu.memory_space<hbm>>) dst(%dma_wait3A_103 : memref<125x128xf32, #tpu.memory_space<vmem>>)
      %jit3A_110 = arith.constant 16 : i32
      %div3A_111 = arith.divsi %scan3A_55, %jit3A_110 : i32
      %sign3A_112 = arith.constant 0 : i32
      %sign3A_113 = arith.cmpi sgt, %scan3A_55, %sign3A_112 : i32
      %sign3A_114 = arith.extui %sign3A_113 : i1 to i32
      %sign3A_115 = arith.constant 0 : i32
      %sign3A_116 = arith.cmpi slt, %scan3A_55, %sign3A_115 : i32
      %sign3A_117 = arith.extui %sign3A_116 : i1 to i32
      %sign3A_118 = arith.subi %sign3A_114, %sign3A_117 : i32
      %sign3A_119 = arith.constant 0 : i32
      %sign3A_120 = arith.cmpi sgt, %jit3A_110, %sign3A_119 : i32
      %sign3A_121 = arith.extui %sign3A_120 : i1 to i32
      %sign3A_122 = arith.constant 0 : i32
      %sign3A_123 = arith.cmpi slt, %jit3A_110, %sign3A_122 : i32
      %sign3A_124 = arith.extui %sign3A_123 : i1 to i32
      %sign3A_125 = arith.subi %sign3A_121, %sign3A_124 : i32
      %ne3A_126 = arith.cmpi ne, %sign3A_118, %sign3A_125 : i32
      %rem3A_127 = arith.remsi %scan3A_55, %jit3A_110 : i32
      %ne3A_128 = arith.constant 0 : i32
      %ne3A_129 = arith.cmpi ne, %rem3A_127, %ne3A_128 : i32
      %and3A_130 = arith.andi %ne3A_126, %ne3A_129 : i1
      %sub3A_131 = arith.constant 1 : i32
      %sub3A_132 = arith.subi %div3A_111, %sub3A_131 : i32
      %select_n3A_133 = arith.select %and3A_130, %sub3A_132, %div3A_111 : i32
      %rem3A_134 = arith.constant 2 : i32
      %rem3A_135 = arith.remsi %select_n3A_133, %rem3A_134 : i32
      %rem3A_136 = arith.constant 16 : i32
      %rem3A_137 = arith.remsi %scan3A_55, %rem3A_136 : i32
      %dma_start3A_138 = arith.constant 0 : i32
      %dma_start3A_139 = arith.constant 0 : i32
      %dma_start3A_140 = tpu.memref_slice %arg8[%rem3A_58, %dma_start3A_138, %dma_start3A_139] : memref<2x125x128xf32, #tpu.memory_space<vmem>> -> memref<1x125x128xf32, #tpu.memory_space<vmem>>
      %dma_start3A_141 = tpu.memref_squeeze %dma_start3A_140 : memref<1x125x128xf32, #tpu.memory_space<vmem>> -> memref<125x128xf32, #tpu.memory_space<vmem>>
      %dma_start3A_142 = arith.constant 0 : i32
      %dma_start3A_143 = tpu.memref_slice %arg7[%rem3A_135, %rem3A_137, %dma_start3A_142] : memref<2x16x125xi32, #tpu.memory_space<vmem>> -> memref<1x1x125xi32, #tpu.memory_space<vmem>>
      %dma_start3A_144 = tpu.memref_squeeze %dma_start3A_143 : memref<1x1x125xi32, #tpu.memory_space<vmem>> -> memref<125xi32, #tpu.memory_space<vmem>>
      %dma_start3A_145 = arith.constant 0 : i32
      %dma_start3A_146 = arith.constant 0 : i32
      %dma_start3A_147 = tpu.memref_slice %arg10[%dma_start3A_145, %dma_start3A_146] : memref<10240x128xf32, #tpu.memory_space<vmem_shared>> -> memref<10240x128xf32, #tpu.memory_space<vmem_shared>>
      tpu.enqueue_indirect_dma source(%dma_start3A_141 : memref<125x128xf32, #tpu.memory_space<vmem>>) target(%dma_start3A_147 : memref<10240x128xf32, #tpu.memory_space<vmem_shared>>) offsets(%dma_start3A_144 : memref<125xi32, #tpu.memory_space<vmem>>) semaphore(%arg13 : memref<!tpu.dma_semaphore, #tpu.memory_space<semaphore_mem>>) {add = true}
      %scan3A_148 = arith.constant 0 : i32
      scf.yield %scan3A_148 : i32
    }
    %scan3A_36 = arith.constant 80 : i32
    %rem3A = arith.constant 79 : i32
    %rem3A_37 = arith.constant 2 : i32
    %rem3A_38 = arith.remsi %rem3A, %rem3A_37 : i32
    %dma_wait3A = arith.constant 0 : i32
    %dma_wait3A_39 = arith.constant 0 : i32
    %dma_wait3A_40 = tpu.memref_slice %arg8[%rem3A_38, %dma_wait3A, %dma_wait3A_39] : memref<2x125x128xf32, #tpu.memory_space<vmem>> -> memref<1x125x128xf32, #tpu.memory_space<vmem>>
    %dma_wait3A_41 = tpu.memref_squeeze %dma_wait3A_40 : memref<1x125x128xf32, #tpu.memory_space<vmem>> -> memref<125x128xf32, #tpu.memory_space<vmem>>
    %dma_wait3A_42 = arith.constant 0 : i32
    %dma_wait3A_43 = arith.constant 0 : i32
    %dma_wait3A_44 = tpu.memref_slice %arg10[%dma_wait3A_42, %dma_wait3A_43] : memref<10240x128xf32, #tpu.memory_space<vmem_shared>> -> memref<125x128xf32, #tpu.memory_space<vmem_shared>>
    %dma_wait3A_45 = arith.constant 0 : i32
    %dma_wait3A_46 = arith.constant 0 : i32
    %dma_wait3A_47 = tpu.memref_slice %arg10[%dma_wait3A_45, %dma_wait3A_46] : memref<10240x128xf32, #tpu.memory_space<vmem_shared>> -> memref<125x128xf32, #tpu.memory_space<vmem_shared>>
    %dma_wait3A_48 = arith.constant 0 : i32
    %dma_wait3A_49 = arith.constant 0 : i32
    %dma_wait3A_50 = tpu.memref_slice %arg8[%rem3A_38, %dma_wait3A_48, %dma_wait3A_49] : memref<2x125x128xf32, #tpu.memory_space<vmem>> -> memref<1x125x128xf32, #tpu.memory_space<vmem>>
    %dma_wait3A_51 = tpu.memref_squeeze %dma_wait3A_50 : memref<1x125x128xf32, #tpu.memory_space<vmem>> -> memref<125x128xf32, #tpu.memory_space<vmem>>
    tpu.wait_dma2 semaphore(%arg13 : memref<!tpu.dma_semaphore, #tpu.memory_space<semaphore_mem>>) src(%dma_wait3A_51 : memref<125x128xf32, #tpu.memory_space<vmem>>) dst(%dma_wait3A_47 : memref<125x128xf32, #tpu.memory_space<vmem_shared>>)
    %barrier3A_52 = arith.constant 0 : index
    tpu.barrier barrier_id(%barrier3A_52)
    %mul3A_53 = arith.constant 640 : i32
    %mul3A_54 = arith.muli %arg1, %mul3A_53 : i32
    "tpu.region"() ({
      %run_scoped3A_55 = tpu.sem_alloc : memref<!tpu.dma_semaphore, #tpu.memory_space<semaphore_mem>>
      %dma_start3A_56 = arith.constant 0 : i32
      %dma_start3A_57 = tpu.memref_slice %arg5[%arg0, %mul3A_54, %dma_start3A_56] : memref<2x10240x128xf32, #tpu.memory_space<hbm>> -> memref<1x640x128xf32, #tpu.memory_space<hbm>>
      %dma_start3A_58 = tpu.memref_squeeze %dma_start3A_57 : memref<1x640x128xf32, #tpu.memory_space<hbm>> -> memref<640x128xf32, #tpu.memory_space<hbm>>
      %dma_start3A_59 = arith.constant 0 : i32
      %dma_start3A_60 = tpu.memref_slice %arg10[%mul3A_54, %dma_start3A_59] : memref<10240x128xf32, #tpu.memory_space<vmem_shared>> -> memref<640x128xf32, #tpu.memory_space<vmem_shared>>
      tpu.enqueue_dma source(%dma_start3A_60 : memref<640x128xf32, #tpu.memory_space<vmem_shared>>) target(%dma_start3A_58 : memref<640x128xf32, #tpu.memory_space<hbm>>) target_semaphore(%run_scoped3A_55 : memref<!tpu.dma_semaphore, #tpu.memory_space<semaphore_mem>>)
      %dma_wait3A_61 = arith.constant 0 : i32
      %dma_wait3A_62 = tpu.memref_slice %arg5[%arg0, %mul3A_54, %dma_wait3A_61] : memref<2x10240x128xf32, #tpu.memory_space<hbm>> -> memref<1x640x128xf32, #tpu.memory_space<hbm>>
      %dma_wait3A_63 = tpu.memref_squeeze %dma_wait3A_62 : memref<1x640x128xf32, #tpu.memory_space<hbm>> -> memref<640x128xf32, #tpu.memory_space<hbm>>
      %dma_wait3A_64 = arith.constant 0 : i32
      %dma_wait3A_65 = tpu.memref_slice %arg10[%mul3A_54, %dma_wait3A_64] : memref<10240x128xf32, #tpu.memory_space<vmem_shared>> -> memref<640x128xf32, #tpu.memory_space<vmem_shared>>
      tpu.wait_dma2 semaphore(%run_scoped3A_55 : memref<!tpu.dma_semaphore, #tpu.memory_space<semaphore_mem>>) src(%dma_wait3A_65 : memref<640x128xf32, #tpu.memory_space<vmem_shared>>) dst(%dma_wait3A_63 : memref<640x128xf32, #tpu.memory_space<hbm>>)
      tpu.yield
    }) : () -> ()
    return
  }
}

#map = affine_map<(d0, d1) -> (0, 0)>
#map1 = affine_map<(d0, d1) -> (0, 0, 0)>
module attributes {stable_mosaic.version = 14 : i64} {
  func.func @_seg_sum_body(%arg0: i32, %arg1: i32, %arg2: memref<10000x128xf32, #tpu.memory_space<hbm>>, %arg3: memref<32x80x125xi32, #tpu.memory_space<hbm>>, %arg4: memref<32x80x125xi32, #tpu.memory_space<hbm>>, %arg5: memref<2x10240x128xf32, #tpu.memory_space<hbm>>, %arg6: memref<2x16x125xi32, #tpu.memory_space<vmem>>, %arg7: memref<2x16x125xi32, #tpu.memory_space<vmem>>, %arg8: memref<2x125x128xf32, #tpu.memory_space<vmem>>, %arg9: memref<64x128xf32, #tpu.memory_space<vmem>>, %arg10: memref<10240x128xf32, #tpu.memory_space<vmem_shared>>, %arg11: memref<!tpu.dma_semaphore, #tpu.memory_space<semaphore_mem>>, %arg12: memref<!tpu.dma_semaphore, #tpu.memory_space<semaphore_mem>>, %arg13: memref<!tpu.dma_semaphore, #tpu.memory_space<semaphore_mem>>) attributes {dimension_semantics = [#tpu.dimension_semantics<core_parallel>, #tpu.dimension_semantics<subcore_parallel>], iteration_bounds = array<i64: 2, 16>, scalar_prefetch = 0 : i64, scratch_operands = 8 : i64, tpu.core_type = #tpu.core_type<sc_vector_subcore>, window_params = [{transform_indices = #map}, {transform_indices = #map1}, {transform_indices = #map1}, {transform_indices = #map1}]} {
    %mul3A = arith.constant 2 : i32
    %mul3A_0 = arith.muli %arg1, %mul3A : i32
    %add3A = arith.addi %mul3A_0, %arg0 : i32
    %eq3A = arith.constant 0 : i32
    %eq3A_1 = arith.cmpi eq, %arg0, %eq3A : i32
    %convert_element_type3A = arith.extui %eq3A_1 : i1 to i32
    %cond3A = arith.constant 0 : i32
    %cond3A_2 = arith.cmpi ne, %convert_element_type3A, %cond3A : i32
    scf.if %cond3A_2 {
      %lt3A = arith.constant 15 : i32
      %lt3A_55 = arith.cmpi slt, %arg1, %lt3A : i32
      %convert_element_type3A_56 = arith.extui %lt3A_55 : i1 to i32
      %cond3A_57 = arith.constant 0 : i32
      %cond3A_58 = arith.cmpi ne, %convert_element_type3A_56, %cond3A_57 : i32
      scf.if %cond3A_58 {
        %mul3A_64 = arith.constant 640 : i32
        %mul3A_65 = arith.muli %arg1, %mul3A_64 : i32
        %mul3A_66 = arith.constant 640 : i32
        %mul3A_67 = arith.muli %arg1, %mul3A_66 : i32
        %dma_start3A_68 = arith.constant 0 : i32
        %dma_start3A_69 = tpu.memref_slice %arg10[%mul3A_67, %dma_start3A_68] : memref<10240x128xf32, #tpu.memory_space<vmem_shared>> -> memref<640x128xf32, #tpu.memory_space<vmem_shared>>
        %dma_start3A_70 = arith.constant 0 : i32
        %dma_start3A_71 = tpu.memref_slice %arg2[%mul3A_65, %dma_start3A_70] : memref<10000x128xf32, #tpu.memory_space<hbm>> -> memref<640x128xf32, #tpu.memory_space<hbm>>
        tpu.enqueue_dma source(%dma_start3A_71 : memref<640x128xf32, #tpu.memory_space<hbm>>) target(%dma_start3A_69 : memref<640x128xf32, #tpu.memory_space<vmem_shared>>) target_semaphore(%arg12 : memref<!tpu.dma_semaphore, #tpu.memory_space<semaphore_mem>>)
      } else {
      }
      %eq3A_59 = arith.constant 15 : i32
      %eq3A_60 = arith.cmpi eq, %arg1, %eq3A_59 : i32
      %convert_element_type3A_61 = arith.extui %eq3A_60 : i1 to i32
      %cond3A_62 = arith.constant 0 : i32
      %cond3A_63 = arith.cmpi ne, %convert_element_type3A_61, %cond3A_62 : i32
      scf.if %cond3A_63 {
        %dma_start3A_64 = arith.constant 9600 : i32
        %dma_start3A_65 = arith.constant 0 : i32
        %dma_start3A_66 = tpu.memref_slice %arg10[%dma_start3A_64, %dma_start3A_65] : memref<10240x128xf32, #tpu.memory_space<vmem_shared>> -> memref<400x128xf32, #tpu.memory_space<vmem_shared>>
        %dma_start3A_67 = arith.constant 9600 : i32
        %dma_start3A_68 = arith.constant 0 : i32
        %dma_start3A_69 = tpu.memref_slice %arg2[%dma_start3A_67, %dma_start3A_68] : memref<10000x128xf32, #tpu.memory_space<hbm>> -> memref<400x128xf32, #tpu.memory_space<hbm>>
        tpu.enqueue_dma source(%dma_start3A_69 : memref<400x128xf32, #tpu.memory_space<hbm>>) target(%dma_start3A_66 : memref<400x128xf32, #tpu.memory_space<vmem_shared>>) target_semaphore(%arg12 : memref<!tpu.dma_semaphore, #tpu.memory_space<semaphore_mem>>)
      } else {
      }
    } else {
    }
    %eq3A_3 = arith.constant 1 : i32
    %eq3A_4 = arith.cmpi eq, %arg0, %eq3A_3 : i32
    %convert_element_type3A_5 = arith.extui %eq3A_4 : i1 to i32
    %cond3A_6 = arith.constant 0 : i32
    %cond3A_7 = arith.cmpi ne, %convert_element_type3A_5, %cond3A_6 : i32
    scf.if %cond3A_7 {
      %scan3A_55 = arith.constant 0 : i32
      %scan3A_56 = arith.constant 0 : i32
      %scan3A_57 = arith.constant 512 : i32
      %scan3A_58 = arith.addi %scan3A_56, %scan3A_57 : i32
      %scan3A_59 = arith.constant 1 : i32
      %scan3A_60 = scf.for %scan3A_142 = %scan3A_56 to %scan3A_58 step %scan3A_59 iter_args(%scan3A_143 = %scan3A_55) -> (i32)  : i32 {
        %broadcast_in_dim3A = arith.constant 0.000000e+00 : f32
        %broadcast_in_dim3A_144 = vector.broadcast %broadcast_in_dim3A : f32 to vector<16xf32>
        %jit3A = arith.constant 8 : i32
        %div3A = arith.divsi %scan3A_142, %jit3A : i32
        %sign3A = arith.constant 0 : i32
        %sign3A_145 = arith.cmpi sgt, %scan3A_142, %sign3A : i32
        %sign3A_146 = arith.extui %sign3A_145 : i1 to i32
        %sign3A_147 = arith.constant 0 : i32
        %sign3A_148 = arith.cmpi slt, %scan3A_142, %sign3A_147 : i32
        %sign3A_149 = arith.extui %sign3A_148 : i1 to i32
        %sign3A_150 = arith.subi %sign3A_146, %sign3A_149 : i32
        %sign3A_151 = arith.constant 0 : i32
        %sign3A_152 = arith.cmpi sgt, %jit3A, %sign3A_151 : i32
        %sign3A_153 = arith.extui %sign3A_152 : i1 to i32
        %sign3A_154 = arith.constant 0 : i32
        %sign3A_155 = arith.cmpi slt, %jit3A, %sign3A_154 : i32
        %sign3A_156 = arith.extui %sign3A_155 : i1 to i32
        %sign3A_157 = arith.subi %sign3A_153, %sign3A_156 : i32
        %ne3A = arith.cmpi ne, %sign3A_150, %sign3A_157 : i32
        %rem3A_158 = arith.remsi %scan3A_142, %jit3A : i32
        %ne3A_159 = arith.constant 0 : i32
        %ne3A_160 = arith.cmpi ne, %rem3A_158, %ne3A_159 : i32
        %and3A = arith.andi %ne3A, %ne3A_160 : i1
        %sub3A = arith.constant 1 : i32
        %sub3A_161 = arith.subi %div3A, %sub3A : i32
        %select_n3A = arith.select %and3A, %sub3A_161, %div3A : i32
        %jit3A_162 = arith.constant 8 : i32
        %eq3A_163 = arith.constant 0 : i32
        %eq3A_164 = arith.cmpi eq, %jit3A_162, %eq3A_163 : i32
        %jit3A_165 = arith.constant 1 : i32
        %select_n3A_166 = arith.select %eq3A_164, %jit3A_165, %jit3A_162 : i32
        %rem3A_167 = arith.remsi %scan3A_142, %select_n3A_166 : i32
        %ne3A_168 = arith.constant 0 : i32
        %ne3A_169 = arith.cmpi ne, %rem3A_167, %ne3A_168 : i32
        %lt3A = arith.constant 0 : i32
        %lt3A_170 = arith.cmpi slt, %rem3A_167, %lt3A : i32
        %lt3A_171 = arith.constant 0 : i32
        %lt3A_172 = arith.cmpi slt, %select_n3A_166, %lt3A_171 : i32
        %ne3A_173 = arith.xori %lt3A_170, %lt3A_172 : i1
        %and3A_174 = arith.andi %ne3A_173, %ne3A_169 : i1
        %add3A_175 = arith.addi %rem3A_167, %select_n3A_166 : i32
        %select_n3A_176 = arith.select %and3A_174, %add3A_175, %rem3A_167 : i32
        %mul3A_177 = arith.constant 16 : i32
        %mul3A_178 = arith.muli %select_n3A_176, %mul3A_177 : i32
        %swap3A = arith.index_cast %select_n3A : i32 to index
        %swap3A_179 = arith.index_cast %mul3A_178 : i32 to index
        %swap3A_180 = tpu.vector_load %arg9[%swap3A, %swap3A_179] {strides = array<i32>} : memref<64x128xf32, #tpu.memory_space<vmem>>, vector<1x16xf32>,
        %swap3A_181 = vector.shape_cast %swap3A_180 : vector<1x16xf32> to vector<16xf32>
        %swap3A_182 = vector.shape_cast %broadcast_in_dim3A_144 : vector<16xf32> to vector<1x16xf32>
        tpu.vector_store %arg9[%swap3A, %swap3A_179], %swap3A_182 {strides = array<i32>} : memref<64x128xf32, #tpu.memory_space<vmem>>, vector<1x16xf32>,
        %scan3A_183 = arith.constant 0 : i32
        scf.yield %scan3A_183 : i32
      }
      %scan3A_61 = arith.constant 512 : i32
      %mul3A_62 = arith.constant 640 : i32
      %mul3A_63 = arith.muli %arg1, %mul3A_62 : i32
      %add3A_64 = arith.constant 0 : i32
      %add3A_65 = arith.addi %mul3A_63, %add3A_64 : i32
      %dma_start3A_66 = arith.constant 0 : i32
      %dma_start3A_67 = tpu.memref_slice %arg10[%add3A_65, %dma_start3A_66] : memref<10240x128xf32, #tpu.memory_space<vmem_shared>> -> memref<64x128xf32, #tpu.memory_space<vmem_shared>>
      %dma_start3A_68 = arith.constant 0 : i32
      %dma_start3A_69 = tpu.memref_slice %arg10[%add3A_65, %dma_start3A_68] : memref<10240x128xf32, #tpu.memory_space<vmem_shared>> -> memref<64x128xf32, #tpu.memory_space<vmem_shared>>
      tpu.enqueue_dma source(%arg9 : memref<64x128xf32, #tpu.memory_space<vmem>>) target(%dma_start3A_69 : memref<64x128xf32, #tpu.memory_space<vmem_shared>>) target_semaphore(%arg12 : memref<!tpu.dma_semaphore, #tpu.memory_space<semaphore_mem>>)
      %mul3A_70 = arith.constant 640 : i32
      %mul3A_71 = arith.muli %arg1, %mul3A_70 : i32
      %add3A_72 = arith.constant 64 : i32
      %add3A_73 = arith.addi %mul3A_71, %add3A_72 : i32
      %dma_start3A_74 = arith.constant 0 : i32
      %dma_start3A_75 = tpu.memref_slice %arg10[%add3A_73, %dma_start3A_74] : memref<10240x128xf32, #tpu.memory_space<vmem_shared>> -> memref<64x128xf32, #tpu.memory_space<vmem_shared>>
      %dma_start3A_76 = arith.constant 0 : i32
      %dma_start3A_77 = tpu.memref_slice %arg10[%add3A_73, %dma_start3A_76] : memref<10240x128xf32, #tpu.memory_space<vmem_shared>> -> memref<64x128xf32, #tpu.memory_space<vmem_shared>>
      tpu.enqueue_dma source(%arg9 : memref<64x128xf32, #tpu.memory_space<vmem>>) target(%dma_start3A_77 : memref<64x128xf32, #tpu.memory_space<vmem_shared>>) target_semaphore(%arg12 : memref<!tpu.dma_semaphore, #tpu.memory_space<semaphore_mem>>)
      %mul3A_78 = arith.constant 640 : i32
      %mul3A_79 = arith.muli %arg1, %mul3A_78 : i32
      %add3A_80 = arith.constant 128 : i32
      %add3A_81 = arith.addi %mul3A_79, %add3A_80 : i32
      %dma_start3A_82 = arith.constant 0 : i32
      %dma_start3A_83 = tpu.memref_slice %arg10[%add3A_81, %dma_start3A_82] : memref<10240x128xf32, #tpu.memory_space<vmem_shared>> -> memref<64x128xf32, #tpu.memory_space<vmem_shared>>
      %dma_start3A_84 = arith.constant 0 : i32
      %dma_start3A_85 = tpu.memref_slice %arg10[%add3A_81, %dma_start3A_84] : memref<10240x128xf32, #tpu.memory_space<vmem_shared>> -> memref<64x128xf32, #tpu.memory_space<vmem_shared>>
      tpu.enqueue_dma source(%arg9 : memref<64x128xf32, #tpu.memory_space<vmem>>) target(%dma_start3A_85 : memref<64x128xf32, #tpu.memory_space<vmem_shared>>) target_semaphore(%arg12 : memref<!tpu.dma_semaphore, #tpu.memory_space<semaphore_mem>>)
      %mul3A_86 = arith.constant 640 : i32
      %mul3A_87 = arith.muli %arg1, %mul3A_86 : i32
      %add3A_88 = arith.constant 192 : i32
      %add3A_89 = arith.addi %mul3A_87, %add3A_88 : i32
      %dma_start3A_90 = arith.constant 0 : i32
      %dma_start3A_91 = tpu.memref_slice %arg10[%add3A_89, %dma_start3A_90] : memref<10240x128xf32, #tpu.memory_space<vmem_shared>> -> memref<64x128xf32, #tpu.memory_space<vmem_shared>>
      %dma_start3A_92 = arith.constant 0 : i32
      %dma_start3A_93 = tpu.memref_slice %arg10[%add3A_89, %dma_start3A_92] : memref<10240x128xf32, #tpu.memory_space<vmem_shared>> -> memref<64x128xf32, #tpu.memory_space<vmem_shared>>
      tpu.enqueue_dma source(%arg9 : memref<64x128xf32, #tpu.memory_space<vmem>>) target(%dma_start3A_93 : memref<64x128xf32, #tpu.memory_space<vmem_shared>>) target_semaphore(%arg12 : memref<!tpu.dma_semaphore, #tpu.memory_space<semaphore_mem>>)
      %mul3A_94 = arith.constant 640 : i32
      %mul3A_95 = arith.muli %arg1, %mul3A_94 : i32
      %add3A_96 = arith.constant 256 : i32
      %add3A_97 = arith.addi %mul3A_95, %add3A_96 : i32
      %dma_start3A_98 = arith.constant 0 : i32
      %dma_start3A_99 = tpu.memref_slice %arg10[%add3A_97, %dma_start3A_98] : memref<10240x128xf32, #tpu.memory_space<vmem_shared>> -> memref<64x128xf32, #tpu.memory_space<vmem_shared>>
      %dma_start3A_100 = arith.constant 0 : i32
      %dma_start3A_101 = tpu.memref_slice %arg10[%add3A_97, %dma_start3A_100] : memref<10240x128xf32, #tpu.memory_space<vmem_shared>> -> memref<64x128xf32, #tpu.memory_space<vmem_shared>>
      tpu.enqueue_dma source(%arg9 : memref<64x128xf32, #tpu.memory_space<vmem>>) target(%dma_start3A_101 : memref<64x128xf32, #tpu.memory_space<vmem_shared>>) target_semaphore(%arg12 : memref<!tpu.dma_semaphore, #tpu.memory_space<semaphore_mem>>)
      %mul3A_102 = arith.constant 640 : i32
      %mul3A_103 = arith.muli %arg1, %mul3A_102 : i32
      %add3A_104 = arith.constant 320 : i32
      %add3A_105 = arith.addi %mul3A_103, %add3A_104 : i32
      %dma_start3A_106 = arith.constant 0 : i32
      %dma_start3A_107 = tpu.memref_slice %arg10[%add3A_105, %dma_start3A_106] : memref<10240x128xf32, #tpu.memory_space<vmem_shared>> -> memref<64x128xf32, #tpu.memory_space<vmem_shared>>
      %dma_start3A_108 = arith.constant 0 : i32
      %dma_start3A_109 = tpu.memref_slice %arg10[%add3A_105, %dma_start3A_108] : memref<10240x128xf32, #tpu.memory_space<vmem_shared>> -> memref<64x128xf32, #tpu.memory_space<vmem_shared>>
      tpu.enqueue_dma source(%arg9 : memref<64x128xf32, #tpu.memory_space<vmem>>) target(%dma_start3A_109 : memref<64x128xf32, #tpu.memory_space<vmem_shared>>) target_semaphore(%arg12 : memref<!tpu.dma_semaphore, #tpu.memory_space<semaphore_mem>>)
      %mul3A_110 = arith.constant 640 : i32
      %mul3A_111 = arith.muli %arg1, %mul3A_110 : i32
      %add3A_112 = arith.constant 384 : i32
      %add3A_113 = arith.addi %mul3A_111, %add3A_112 : i32
      %dma_start3A_114 = arith.constant 0 : i32
      %dma_start3A_115 = tpu.memref_slice %arg10[%add3A_113, %dma_start3A_114] : memref<10240x128xf32, #tpu.memory_space<vmem_shared>> -> memref<64x128xf32, #tpu.memory_space<vmem_shared>>
      %dma_start3A_116 = arith.constant 0 : i32
      %dma_start3A_117 = tpu.memref_slice %arg10[%add3A_113, %dma_start3A_116] : memref<10240x128xf32, #tpu.memory_space<vmem_shared>> -> memref<64x128xf32, #tpu.memory_space<vmem_shared>>
      tpu.enqueue_dma source(%arg9 : memref<64x128xf32, #tpu.memory_space<vmem>>) target(%dma_start3A_117 : memref<64x128xf32, #tpu.memory_space<vmem_shared>>) target_semaphore(%arg12 : memref<!tpu.dma_semaphore, #tpu.memory_space<semaphore_mem>>)
      %mul3A_118 = arith.constant 640 : i32
      %mul3A_119 = arith.muli %arg1, %mul3A_118 : i32
      %add3A_120 = arith.constant 448 : i32
      %add3A_121 = arith.addi %mul3A_119, %add3A_120 : i32
      %dma_start3A_122 = arith.constant 0 : i32
      %dma_start3A_123 = tpu.memref_slice %arg10[%add3A_121, %dma_start3A_122] : memref<10240x128xf32, #tpu.memory_space<vmem_shared>> -> memref<64x128xf32, #tpu.memory_space<vmem_shared>>
      %dma_start3A_124 = arith.constant 0 : i32
      %dma_start3A_125 = tpu.memref_slice %arg10[%add3A_121, %dma_start3A_124] : memref<10240x128xf32, #tpu.memory_space<vmem_shared>> -> memref<64x128xf32, #tpu.memory_space<vmem_shared>>
      tpu.enqueue_dma source(%arg9 : memref<64x128xf32, #tpu.memory_space<vmem>>) target(%dma_start3A_125 : memref<64x128xf32, #tpu.memory_space<vmem_shared>>) target_semaphore(%arg12 : memref<!tpu.dma_semaphore, #tpu.memory_space<semaphore_mem>>)
      %mul3A_126 = arith.constant 640 : i32
      %mul3A_127 = arith.muli %arg1, %mul3A_126 : i32
      %add3A_128 = arith.constant 512 : i32
      %add3A_129 = arith.addi %mul3A_127, %add3A_128 : i32
      %dma_start3A_130 = arith.constant 0 : i32
      %dma_start3A_131 = tpu.memref_slice %arg10[%add3A_129, %dma_start3A_130] : memref<10240x128xf32, #tpu.memory_space<vmem_shared>> -> memref<64x128xf32, #tpu.memory_space<vmem_shared>>
      %dma_start3A_132 = arith.constant 0 : i32
      %dma_start3A_133 = tpu.memref_slice %arg10[%add3A_129, %dma_start3A_132] : memref<10240x128xf32, #tpu.memory_space<vmem_shared>> -> memref<64x128xf32, #tpu.memory_space<vmem_shared>>
      tpu.enqueue_dma source(%arg9 : memref<64x128xf32, #tpu.memory_space<vmem>>) target(%dma_start3A_133 : memref<64x128xf32, #tpu.memory_space<vmem_shared>>) target_semaphore(%arg12 : memref<!tpu.dma_semaphore, #tpu.memory_space<semaphore_mem>>)
      %mul3A_134 = arith.constant 640 : i32
      %mul3A_135 = arith.muli %arg1, %mul3A_134 : i32
      %add3A_136 = arith.constant 576 : i32
      %add3A_137 = arith.addi %mul3A_135, %add3A_136 : i32
      %dma_start3A_138 = arith.constant 0 : i32
      %dma_start3A_139 = tpu.memref_slice %arg10[%add3A_137, %dma_start3A_138] : memref<10240x128xf32, #tpu.memory_space<vmem_shared>> -> memref<64x128xf32, #tpu.memory_space<vmem_shared>>
      %dma_start3A_140 = arith.constant 0 : i32
      %dma_start3A_141 = tpu.memref_slice %arg10[%add3A_137, %dma_start3A_140] : memref<10240x128xf32, #tpu.memory_space<vmem_shared>> -> memref<64x128xf32, #tpu.memory_space<vmem_shared>>
      tpu.enqueue_dma source(%arg9 : memref<64x128xf32, #tpu.memory_space<vmem>>) target(%dma_start3A_141 : memref<64x128xf32, #tpu.memory_space<vmem_shared>>) target_semaphore(%arg12 : memref<!tpu.dma_semaphore, #tpu.memory_space<semaphore_mem>>)
    } else {
    }
    %run_scoped3A = arith.constant 0 : i32
    "tpu.region"() ({
      %run_scoped3A_55 = tpu.sem_alloc : memref<!tpu.dma_semaphore, #tpu.memory_space<semaphore_mem>>
      %dma_start3A_56 = arith.constant 0 : i32
      %dma_start3A_57 = arith.constant 0 : i32
      %dma_start3A_58 = tpu.memref_slice %arg6[%run_scoped3A, %dma_start3A_56, %dma_start3A_57] : memref<2x16x125xi32, #tpu.memory_space<vmem>> -> memref<1x16x125xi32, #tpu.memory_space<vmem>>
      %dma_start3A_59 = tpu.memref_squeeze %dma_start3A_58 : memref<1x16x125xi32, #tpu.memory_space<vmem>> -> memref<16x125xi32, #tpu.memory_space<vmem>>
      %dma_start3A_60 = arith.constant 0 : i32
      %dma_start3A_61 = arith.constant 0 : i32
      %dma_start3A_62 = tpu.memref_slice %arg3[%add3A, %dma_start3A_60, %dma_start3A_61] : memref<32x80x125xi32, #tpu.memory_space<hbm>> -> memref<1x16x125xi32, #tpu.memory_space<hbm>>
      %dma_start3A_63 = tpu.memref_squeeze %dma_start3A_62 : memref<1x16x125xi32, #tpu.memory_space<hbm>> -> memref<16x125xi32, #tpu.memory_space<hbm>>
      %dma_start3A_64 = arith.constant 0 : i32
      %dma_start3A_65 = arith.constant 0 : i32
      %dma_start3A_66 = tpu.memref_slice %arg6[%run_scoped3A, %dma_start3A_64, %dma_start3A_65] : memref<2x16x125xi32, #tpu.memory_space<vmem>> -> memref<1x16x125xi32, #tpu.memory_space<vmem>>
      %dma_start3A_67 = tpu.memref_squeeze %dma_start3A_66 : memref<1x16x125xi32, #tpu.memory_space<vmem>> -> memref<16x125xi32, #tpu.memory_space<vmem>>
      %dma_start3A_68 = arith.constant 0 : i32
      %dma_start3A_69 = arith.constant 0 : i32
      %dma_start3A_70 = tpu.memref_slice %arg3[%add3A, %dma_start3A_68, %dma_start3A_69] : memref<32x80x125xi32, #tpu.memory_space<hbm>> -> memref<1x16x125xi32, #tpu.memory_space<hbm>>
      %dma_start3A_71 = tpu.memref_squeeze %dma_start3A_70 : memref<1x16x125xi32, #tpu.memory_space<hbm>> -> memref<16x125xi32, #tpu.memory_space<hbm>>
      tpu.enqueue_dma source(%dma_start3A_71 : memref<16x125xi32, #tpu.memory_space<hbm>>) target(%dma_start3A_67 : memref<16x125xi32, #tpu.memory_space<vmem>>) target_semaphore(%run_scoped3A_55 : memref<!tpu.dma_semaphore, #tpu.memory_space<semaphore_mem>>)
      %dma_wait3A_72 = arith.constant 0 : i32
      %dma_wait3A_73 = arith.constant 0 : i32
      %dma_wait3A_74 = tpu.memref_slice %arg6[%run_scoped3A, %dma_wait3A_72, %dma_wait3A_73] : memref<2x16x125xi32, #tpu.memory_space<vmem>> -> memref<1x16x125xi32, #tpu.memory_space<vmem>>
      %dma_wait3A_75 = tpu.memref_squeeze %dma_wait3A_74 : memref<1x16x125xi32, #tpu.memory_space<vmem>> -> memref<16x125xi32, #tpu.memory_space<vmem>>
      %dma_wait3A_76 = arith.constant 0 : i32
      %dma_wait3A_77 = arith.constant 0 : i32
      %dma_wait3A_78 = tpu.memref_slice %arg3[%add3A, %dma_wait3A_76, %dma_wait3A_77] : memref<32x80x125xi32, #tpu.memory_space<hbm>> -> memref<1x16x125xi32, #tpu.memory_space<hbm>>
      %dma_wait3A_79 = tpu.memref_squeeze %dma_wait3A_78 : memref<1x16x125xi32, #tpu.memory_space<hbm>> -> memref<16x125xi32, #tpu.memory_space<hbm>>
      %dma_wait3A_80 = arith.constant 0 : i32
      %dma_wait3A_81 = arith.constant 0 : i32
      %dma_wait3A_82 = tpu.memref_slice %arg6[%run_scoped3A, %dma_wait3A_80, %dma_wait3A_81] : memref<2x16x125xi32, #tpu.memory_space<vmem>> -> memref<1x16x125xi32, #tpu.memory_space<vmem>>
      %dma_wait3A_83 = tpu.memref_squeeze %dma_wait3A_82 : memref<1x16x125xi32, #tpu.memory_space<vmem>> -> memref<16x125xi32, #tpu.memory_space<vmem>>
      %dma_wait3A_84 = arith.constant 0 : i32
      %dma_wait3A_85 = arith.constant 0 : i32
      %dma_wait3A_86 = tpu.memref_slice %arg3[%add3A, %dma_wait3A_84, %dma_wait3A_85] : memref<32x80x125xi32, #tpu.memory_space<hbm>> -> memref<1x16x125xi32, #tpu.memory_space<hbm>>
      %dma_wait3A_87 = tpu.memref_squeeze %dma_wait3A_86 : memref<1x16x125xi32, #tpu.memory_space<hbm>> -> memref<16x125xi32, #tpu.memory_space<hbm>>
      tpu.wait_dma2 semaphore(%run_scoped3A_55 : memref<!tpu.dma_semaphore, #tpu.memory_space<semaphore_mem>>) src(%dma_wait3A_87 : memref<16x125xi32, #tpu.memory_space<hbm>>) dst(%dma_wait3A_83 : memref<16x125xi32, #tpu.memory_space<vmem>>)
      tpu.yield
    }) : () -> ()
    %run_scoped3A_8 = arith.constant 0 : i32
    "tpu.region"() ({
      %run_scoped3A_55 = tpu.sem_alloc : memref<!tpu.dma_semaphore, #tpu.memory_space<semaphore_mem>>
      %dma_start3A_56 = arith.constant 0 : i32
      %dma_start3A_57 = arith.constant 0 : i32
      %dma_start3A_58 = tpu.memref_slice %arg7[%run_scoped3A_8, %dma_start3A_56, %dma_start3A_57] : memref<2x16x125xi32, #tpu.memory_space<vmem>> -> memref<1x16x125xi32, #tpu.memory_space<vmem>>
      %dma_start3A_59 = tpu.memref_squeeze %dma_start3A_58 : memref<1x16x125xi32, #tpu.memory_space<vmem>> -> memref<16x125xi32, #tpu.memory_space<vmem>>
      %dma_start3A_60 = arith.constant 0 : i32
      %dma_start3A_61 = arith.constant 0 : i32
      %dma_start3A_62 = tpu.memref_slice %arg4[%add3A, %dma_start3A_60, %dma_start3A_61] : memref<32x80x125xi32, #tpu.memory_space<hbm>> -> memref<1x16x125xi32, #tpu.memory_space<hbm>>
      %dma_start3A_63 = tpu.memref_squeeze %dma_start3A_62 : memref<1x16x125xi32, #tpu.memory_space<hbm>> -> memref<16x125xi32, #tpu.memory_space<hbm>>
      %dma_start3A_64 = arith.constant 0 : i32
      %dma_start3A_65 = arith.constant 0 : i32
      %dma_start3A_66 = tpu.memref_slice %arg7[%run_scoped3A_8, %dma_start3A_64, %dma_start3A_65] : memref<2x16x125xi32, #tpu.memory_space<vmem>> -> memref<1x16x125xi32, #tpu.memory_space<vmem>>
      %dma_start3A_67 = tpu.memref_squeeze %dma_start3A_66 : memref<1x16x125xi32, #tpu.memory_space<vmem>> -> memref<16x125xi32, #tpu.memory_space<vmem>>
      %dma_start3A_68 = arith.constant 0 : i32
      %dma_start3A_69 = arith.constant 0 : i32
      %dma_start3A_70 = tpu.memref_slice %arg4[%add3A, %dma_start3A_68, %dma_start3A_69] : memref<32x80x125xi32, #tpu.memory_space<hbm>> -> memref<1x16x125xi32, #tpu.memory_space<hbm>>
      %dma_start3A_71 = tpu.memref_squeeze %dma_start3A_70 : memref<1x16x125xi32, #tpu.memory_space<hbm>> -> memref<16x125xi32, #tpu.memory_space<hbm>>
      tpu.enqueue_dma source(%dma_start3A_71 : memref<16x125xi32, #tpu.memory_space<hbm>>) target(%dma_start3A_67 : memref<16x125xi32, #tpu.memory_space<vmem>>) target_semaphore(%run_scoped3A_55 : memref<!tpu.dma_semaphore, #tpu.memory_space<semaphore_mem>>)
      %dma_wait3A_72 = arith.constant 0 : i32
      %dma_wait3A_73 = arith.constant 0 : i32
      %dma_wait3A_74 = tpu.memref_slice %arg7[%run_scoped3A_8, %dma_wait3A_72, %dma_wait3A_73] : memref<2x16x125xi32, #tpu.memory_space<vmem>> -> memref<1x16x125xi32, #tpu.memory_space<vmem>>
      %dma_wait3A_75 = tpu.memref_squeeze %dma_wait3A_74 : memref<1x16x125xi32, #tpu.memory_space<vmem>> -> memref<16x125xi32, #tpu.memory_space<vmem>>
      %dma_wait3A_76 = arith.constant 0 : i32
      %dma_wait3A_77 = arith.constant 0 : i32
      %dma_wait3A_78 = tpu.memref_slice %arg4[%add3A, %dma_wait3A_76, %dma_wait3A_77] : memref<32x80x125xi32, #tpu.memory_space<hbm>> -> memref<1x16x125xi32, #tpu.memory_space<hbm>>
      %dma_wait3A_79 = tpu.memref_squeeze %dma_wait3A_78 : memref<1x16x125xi32, #tpu.memory_space<hbm>> -> memref<16x125xi32, #tpu.memory_space<hbm>>
      %dma_wait3A_80 = arith.constant 0 : i32
      %dma_wait3A_81 = arith.constant 0 : i32
      %dma_wait3A_82 = tpu.memref_slice %arg7[%run_scoped3A_8, %dma_wait3A_80, %dma_wait3A_81] : memref<2x16x125xi32, #tpu.memory_space<vmem>> -> memref<1x16x125xi32, #tpu.memory_space<vmem>>
      %dma_wait3A_83 = tpu.memref_squeeze %dma_wait3A_82 : memref<1x16x125xi32, #tpu.memory_space<vmem>> -> memref<16x125xi32, #tpu.memory_space<vmem>>
      %dma_wait3A_84 = arith.constant 0 : i32
      %dma_wait3A_85 = arith.constant 0 : i32
      %dma_wait3A_86 = tpu.memref_slice %arg4[%add3A, %dma_wait3A_84, %dma_wait3A_85] : memref<32x80x125xi32, #tpu.memory_space<hbm>> -> memref<1x16x125xi32, #tpu.memory_space<hbm>>
      %dma_wait3A_87 = tpu.memref_squeeze %dma_wait3A_86 : memref<1x16x125xi32, #tpu.memory_space<hbm>> -> memref<16x125xi32, #tpu.memory_space<hbm>>
      tpu.wait_dma2 semaphore(%run_scoped3A_55 : memref<!tpu.dma_semaphore, #tpu.memory_space<semaphore_mem>>) src(%dma_wait3A_87 : memref<16x125xi32, #tpu.memory_space<hbm>>) dst(%dma_wait3A_83 : memref<16x125xi32, #tpu.memory_space<vmem>>)
      tpu.yield
    }) : () -> ()
    %dma_start3A = arith.constant 0 : i32
    %dma_start3A_9 = arith.constant 0 : i32
    %dma_start3A_10 = arith.constant 0 : i32
    %dma_start3A_11 = arith.constant 0 : i32
    %dma_start3A_12 = arith.constant 0 : i32
    %dma_start3A_13 = tpu.memref_slice %arg8[%dma_start3A_10, %dma_start3A_11, %dma_start3A_12] : memref<2x125x128xf32, #tpu.memory_space<vmem>> -> memref<1x125x128xf32, #tpu.memory_space<vmem>>
    %dma_start3A_14 = tpu.memref_squeeze %dma_start3A_13 : memref<1x125x128xf32, #tpu.memory_space<vmem>> -> memref<125x128xf32, #tpu.memory_space<vmem>>
    %dma_start3A_15 = arith.constant 0 : i32
    %dma_start3A_16 = tpu.memref_slice %arg6[%dma_start3A, %dma_start3A_9, %dma_start3A_15] : memref<2x16x125xi32, #tpu.memory_space<vmem>> -> memref<1x1x125xi32, #tpu.memory_space<vmem>>
    %dma_start3A_17 = tpu.memref_squeeze %dma_start3A_16 : memref<1x1x125xi32, #tpu.memory_space<vmem>> -> memref<125xi32, #tpu.memory_space<vmem>>
    %dma_start3A_18 = arith.constant 0 : i32
    %dma_start3A_19 = arith.constant 0 : i32
    %dma_start3A_20 = tpu.memref_slice %arg2[%dma_start3A_18, %dma_start3A_19] : memref<10000x128xf32, #tpu.memory_space<hbm>> -> memref<10000x128xf32, #tpu.memory_space<hbm>>
    tpu.enqueue_indirect_dma source(%dma_start3A_20 : memref<10000x128xf32, #tpu.memory_space<hbm>>) target(%dma_start3A_14 : memref<125x128xf32, #tpu.memory_space<vmem>>) offsets(%dma_start3A_17 : memref<125xi32, #tpu.memory_space<vmem>>) semaphore(%arg11 : memref<!tpu.dma_semaphore, #tpu.memory_space<semaphore_mem>>)
    %eq3A_21 = arith.constant 0 : i32
    %eq3A_22 = arith.cmpi eq, %arg0, %eq3A_21 : i32
    %convert_element_type3A_23 = arith.extui %eq3A_22 : i1 to i32
    %cond3A_24 = arith.constant 0 : i32
    %cond3A_25 = arith.cmpi ne, %convert_element_type3A_23, %cond3A_24 : i32
    scf.if %cond3A_25 {
      %lt3A = arith.constant 15 : i32
      %lt3A_55 = arith.cmpi slt, %arg1, %lt3A : i32
      %convert_element_type3A_56 = arith.extui %lt3A_55 : i1 to i32
      %cond3A_57 = arith.constant 0 : i32
      %cond3A_58 = arith.cmpi ne, %convert_element_type3A_56, %cond3A_57 : i32
      scf.if %cond3A_58 {
        %mul3A_64 = arith.constant 640 : i32
        %mul3A_65 = arith.muli %arg1, %mul3A_64 : i32
        %mul3A_66 = arith.constant 640 : i32
        %mul3A_67 = arith.muli %arg1, %mul3A_66 : i32
        %dma_wait3A_68 = arith.constant 0 : i32
        %dma_wait3A_69 = tpu.memref_slice %arg10[%mul3A_67, %dma_wait3A_68] : memref<10240x128xf32, #tpu.memory_space<vmem_shared>> -> memref<640x128xf32, #tpu.memory_space<vmem_shared>>
        %dma_wait3A_70 = arith.constant 0 : i32
        %dma_wait3A_71 = tpu.memref_slice %arg2[%mul3A_65, %dma_wait3A_70] : memref<10000x128xf32, #tpu.memory_space<hbm>> -> memref<640x128xf32, #tpu.memory_space<hbm>>
        tpu.wait_dma2 semaphore(%arg12 : memref<!tpu.dma_semaphore, #tpu.memory_space<semaphore_mem>>) src(%dma_wait3A_71 : memref<640x128xf32, #tpu.memory_space<hbm>>) dst(%dma_wait3A_69 : memref<640x128xf32, #tpu.memory_space<vmem_shared>>)
      } else {
      }
      %eq3A_59 = arith.constant 15 : i32
      %eq3A_60 = arith.cmpi eq, %arg1, %eq3A_59 : i32
      %convert_element_type3A_61 = arith.extui %eq3A_60 : i1 to i32
      %cond3A_62 = arith.constant 0 : i32
      %cond3A_63 = arith.cmpi ne, %convert_element_type3A_61, %cond3A_62 : i32
      scf.if %cond3A_63 {
        %dma_wait3A_64 = arith.constant 9600 : i32
        %dma_wait3A_65 = arith.constant 0 : i32
        %dma_wait3A_66 = tpu.memref_slice %arg10[%dma_wait3A_64, %dma_wait3A_65] : memref<10240x128xf32, #tpu.memory_space<vmem_shared>> -> memref<400x128xf32, #tpu.memory_space<vmem_shared>>
        %dma_wait3A_67 = arith.constant 9600 : i32
        %dma_wait3A_68 = arith.constant 0 : i32
        %dma_wait3A_69 = tpu.memref_slice %arg2[%dma_wait3A_67, %dma_wait3A_68] : memref<10000x128xf32, #tpu.memory_space<hbm>> -> memref<400x128xf32, #tpu.memory_space<hbm>>
        tpu.wait_dma2 semaphore(%arg12 : memref<!tpu.dma_semaphore, #tpu.memory_space<semaphore_mem>>) src(%dma_wait3A_69 : memref<400x128xf32, #tpu.memory_space<hbm>>) dst(%dma_wait3A_66 : memref<400x128xf32, #tpu.memory_space<vmem_shared>>)
      } else {
      }
    } else {
    }
    %eq3A_26 = arith.constant 1 : i32
    %eq3A_27 = arith.cmpi eq, %arg0, %eq3A_26 : i32
    %convert_element_type3A_28 = arith.extui %eq3A_27 : i1 to i32
    %cond3A_29 = arith.constant 0 : i32
    %cond3A_30 = arith.cmpi ne, %convert_element_type3A_28, %cond3A_29 : i32
    scf.if %cond3A_30 {
      %mul3A_55 = arith.constant 640 : i32
      %mul3A_56 = arith.muli %arg1, %mul3A_55 : i32
      %add3A_57 = arith.constant 0 : i32
      %add3A_58 = arith.addi %mul3A_56, %add3A_57 : i32
      %dma_wait3A_59 = arith.constant 0 : i32
      %dma_wait3A_60 = tpu.memref_slice %arg10[%add3A_58, %dma_wait3A_59] : memref<10240x128xf32, #tpu.memory_space<vmem_shared>> -> memref<64x128xf32, #tpu.memory_space<vmem_shared>>
      %dma_wait3A_61 = arith.constant 0 : i32
      %dma_wait3A_62 = tpu.memref_slice %arg10[%add3A_58, %dma_wait3A_61] : memref<10240x128xf32, #tpu.memory_space<vmem_shared>> -> memref<64x128xf32, #tpu.memory_space<vmem_shared>>
      tpu.wait_dma2 semaphore(%arg12 : memref<!tpu.dma_semaphore, #tpu.memory_space<semaphore_mem>>) src(%arg9 : memref<64x128xf32, #tpu.memory_space<vmem>>) dst(%dma_wait3A_62 : memref<64x128xf32, #tpu.memory_space<vmem_shared>>)
      %mul3A_63 = arith.constant 640 : i32
      %mul3A_64 = arith.muli %arg1, %mul3A_63 : i32
      %add3A_65 = arith.constant 64 : i32
      %add3A_66 = arith.addi %mul3A_64, %add3A_65 : i32
      %dma_wait3A_67 = arith.constant 0 : i32
      %dma_wait3A_68 = tpu.memref_slice %arg10[%add3A_66, %dma_wait3A_67] : memref<10240x128xf32, #tpu.memory_space<vmem_shared>> -> memref<64x128xf32, #tpu.memory_space<vmem_shared>>
      %dma_wait3A_69 = arith.constant 0 : i32
      %dma_wait3A_70 = tpu.memref_slice %arg10[%add3A_66, %dma_wait3A_69] : memref<10240x128xf32, #tpu.memory_space<vmem_shared>> -> memref<64x128xf32, #tpu.memory_space<vmem_shared>>
      tpu.wait_dma2 semaphore(%arg12 : memref<!tpu.dma_semaphore, #tpu.memory_space<semaphore_mem>>) src(%arg9 : memref<64x128xf32, #tpu.memory_space<vmem>>) dst(%dma_wait3A_70 : memref<64x128xf32, #tpu.memory_space<vmem_shared>>)
      %mul3A_71 = arith.constant 640 : i32
      %mul3A_72 = arith.muli %arg1, %mul3A_71 : i32
      %add3A_73 = arith.constant 128 : i32
      %add3A_74 = arith.addi %mul3A_72, %add3A_73 : i32
      %dma_wait3A_75 = arith.constant 0 : i32
      %dma_wait3A_76 = tpu.memref_slice %arg10[%add3A_74, %dma_wait3A_75] : memref<10240x128xf32, #tpu.memory_space<vmem_shared>> -> memref<64x128xf32, #tpu.memory_space<vmem_shared>>
      %dma_wait3A_77 = arith.constant 0 : i32
      %dma_wait3A_78 = tpu.memref_slice %arg10[%add3A_74, %dma_wait3A_77] : memref<10240x128xf32, #tpu.memory_space<vmem_shared>> -> memref<64x128xf32, #tpu.memory_space<vmem_shared>>
      tpu.wait_dma2 semaphore(%arg12 : memref<!tpu.dma_semaphore, #tpu.memory_space<semaphore_mem>>) src(%arg9 : memref<64x128xf32, #tpu.memory_space<vmem>>) dst(%dma_wait3A_78 : memref<64x128xf32, #tpu.memory_space<vmem_shared>>)
      %mul3A_79 = arith.constant 640 : i32
      %mul3A_80 = arith.muli %arg1, %mul3A_79 : i32
      %add3A_81 = arith.constant 192 : i32
      %add3A_82 = arith.addi %mul3A_80, %add3A_81 : i32
      %dma_wait3A_83 = arith.constant 0 : i32
      %dma_wait3A_84 = tpu.memref_slice %arg10[%add3A_82, %dma_wait3A_83] : memref<10240x128xf32, #tpu.memory_space<vmem_shared>> -> memref<64x128xf32, #tpu.memory_space<vmem_shared>>
      %dma_wait3A_85 = arith.constant 0 : i32
      %dma_wait3A_86 = tpu.memref_slice %arg10[%add3A_82, %dma_wait3A_85] : memref<10240x128xf32, #tpu.memory_space<vmem_shared>> -> memref<64x128xf32, #tpu.memory_space<vmem_shared>>
      tpu.wait_dma2 semaphore(%arg12 : memref<!tpu.dma_semaphore, #tpu.memory_space<semaphore_mem>>) src(%arg9 : memref<64x128xf32, #tpu.memory_space<vmem>>) dst(%dma_wait3A_86 : memref<64x128xf32, #tpu.memory_space<vmem_shared>>)
      %mul3A_87 = arith.constant 640 : i32
      %mul3A_88 = arith.muli %arg1, %mul3A_87 : i32
      %add3A_89 = arith.constant 256 : i32
      %add3A_90 = arith.addi %mul3A_88, %add3A_89 : i32
      %dma_wait3A_91 = arith.constant 0 : i32
      %dma_wait3A_92 = tpu.memref_slice %arg10[%add3A_90, %dma_wait3A_91] : memref<10240x128xf32, #tpu.memory_space<vmem_shared>> -> memref<64x128xf32, #tpu.memory_space<vmem_shared>>
      %dma_wait3A_93 = arith.constant 0 : i32
      %dma_wait3A_94 = tpu.memref_slice %arg10[%add3A_90, %dma_wait3A_93] : memref<10240x128xf32, #tpu.memory_space<vmem_shared>> -> memref<64x128xf32, #tpu.memory_space<vmem_shared>>
      tpu.wait_dma2 semaphore(%arg12 : memref<!tpu.dma_semaphore, #tpu.memory_space<semaphore_mem>>) src(%arg9 : memref<64x128xf32, #tpu.memory_space<vmem>>) dst(%dma_wait3A_94 : memref<64x128xf32, #tpu.memory_space<vmem_shared>>)
      %mul3A_95 = arith.constant 640 : i32
      %mul3A_96 = arith.muli %arg1, %mul3A_95 : i32
      %add3A_97 = arith.constant 320 : i32
      %add3A_98 = arith.addi %mul3A_96, %add3A_97 : i32
      %dma_wait3A_99 = arith.constant 0 : i32
      %dma_wait3A_100 = tpu.memref_slice %arg10[%add3A_98, %dma_wait3A_99] : memref<10240x128xf32, #tpu.memory_space<vmem_shared>> -> memref<64x128xf32, #tpu.memory_space<vmem_shared>>
      %dma_wait3A_101 = arith.constant 0 : i32
      %dma_wait3A_102 = tpu.memref_slice %arg10[%add3A_98, %dma_wait3A_101] : memref<10240x128xf32, #tpu.memory_space<vmem_shared>> -> memref<64x128xf32, #tpu.memory_space<vmem_shared>>
      tpu.wait_dma2 semaphore(%arg12 : memref<!tpu.dma_semaphore, #tpu.memory_space<semaphore_mem>>) src(%arg9 : memref<64x128xf32, #tpu.memory_space<vmem>>) dst(%dma_wait3A_102 : memref<64x128xf32, #tpu.memory_space<vmem_shared>>)
      %mul3A_103 = arith.constant 640 : i32
      %mul3A_104 = arith.muli %arg1, %mul3A_103 : i32
      %add3A_105 = arith.constant 384 : i32
      %add3A_106 = arith.addi %mul3A_104, %add3A_105 : i32
      %dma_wait3A_107 = arith.constant 0 : i32
      %dma_wait3A_108 = tpu.memref_slice %arg10[%add3A_106, %dma_wait3A_107] : memref<10240x128xf32, #tpu.memory_space<vmem_shared>> -> memref<64x128xf32, #tpu.memory_space<vmem_shared>>
      %dma_wait3A_109 = arith.constant 0 : i32
      %dma_wait3A_110 = tpu.memref_slice %arg10[%add3A_106, %dma_wait3A_109] : memref<10240x128xf32, #tpu.memory_space<vmem_shared>> -> memref<64x128xf32, #tpu.memory_space<vmem_shared>>
      tpu.wait_dma2 semaphore(%arg12 : memref<!tpu.dma_semaphore, #tpu.memory_space<semaphore_mem>>) src(%arg9 : memref<64x128xf32, #tpu.memory_space<vmem>>) dst(%dma_wait3A_110 : memref<64x128xf32, #tpu.memory_space<vmem_shared>>)
      %mul3A_111 = arith.constant 640 : i32
      %mul3A_112 = arith.muli %arg1, %mul3A_111 : i32
      %add3A_113 = arith.constant 448 : i32
      %add3A_114 = arith.addi %mul3A_112, %add3A_113 : i32
      %dma_wait3A_115 = arith.constant 0 : i32
      %dma_wait3A_116 = tpu.memref_slice %arg10[%add3A_114, %dma_wait3A_115] : memref<10240x128xf32, #tpu.memory_space<vmem_shared>> -> memref<64x128xf32, #tpu.memory_space<vmem_shared>>
      %dma_wait3A_117 = arith.constant 0 : i32
      %dma_wait3A_118 = tpu.memref_slice %arg10[%add3A_114, %dma_wait3A_117] : memref<10240x128xf32, #tpu.memory_space<vmem_shared>> -> memref<64x128xf32, #tpu.memory_space<vmem_shared>>
      tpu.wait_dma2 semaphore(%arg12 : memref<!tpu.dma_semaphore, #tpu.memory_space<semaphore_mem>>) src(%arg9 : memref<64x128xf32, #tpu.memory_space<vmem>>) dst(%dma_wait3A_118 : memref<64x128xf32, #tpu.memory_space<vmem_shared>>)
      %mul3A_119 = arith.constant 640 : i32
      %mul3A_120 = arith.muli %arg1, %mul3A_119 : i32
      %add3A_121 = arith.constant 512 : i32
      %add3A_122 = arith.addi %mul3A_120, %add3A_121 : i32
      %dma_wait3A_123 = arith.constant 0 : i32
      %dma_wait3A_124 = tpu.memref_slice %arg10[%add3A_122, %dma_wait3A_123] : memref<10240x128xf32, #tpu.memory_space<vmem_shared>> -> memref<64x128xf32, #tpu.memory_space<vmem_shared>>
      %dma_wait3A_125 = arith.constant 0 : i32
      %dma_wait3A_126 = tpu.memref_slice %arg10[%add3A_122, %dma_wait3A_125] : memref<10240x128xf32, #tpu.memory_space<vmem_shared>> -> memref<64x128xf32, #tpu.memory_space<vmem_shared>>
      tpu.wait_dma2 semaphore(%arg12 : memref<!tpu.dma_semaphore, #tpu.memory_space<semaphore_mem>>) src(%arg9 : memref<64x128xf32, #tpu.memory_space<vmem>>) dst(%dma_wait3A_126 : memref<64x128xf32, #tpu.memory_space<vmem_shared>>)
      %mul3A_127 = arith.constant 640 : i32
      %mul3A_128 = arith.muli %arg1, %mul3A_127 : i32
      %add3A_129 = arith.constant 576 : i32
      %add3A_130 = arith.addi %mul3A_128, %add3A_129 : i32
      %dma_wait3A_131 = arith.constant 0 : i32
      %dma_wait3A_132 = tpu.memref_slice %arg10[%add3A_130, %dma_wait3A_131] : memref<10240x128xf32, #tpu.memory_space<vmem_shared>> -> memref<64x128xf32, #tpu.memory_space<vmem_shared>>
      %dma_wait3A_133 = arith.constant 0 : i32
      %dma_wait3A_134 = tpu.memref_slice %arg10[%add3A_130, %dma_wait3A_133] : memref<10240x128xf32, #tpu.memory_space<vmem_shared>> -> memref<64x128xf32, #tpu.memory_space<vmem_shared>>
      tpu.wait_dma2 semaphore(%arg12 : memref<!tpu.dma_semaphore, #tpu.memory_space<semaphore_mem>>) src(%arg9 : memref<64x128xf32, #tpu.memory_space<vmem>>) dst(%dma_wait3A_134 : memref<64x128xf32, #tpu.memory_space<vmem_shared>>)
    } else {
    }
    %barrier3A = arith.constant 0 : index
    tpu.barrier barrier_id(%barrier3A)
    %scan3A = arith.constant 0 : i32
    %scan3A_31 = arith.constant 0 : i32
    %scan3A_32 = arith.constant 80 : i32
    %scan3A_33 = arith.addi %scan3A_31, %scan3A_32 : i32
    %scan3A_34 = arith.constant 1 : i32
    %scan3A_35 = scf.for %scan3A_55 = %scan3A_31 to %scan3A_33 step %scan3A_34 iter_args(%scan3A_56 = %scan3A) -> (i32)  : i32 {
      %rem3A_57 = arith.constant 2 : i32
      %rem3A_58 = arith.remsi %scan3A_55, %rem3A_57 : i32
      %add3A_59 = arith.constant 1 : i32
      %add3A_60 = arith.addi %scan3A_55, %add3A_59 : i32
      %jit3A = arith.constant 16 : i32
      %div3A = arith.divsi %add3A_60, %jit3A : i32
      %sign3A = arith.constant 0 : i32
      %sign3A_61 = arith.cmpi sgt, %add3A_60, %sign3A : i32
      %sign3A_62 = arith.extui %sign3A_61 : i1 to i32
      %sign3A_63 = arith.constant 0 : i32
      %sign3A_64 = arith.cmpi slt, %add3A_60, %sign3A_63 : i32
      %sign3A_65 = arith.extui %sign3A_64 : i1 to i32
      %sign3A_66 = arith.subi %sign3A_62, %sign3A_65 : i32
      %sign3A_67 = arith.constant 0 : i32
      %sign3A_68 = arith.cmpi sgt, %jit3A, %sign3A_67 : i32
      %sign3A_69 = arith.extui %sign3A_68 : i1 to i32
      %sign3A_70 = arith.constant 0 : i32
      %sign3A_71 = arith.cmpi slt, %jit3A, %sign3A_70 : i32
      %sign3A_72 = arith.extui %sign3A_71 : i1 to i32
      %sign3A_73 = arith.subi %sign3A_69, %sign3A_72 : i32
      %ne3A = arith.cmpi ne, %sign3A_66, %sign3A_73 : i32
      %rem3A_74 = arith.remsi %add3A_60, %jit3A : i32
      %ne3A_75 = arith.constant 0 : i32
      %ne3A_76 = arith.cmpi ne, %rem3A_74, %ne3A_75 : i32
      %and3A = arith.andi %ne3A, %ne3A_76 : i1
      %sub3A = arith.constant 1 : i32
      %sub3A_77 = arith.subi %div3A, %sub3A : i32
      %select_n3A = arith.select %and3A, %sub3A_77, %div3A : i32
      %rem3A_78 = arith.constant 2 : i32
      %rem3A_79 = arith.remsi %select_n3A, %rem3A_78 : i32
      %rem3A_80 = arith.constant 16 : i32
      %rem3A_81 = arith.remsi %add3A_60, %rem3A_80 : i32
      %eq3A_82 = arith.constant 0 : i32
      %eq3A_83 = arith.cmpi eq, %rem3A_81, %eq3A_82 : i32
      %lt3A = arith.constant 80 : i32
      %lt3A_84 = arith.cmpi slt, %add3A_60, %lt3A : i32
      %and3A_85 = arith.andi %eq3A_83, %lt3A_84 : i1
      %convert_element_type3A_86 = arith.extui %and3A_85 : i1 to i32
      %cond3A_87 = arith.constant 0 : i32
      %cond3A_88 = arith.cmpi ne, %convert_element_type3A_86, %cond3A_87 : i32
      scf.if %cond3A_88 {
        %mul3A_149 = arith.constant 16 : i32
        %mul3A_150 = arith.muli %select_n3A, %mul3A_149 : i32
        "tpu.region"() ({
          %run_scoped3A_153 = tpu.sem_alloc : memref<!tpu.dma_semaphore, #tpu.memory_space<semaphore_mem>>
          %dma_start3A_154 = arith.constant 0 : i32
          %dma_start3A_155 = arith.constant 0 : i32
          %dma_start3A_156 = tpu.memref_slice %arg6[%rem3A_79, %dma_start3A_154, %dma_start3A_155] : memref<2x16x125xi32, #tpu.memory_space<vmem>> -> memref<1x16x125xi32, #tpu.memory_space<vmem>>
          %dma_start3A_157 = tpu.memref_squeeze %dma_start3A_156 : memref<1x16x125xi32, #tpu.memory_space<vmem>> -> memref<16x125xi32, #tpu.memory_space<vmem>>
          %dma_start3A_158 = arith.constant 0 : i32
          %dma_start3A_159 = tpu.memref_slice %arg3[%add3A, %mul3A_150, %dma_start3A_158] : memref<32x80x125xi32, #tpu.memory_space<hbm>> -> memref<1x16x125xi32, #tpu.memory_space<hbm>>
          %dma_start3A_160 = tpu.memref_squeeze %dma_start3A_159 : memref<1x16x125xi32, #tpu.memory_space<hbm>> -> memref<16x125xi32, #tpu.memory_space<hbm>>
          %dma_start3A_161 = arith.constant 0 : i32
          %dma_start3A_162 = arith.constant 0 : i32
          %dma_start3A_163 = tpu.memref_slice %arg6[%rem3A_79, %dma_start3A_161, %dma_start3A_162] : memref<2x16x125xi32, #tpu.memory_space<vmem>> -> memref<1x16x125xi32, #tpu.memory_space<vmem>>
          %dma_start3A_164 = tpu.memref_squeeze %dma_start3A_163 : memref<1x16x125xi32, #tpu.memory_space<vmem>> -> memref<16x125xi32, #tpu.memory_space<vmem>>
          %dma_start3A_165 = arith.constant 0 : i32
          %dma_start3A_166 = tpu.memref_slice %arg3[%add3A, %mul3A_150, %dma_start3A_165] : memref<32x80x125xi32, #tpu.memory_space<hbm>> -> memref<1x16x125xi32, #tpu.memory_space<hbm>>
          %dma_start3A_167 = tpu.memref_squeeze %dma_start3A_166 : memref<1x16x125xi32, #tpu.memory_space<hbm>> -> memref<16x125xi32, #tpu.memory_space<hbm>>
          tpu.enqueue_dma source(%dma_start3A_167 : memref<16x125xi32, #tpu.memory_space<hbm>>) target(%dma_start3A_164 : memref<16x125xi32, #tpu.memory_space<vmem>>) target_semaphore(%run_scoped3A_153 : memref<!tpu.dma_semaphore, #tpu.memory_space<semaphore_mem>>)
          %dma_wait3A_168 = arith.constant 0 : i32
          %dma_wait3A_169 = arith.constant 0 : i32
          %dma_wait3A_170 = tpu.memref_slice %arg6[%rem3A_79, %dma_wait3A_168, %dma_wait3A_169] : memref<2x16x125xi32, #tpu.memory_space<vmem>> -> memref<1x16x125xi32, #tpu.memory_space<vmem>>
          %dma_wait3A_171 = tpu.memref_squeeze %dma_wait3A_170 : memref<1x16x125xi32, #tpu.memory_space<vmem>> -> memref<16x125xi32, #tpu.memory_space<vmem>>
          %dma_wait3A_172 = arith.constant 0 : i32
          %dma_wait3A_173 = tpu.memref_slice %arg3[%add3A, %mul3A_150, %dma_wait3A_172] : memref<32x80x125xi32, #tpu.memory_space<hbm>> -> memref<1x16x125xi32, #tpu.memory_space<hbm>>
          %dma_wait3A_174 = tpu.memref_squeeze %dma_wait3A_173 : memref<1x16x125xi32, #tpu.memory_space<hbm>> -> memref<16x125xi32, #tpu.memory_space<hbm>>
          %dma_wait3A_175 = arith.constant 0 : i32
          %dma_wait3A_176 = arith.constant 0 : i32
          %dma_wait3A_177 = tpu.memref_slice %arg6[%rem3A_79, %dma_wait3A_175, %dma_wait3A_176] : memref<2x16x125xi32, #tpu.memory_space<vmem>> -> memref<1x16x125xi32, #tpu.memory_space<vmem>>
          %dma_wait3A_178 = tpu.memref_squeeze %dma_wait3A_177 : memref<1x16x125xi32, #tpu.memory_space<vmem>> -> memref<16x125xi32, #tpu.memory_space<vmem>>
          %dma_wait3A_179 = arith.constant 0 : i32
          %dma_wait3A_180 = tpu.memref_slice %arg3[%add3A, %mul3A_150, %dma_wait3A_179] : memref<32x80x125xi32, #tpu.memory_space<hbm>> -> memref<1x16x125xi32, #tpu.memory_space<hbm>>
          %dma_wait3A_181 = tpu.memref_squeeze %dma_wait3A_180 : memref<1x16x125xi32, #tpu.memory_space<hbm>> -> memref<16x125xi32, #tpu.memory_space<hbm>>
          tpu.wait_dma2 semaphore(%run_scoped3A_153 : memref<!tpu.dma_semaphore, #tpu.memory_space<semaphore_mem>>) src(%dma_wait3A_181 : memref<16x125xi32, #tpu.memory_space<hbm>>) dst(%dma_wait3A_178 : memref<16x125xi32, #tpu.memory_space<vmem>>)
          tpu.yield
        }) : () -> ()
        %mul3A_151 = arith.constant 16 : i32
        %mul3A_152 = arith.muli %select_n3A, %mul3A_151 : i32
        "tpu.region"() ({
          %run_scoped3A_153 = tpu.sem_alloc : memref<!tpu.dma_semaphore, #tpu.memory_space<semaphore_mem>>
          %dma_start3A_154 = arith.constant 0 : i32
          %dma_start3A_155 = arith.constant 0 : i32
          %dma_start3A_156 = tpu.memref_slice %arg7[%rem3A_79, %dma_start3A_154, %dma_start3A_155] : memref<2x16x125xi32, #tpu.memory_space<vmem>> -> memref<1x16x125xi32, #tpu.memory_space<vmem>>
          %dma_start3A_157 = tpu.memref_squeeze %dma_start3A_156 : memref<1x16x125xi32, #tpu.memory_space<vmem>> -> memref<16x125xi32, #tpu.memory_space<vmem>>
          %dma_start3A_158 = arith.constant 0 : i32
          %dma_start3A_159 = tpu.memref_slice %arg4[%add3A, %mul3A_152, %dma_start3A_158] : memref<32x80x125xi32, #tpu.memory_space<hbm>> -> memref<1x16x125xi32, #tpu.memory_space<hbm>>
          %dma_start3A_160 = tpu.memref_squeeze %dma_start3A_159 : memref<1x16x125xi32, #tpu.memory_space<hbm>> -> memref<16x125xi32, #tpu.memory_space<hbm>>
          %dma_start3A_161 = arith.constant 0 : i32
          %dma_start3A_162 = arith.constant 0 : i32
          %dma_start3A_163 = tpu.memref_slice %arg7[%rem3A_79, %dma_start3A_161, %dma_start3A_162] : memref<2x16x125xi32, #tpu.memory_space<vmem>> -> memref<1x16x125xi32, #tpu.memory_space<vmem>>
          %dma_start3A_164 = tpu.memref_squeeze %dma_start3A_163 : memref<1x16x125xi32, #tpu.memory_space<vmem>> -> memref<16x125xi32, #tpu.memory_space<vmem>>
          %dma_start3A_165 = arith.constant 0 : i32
          %dma_start3A_166 = tpu.memref_slice %arg4[%add3A, %mul3A_152, %dma_start3A_165] : memref<32x80x125xi32, #tpu.memory_space<hbm>> -> memref<1x16x125xi32, #tpu.memory_space<hbm>>
          %dma_start3A_167 = tpu.memref_squeeze %dma_start3A_166 : memref<1x16x125xi32, #tpu.memory_space<hbm>> -> memref<16x125xi32, #tpu.memory_space<hbm>>
          tpu.enqueue_dma source(%dma_start3A_167 : memref<16x125xi32, #tpu.memory_space<hbm>>) target(%dma_start3A_164 : memref<16x125xi32, #tpu.memory_space<vmem>>) target_semaphore(%run_scoped3A_153 : memref<!tpu.dma_semaphore, #tpu.memory_space<semaphore_mem>>)
          %dma_wait3A_168 = arith.constant 0 : i32
          %dma_wait3A_169 = arith.constant 0 : i32
          %dma_wait3A_170 = tpu.memref_slice %arg7[%rem3A_79, %dma_wait3A_168, %dma_wait3A_169] : memref<2x16x125xi32, #tpu.memory_space<vmem>> -> memref<1x16x125xi32, #tpu.memory_space<vmem>>
          %dma_wait3A_171 = tpu.memref_squeeze %dma_wait3A_170 : memref<1x16x125xi32, #tpu.memory_space<vmem>> -> memref<16x125xi32, #tpu.memory_space<vmem>>
          %dma_wait3A_172 = arith.constant 0 : i32
          %dma_wait3A_173 = tpu.memref_slice %arg4[%add3A, %mul3A_152, %dma_wait3A_172] : memref<32x80x125xi32, #tpu.memory_space<hbm>> -> memref<1x16x125xi32, #tpu.memory_space<hbm>>
          %dma_wait3A_174 = tpu.memref_squeeze %dma_wait3A_173 : memref<1x16x125xi32, #tpu.memory_space<hbm>> -> memref<16x125xi32, #tpu.memory_space<hbm>>
          %dma_wait3A_175 = arith.constant 0 : i32
          %dma_wait3A_176 = arith.constant 0 : i32
          %dma_wait3A_177 = tpu.memref_slice %arg7[%rem3A_79, %dma_wait3A_175, %dma_wait3A_176] : memref<2x16x125xi32, #tpu.memory_space<vmem>> -> memref<1x16x125xi32, #tpu.memory_space<vmem>>
          %dma_wait3A_178 = tpu.memref_squeeze %dma_wait3A_177 : memref<1x16x125xi32, #tpu.memory_space<vmem>> -> memref<16x125xi32, #tpu.memory_space<vmem>>
          %dma_wait3A_179 = arith.constant 0 : i32
          %dma_wait3A_180 = tpu.memref_slice %arg4[%add3A, %mul3A_152, %dma_wait3A_179] : memref<32x80x125xi32, #tpu.memory_space<hbm>> -> memref<1x16x125xi32, #tpu.memory_space<hbm>>
          %dma_wait3A_181 = tpu.memref_squeeze %dma_wait3A_180 : memref<1x16x125xi32, #tpu.memory_space<hbm>> -> memref<16x125xi32, #tpu.memory_space<hbm>>
          tpu.wait_dma2 semaphore(%run_scoped3A_153 : memref<!tpu.dma_semaphore, #tpu.memory_space<semaphore_mem>>) src(%dma_wait3A_181 : memref<16x125xi32, #tpu.memory_space<hbm>>) dst(%dma_wait3A_178 : memref<16x125xi32, #tpu.memory_space<vmem>>)
          tpu.yield
        }) : () -> ()
      } else {
      }
      %gt3A = arith.constant 0 : i32
      %gt3A_89 = arith.cmpi sgt, %scan3A_55, %gt3A : i32
      %convert_element_type3A_90 = arith.extui %gt3A_89 : i1 to i32
      %cond3A_91 = arith.constant 0 : i32
      %cond3A_92 = arith.cmpi ne, %convert_element_type3A_90, %cond3A_91 : i32
      scf.if %cond3A_92 {
        %sub3A_149 = arith.constant 1 : i32
        %sub3A_150 = arith.subi %sub3A_149, %rem3A_58 : i32
        %dma_wait3A_151 = arith.constant 0 : i32
        %dma_wait3A_152 = arith.constant 0 : i32
        %dma_wait3A_153 = tpu.memref_slice %arg8[%sub3A_150, %dma_wait3A_151, %dma_wait3A_152] : memref<2x125x128xf32, #tpu.memory_space<vmem>> -> memref<1x125x128xf32, #tpu.memory_space<vmem>>
        %dma_wait3A_154 = tpu.memref_squeeze %dma_wait3A_153 : memref<1x125x128xf32, #tpu.memory_space<vmem>> -> memref<125x128xf32, #tpu.memory_space<vmem>>
        %dma_wait3A_155 = arith.constant 0 : i32
        %dma_wait3A_156 = arith.constant 0 : i32
        %dma_wait3A_157 = tpu.memref_slice %arg10[%dma_wait3A_155, %dma_wait3A_156] : memref<10240x128xf32, #tpu.memory_space<vmem_shared>> -> memref<125x128xf32, #tpu.memory_space<vmem_shared>>
        %dma_wait3A_158 = arith.constant 0 : i32
        %dma_wait3A_159 = arith.constant 0 : i32
        %dma_wait3A_160 = tpu.memref_slice %arg10[%dma_wait3A_158, %dma_wait3A_159] : memref<10240x128xf32, #tpu.memory_space<vmem_shared>> -> memref<125x128xf32, #tpu.memory_space<vmem_shared>>
        %dma_wait3A_161 = arith.constant 0 : i32
        %dma_wait3A_162 = arith.constant 0 : i32
        %dma_wait3A_163 = tpu.memref_slice %arg8[%sub3A_150, %dma_wait3A_161, %dma_wait3A_162] : memref<2x125x128xf32, #tpu.memory_space<vmem>> -> memref<1x125x128xf32, #tpu.memory_space<vmem>>
        %dma_wait3A_164 = tpu.memref_squeeze %dma_wait3A_163 : memref<1x125x128xf32, #tpu.memory_space<vmem>> -> memref<125x128xf32, #tpu.memory_space<vmem>>
        tpu.wait_dma2 semaphore(%arg13 : memref<!tpu.dma_semaphore, #tpu.memory_space<semaphore_mem>>) src(%dma_wait3A_164 : memref<125x128xf32, #tpu.memory_space<vmem>>) dst(%dma_wait3A_160 : memref<125x128xf32, #tpu.memory_space<vmem_shared>>)
      } else {
      }
      %lt3A_93 = arith.constant 80 : i32
      %lt3A_94 = arith.cmpi slt, %add3A_60, %lt3A_93 : i32
      %convert_element_type3A_95 = arith.extui %lt3A_94 : i1 to i32
      %cond3A_96 = arith.constant 0 : i32
      %cond3A_97 = arith.cmpi ne, %convert_element_type3A_95, %cond3A_96 : i32
      scf.if %cond3A_97 {
        %rem3A_149 = arith.constant 16 : i32
        %rem3A_150 = arith.remsi %add3A_60, %rem3A_149 : i32
        %sub3A_151 = arith.constant 1 : i32
        %sub3A_152 = arith.subi %sub3A_151, %rem3A_58 : i32
        %dma_start3A_153 = arith.constant 0 : i32
        %dma_start3A_154 = arith.constant 0 : i32
        %dma_start3A_155 = tpu.memref_slice %arg8[%sub3A_152, %dma_start3A_153, %dma_start3A_154] : memref<2x125x128xf32, #tpu.memory_space<vmem>> -> memref<1x125x128xf32, #tpu.memory_space<vmem>>
        %dma_start3A_156 = tpu.memref_squeeze %dma_start3A_155 : memref<1x125x128xf32, #tpu.memory_space<vmem>> -> memref<125x128xf32, #tpu.memory_space<vmem>>
        %dma_start3A_157 = arith.constant 0 : i32
        %dma_start3A_158 = tpu.memref_slice %arg6[%rem3A_79, %rem3A_150, %dma_start3A_157] : memref<2x16x125xi32, #tpu.memory_space<vmem>> -> memref<1x1x125xi32, #tpu.memory_space<vmem>>
        %dma_start3A_159 = tpu.memref_squeeze %dma_start3A_158 : memref<1x1x125xi32, #tpu.memory_space<vmem>> -> memref<125xi32, #tpu.memory_space<vmem>>
        %dma_start3A_160 = arith.constant 0 : i32
        %dma_start3A_161 = arith.constant 0 : i32
        %dma_start3A_162 = tpu.memref_slice %arg2[%dma_start3A_160, %dma_start3A_161] : memref<10000x128xf32, #tpu.memory_space<hbm>> -> memref<10000x128xf32, #tpu.memory_space<hbm>>
        tpu.enqueue_indirect_dma source(%dma_start3A_162 : memref<10000x128xf32, #tpu.memory_space<hbm>>) target(%dma_start3A_156 : memref<125x128xf32, #tpu.memory_space<vmem>>) offsets(%dma_start3A_159 : memref<125xi32, #tpu.memory_space<vmem>>) semaphore(%arg11 : memref<!tpu.dma_semaphore, #tpu.memory_space<semaphore_mem>>)
      } else {
      }
      %dma_wait3A_98 = arith.constant 0 : i32
      %dma_wait3A_99 = arith.constant 0 : i32
      %dma_wait3A_100 = arith.constant 0 : i32
      %dma_wait3A_101 = arith.constant 0 : i32
      %dma_wait3A_102 = tpu.memref_slice %arg8[%rem3A_58, %dma_wait3A_100, %dma_wait3A_101] : memref<2x125x128xf32, #tpu.memory_space<vmem>> -> memref<1x125x128xf32, #tpu.memory_space<vmem>>
      %dma_wait3A_103 = tpu.memref_squeeze %dma_wait3A_102 : memref<1x125x128xf32, #tpu.memory_space<vmem>> -> memref<125x128xf32, #tpu.memory_space<vmem>>
      %dma_wait3A_104 = arith.constant 0 : i32
      %dma_wait3A_105 = tpu.memref_slice %arg6[%dma_wait3A_98, %dma_wait3A_99, %dma_wait3A_104] : memref<2x16x125xi32, #tpu.memory_space<vmem>> -> memref<1x1x125xi32, #tpu.memory_space<vmem>>
      %dma_wait3A_106 = tpu.memref_squeeze %dma_wait3A_105 : memref<1x1x125xi32, #tpu.memory_space<vmem>> -> memref<125xi32, #tpu.memory_space<vmem>>
      %dma_wait3A_107 = arith.constant 0 : i32
      %dma_wait3A_108 = arith.constant 0 : i32
      %dma_wait3A_109 = tpu.memref_slice %arg2[%dma_wait3A_107, %dma_wait3A_108] : memref<10000x128xf32, #tpu.memory_space<hbm>> -> memref<10000x128xf32, #tpu.memory_space<hbm>>
      tpu.wait_indirect_dma semaphore(%arg11 : memref<!tpu.dma_semaphore, #tpu.memory_space<semaphore_mem>>) src(%dma_wait3A_109 : memref<10000x128xf32, #tpu.memory_space<hbm>>) dst(%dma_wait3A_103 : memref<125x128xf32, #tpu.memory_space<vmem>>)
      %jit3A_110 = arith.constant 16 : i32
      %div3A_111 = arith.divsi %scan3A_55, %jit3A_110 : i32
      %sign3A_112 = arith.constant 0 : i32
      %sign3A_113 = arith.cmpi sgt, %scan3A_55, %sign3A_112 : i32
      %sign3A_114 = arith.extui %sign3A_113 : i1 to i32
      %sign3A_115 = arith.constant 0 : i32
      %sign3A_116 = arith.cmpi slt, %scan3A_55, %sign3A_115 : i32
      %sign3A_117 = arith.extui %sign3A_116 : i1 to i32
      %sign3A_118 = arith.subi %sign3A_114, %sign3A_117 : i32
      %sign3A_119 = arith.constant 0 : i32
      %sign3A_120 = arith.cmpi sgt, %jit3A_110, %sign3A_119 : i32
      %sign3A_121 = arith.extui %sign3A_120 : i1 to i32
      %sign3A_122 = arith.constant 0 : i32
      %sign3A_123 = arith.cmpi slt, %jit3A_110, %sign3A_122 : i32
      %sign3A_124 = arith.extui %sign3A_123 : i1 to i32
      %sign3A_125 = arith.subi %sign3A_121, %sign3A_124 : i32
      %ne3A_126 = arith.cmpi ne, %sign3A_118, %sign3A_125 : i32
      %rem3A_127 = arith.remsi %scan3A_55, %jit3A_110 : i32
      %ne3A_128 = arith.constant 0 : i32
      %ne3A_129 = arith.cmpi ne, %rem3A_127, %ne3A_128 : i32
      %and3A_130 = arith.andi %ne3A_126, %ne3A_129 : i1
      %sub3A_131 = arith.constant 1 : i32
      %sub3A_132 = arith.subi %div3A_111, %sub3A_131 : i32
      %select_n3A_133 = arith.select %and3A_130, %sub3A_132, %div3A_111 : i32
      %rem3A_134 = arith.constant 2 : i32
      %rem3A_135 = arith.remsi %select_n3A_133, %rem3A_134 : i32
      %rem3A_136 = arith.constant 16 : i32
      %rem3A_137 = arith.remsi %scan3A_55, %rem3A_136 : i32
      %dma_start3A_138 = arith.constant 0 : i32
      %dma_start3A_139 = arith.constant 0 : i32
      %dma_start3A_140 = tpu.memref_slice %arg8[%rem3A_58, %dma_start3A_138, %dma_start3A_139] : memref<2x125x128xf32, #tpu.memory_space<vmem>> -> memref<1x125x128xf32, #tpu.memory_space<vmem>>
      %dma_start3A_141 = tpu.memref_squeeze %dma_start3A_140 : memref<1x125x128xf32, #tpu.memory_space<vmem>> -> memref<125x128xf32, #tpu.memory_space<vmem>>
      %dma_start3A_142 = arith.constant 0 : i32
      %dma_start3A_143 = tpu.memref_slice %arg7[%rem3A_135, %rem3A_137, %dma_start3A_142] : memref<2x16x125xi32, #tpu.memory_space<vmem>> -> memref<1x1x125xi32, #tpu.memory_space<vmem>>
      %dma_start3A_144 = tpu.memref_squeeze %dma_start3A_143 : memref<1x1x125xi32, #tpu.memory_space<vmem>> -> memref<125xi32, #tpu.memory_space<vmem>>
      %dma_start3A_145 = arith.constant 0 : i32
      %dma_start3A_146 = arith.constant 0 : i32
      %dma_start3A_147 = tpu.memref_slice %arg10[%dma_start3A_145, %dma_start3A_146] : memref<10240x128xf32, #tpu.memory_space<vmem_shared>> -> memref<10240x128xf32, #tpu.memory_space<vmem_shared>>
      tpu.enqueue_indirect_dma source(%dma_start3A_141 : memref<125x128xf32, #tpu.memory_space<vmem>>) target(%dma_start3A_147 : memref<10240x128xf32, #tpu.memory_space<vmem_shared>>) offsets(%dma_start3A_144 : memref<125xi32, #tpu.memory_space<vmem>>) semaphore(%arg13 : memref<!tpu.dma_semaphore, #tpu.memory_space<semaphore_mem>>) {add = true}
      %scan3A_148 = arith.constant 0 : i32
      scf.yield %scan3A_148 : i32
    }
    %scan3A_36 = arith.constant 80 : i32
    %rem3A = arith.constant 79 : i32
    %rem3A_37 = arith.constant 2 : i32
    %rem3A_38 = arith.remsi %rem3A, %rem3A_37 : i32
    %dma_wait3A = arith.constant 0 : i32
    %dma_wait3A_39 = arith.constant 0 : i32
    %dma_wait3A_40 = tpu.memref_slice %arg8[%rem3A_38, %dma_wait3A, %dma_wait3A_39] : memref<2x125x128xf32, #tpu.memory_space<vmem>> -> memref<1x125x128xf32, #tpu.memory_space<vmem>>
    %dma_wait3A_41 = tpu.memref_squeeze %dma_wait3A_40 : memref<1x125x128xf32, #tpu.memory_space<vmem>> -> memref<125x128xf32, #tpu.memory_space<vmem>>
    %dma_wait3A_42 = arith.constant 0 : i32
    %dma_wait3A_43 = arith.constant 0 : i32
    %dma_wait3A_44 = tpu.memref_slice %arg10[%dma_wait3A_42, %dma_wait3A_43] : memref<10240x128xf32, #tpu.memory_space<vmem_shared>> -> memref<125x128xf32, #tpu.memory_space<vmem_shared>>
    %dma_wait3A_45 = arith.constant 0 : i32
    %dma_wait3A_46 = arith.constant 0 : i32
    %dma_wait3A_47 = tpu.memref_slice %arg10[%dma_wait3A_45, %dma_wait3A_46] : memref<10240x128xf32, #tpu.memory_space<vmem_shared>> -> memref<125x128xf32, #tpu.memory_space<vmem_shared>>
    %dma_wait3A_48 = arith.constant 0 : i32
    %dma_wait3A_49 = arith.constant 0 : i32
    %dma_wait3A_50 = tpu.memref_slice %arg8[%rem3A_38, %dma_wait3A_48, %dma_wait3A_49] : memref<2x125x128xf32, #tpu.memory_space<vmem>> -> memref<1x125x128xf32, #tpu.memory_space<vmem>>
    %dma_wait3A_51 = tpu.memref_squeeze %dma_wait3A_50 : memref<1x125x128xf32, #tpu.memory_space<vmem>> -> memref<125x128xf32, #tpu.memory_space<vmem>>
    tpu.wait_dma2 semaphore(%arg13 : memref<!tpu.dma_semaphore, #tpu.memory_space<semaphore_mem>>) src(%dma_wait3A_51 : memref<125x128xf32, #tpu.memory_space<vmem>>) dst(%dma_wait3A_47 : memref<125x128xf32, #tpu.memory_space<vmem_shared>>)
    %barrier3A_52 = arith.constant 0 : index
    tpu.barrier barrier_id(%barrier3A_52)
    %mul3A_53 = arith.constant 640 : i32
    %mul3A_54 = arith.muli %arg1, %mul3A_53 : i32
    "tpu.region"() ({
      %run_scoped3A_55 = tpu.sem_alloc : memref<!tpu.dma_semaphore, #tpu.memory_space<semaphore_mem>>
      %dma_start3A_56 = arith.constant 0 : i32
      %dma_start3A_57 = tpu.memref_slice %arg5[%arg0, %mul3A_54, %dma_start3A_56] : memref<2x10240x128xf32, #tpu.memory_space<hbm>> -> memref<1x640x128xf32, #tpu.memory_space<hbm>>
      %dma_start3A_58 = tpu.memref_squeeze %dma_start3A_57 : memref<1x640x128xf32, #tpu.memory_space<hbm>> -> memref<640x128xf32, #tpu.memory_space<hbm>>
      %dma_start3A_59 = arith.constant 0 : i32
      %dma_start3A_60 = tpu.memref_slice %arg10[%mul3A_54, %dma_start3A_59] : memref<10240x128xf32, #tpu.memory_space<vmem_shared>> -> memref<640x128xf32, #tpu.memory_space<vmem_shared>>
      tpu.enqueue_dma source(%dma_start3A_60 : memref<640x128xf32, #tpu.memory_space<vmem_shared>>) target(%dma_start3A_58 : memref<640x128xf32, #tpu.memory_space<hbm>>) target_semaphore(%run_scoped3A_55 : memref<!tpu.dma_semaphore, #tpu.memory_space<semaphore_mem>>)
      %dma_wait3A_61 = arith.constant 0 : i32
      %dma_wait3A_62 = tpu.memref_slice %arg5[%arg0, %mul3A_54, %dma_wait3A_61] : memref<2x10240x128xf32, #tpu.memory_space<hbm>> -> memref<1x640x128xf32, #tpu.memory_space<hbm>>
      %dma_wait3A_63 = tpu.memref_squeeze %dma_wait3A_62 : memref<1x640x128xf32, #tpu.memory_space<hbm>> -> memref<640x128xf32, #tpu.memory_space<hbm>>
      %dma_wait3A_64 = arith.constant 0 : i32
      %dma_wait3A_65 = tpu.memref_slice %arg10[%mul3A_54, %dma_wait3A_64] : memref<10240x128xf32, #tpu.memory_space<vmem_shared>> -> memref<640x128xf32, #tpu.memory_space<vmem_shared>>
      tpu.wait_dma2 semaphore(%run_scoped3A_55 : memref<!tpu.dma_semaphore, #tpu.memory_space<semaphore_mem>>) src(%dma_wait3A_65 : memref<640x128xf32, #tpu.memory_space<vmem_shared>>) dst(%dma_wait3A_63 : memref<640x128xf32, #tpu.memory_space<hbm>>)
      tpu.yield
    }) : () -> ()
    return
  }
}

#map = affine_map<(d0, d1) -> (0, 0)>
#map1 = affine_map<(d0, d1) -> (0, 0, 0)>
module attributes {stable_mosaic.version = 14 : i64} {
  func.func @_seg_sum_body(%arg0: i32, %arg1: i32, %arg2: memref<10000x128xf32, #tpu.memory_space<hbm>>, %arg3: memref<32x80x125xi32, #tpu.memory_space<hbm>>, %arg4: memref<32x80x125xi32, #tpu.memory_space<hbm>>, %arg5: memref<2x10240x128xf32, #tpu.memory_space<hbm>>, %arg6: memref<2x16x125xi32, #tpu.memory_space<vmem>>, %arg7: memref<2x16x125xi32, #tpu.memory_space<vmem>>, %arg8: memref<2x125x128xf32, #tpu.memory_space<vmem>>, %arg9: memref<64x128xf32, #tpu.memory_space<vmem>>, %arg10: memref<10240x128xf32, #tpu.memory_space<vmem_shared>>, %arg11: memref<!tpu.dma_semaphore, #tpu.memory_space<semaphore_mem>>, %arg12: memref<!tpu.dma_semaphore, #tpu.memory_space<semaphore_mem>>, %arg13: memref<!tpu.dma_semaphore, #tpu.memory_space<semaphore_mem>>) attributes {dimension_semantics = [#tpu.dimension_semantics<core_parallel>, #tpu.dimension_semantics<subcore_parallel>], iteration_bounds = array<i64: 2, 16>, scalar_prefetch = 0 : i64, scratch_operands = 8 : i64, tpu.core_type = #tpu.core_type<sc_vector_subcore>, window_params = [{transform_indices = #map}, {transform_indices = #map1}, {transform_indices = #map1}, {transform_indices = #map1}]} {
    %mul3A = arith.constant 2 : i32
    %mul3A_0 = arith.muli %arg1, %mul3A : i32
    %add3A = arith.addi %mul3A_0, %arg0 : i32
    %eq3A = arith.constant 0 : i32
    %eq3A_1 = arith.cmpi eq, %arg0, %eq3A : i32
    %convert_element_type3A = arith.extui %eq3A_1 : i1 to i32
    %cond3A = arith.constant 0 : i32
    %cond3A_2 = arith.cmpi ne, %convert_element_type3A, %cond3A : i32
    scf.if %cond3A_2 {
      %lt3A = arith.constant 15 : i32
      %lt3A_55 = arith.cmpi slt, %arg1, %lt3A : i32
      %convert_element_type3A_56 = arith.extui %lt3A_55 : i1 to i32
      %cond3A_57 = arith.constant 0 : i32
      %cond3A_58 = arith.cmpi ne, %convert_element_type3A_56, %cond3A_57 : i32
      scf.if %cond3A_58 {
        %mul3A_64 = arith.constant 640 : i32
        %mul3A_65 = arith.muli %arg1, %mul3A_64 : i32
        %mul3A_66 = arith.constant 640 : i32
        %mul3A_67 = arith.muli %arg1, %mul3A_66 : i32
        %dma_start3A_68 = arith.constant 0 : i32
        %dma_start3A_69 = tpu.memref_slice %arg10[%mul3A_67, %dma_start3A_68] : memref<10240x128xf32, #tpu.memory_space<vmem_shared>> -> memref<640x128xf32, #tpu.memory_space<vmem_shared>>
        %dma_start3A_70 = arith.constant 0 : i32
        %dma_start3A_71 = tpu.memref_slice %arg2[%mul3A_65, %dma_start3A_70] : memref<10000x128xf32, #tpu.memory_space<hbm>> -> memref<640x128xf32, #tpu.memory_space<hbm>>
        tpu.enqueue_dma source(%dma_start3A_71 : memref<640x128xf32, #tpu.memory_space<hbm>>) target(%dma_start3A_69 : memref<640x128xf32, #tpu.memory_space<vmem_shared>>) target_semaphore(%arg12 : memref<!tpu.dma_semaphore, #tpu.memory_space<semaphore_mem>>)
      } else {
      }
      %eq3A_59 = arith.constant 15 : i32
      %eq3A_60 = arith.cmpi eq, %arg1, %eq3A_59 : i32
      %convert_element_type3A_61 = arith.extui %eq3A_60 : i1 to i32
      %cond3A_62 = arith.constant 0 : i32
      %cond3A_63 = arith.cmpi ne, %convert_element_type3A_61, %cond3A_62 : i32
      scf.if %cond3A_63 {
        %dma_start3A_64 = arith.constant 9600 : i32
        %dma_start3A_65 = arith.constant 0 : i32
        %dma_start3A_66 = tpu.memref_slice %arg10[%dma_start3A_64, %dma_start3A_65] : memref<10240x128xf32, #tpu.memory_space<vmem_shared>> -> memref<400x128xf32, #tpu.memory_space<vmem_shared>>
        %dma_start3A_67 = arith.constant 9600 : i32
        %dma_start3A_68 = arith.constant 0 : i32
        %dma_start3A_69 = tpu.memref_slice %arg2[%dma_start3A_67, %dma_start3A_68] : memref<10000x128xf32, #tpu.memory_space<hbm>> -> memref<400x128xf32, #tpu.memory_space<hbm>>
        tpu.enqueue_dma source(%dma_start3A_69 : memref<400x128xf32, #tpu.memory_space<hbm>>) target(%dma_start3A_66 : memref<400x128xf32, #tpu.memory_space<vmem_shared>>) target_semaphore(%arg12 : memref<!tpu.dma_semaphore, #tpu.memory_space<semaphore_mem>>)
      } else {
      }
    } else {
    }
    %eq3A_3 = arith.constant 1 : i32
    %eq3A_4 = arith.cmpi eq, %arg0, %eq3A_3 : i32
    %convert_element_type3A_5 = arith.extui %eq3A_4 : i1 to i32
    %cond3A_6 = arith.constant 0 : i32
    %cond3A_7 = arith.cmpi ne, %convert_element_type3A_5, %cond3A_6 : i32
    scf.if %cond3A_7 {
      %scan3A_55 = arith.constant 0 : i32
      %scan3A_56 = arith.constant 0 : i32
      %scan3A_57 = arith.constant 512 : i32
      %scan3A_58 = arith.addi %scan3A_56, %scan3A_57 : i32
      %scan3A_59 = arith.constant 1 : i32
      %scan3A_60 = scf.for %scan3A_142 = %scan3A_56 to %scan3A_58 step %scan3A_59 iter_args(%scan3A_143 = %scan3A_55) -> (i32)  : i32 {
        %broadcast_in_dim3A = arith.constant 0.000000e+00 : f32
        %broadcast_in_dim3A_144 = vector.broadcast %broadcast_in_dim3A : f32 to vector<16xf32>
        %jit3A = arith.constant 8 : i32
        %div3A = arith.divsi %scan3A_142, %jit3A : i32
        %sign3A = arith.constant 0 : i32
        %sign3A_145 = arith.cmpi sgt, %scan3A_142, %sign3A : i32
        %sign3A_146 = arith.extui %sign3A_145 : i1 to i32
        %sign3A_147 = arith.constant 0 : i32
        %sign3A_148 = arith.cmpi slt, %scan3A_142, %sign3A_147 : i32
        %sign3A_149 = arith.extui %sign3A_148 : i1 to i32
        %sign3A_150 = arith.subi %sign3A_146, %sign3A_149 : i32
        %sign3A_151 = arith.constant 0 : i32
        %sign3A_152 = arith.cmpi sgt, %jit3A, %sign3A_151 : i32
        %sign3A_153 = arith.extui %sign3A_152 : i1 to i32
        %sign3A_154 = arith.constant 0 : i32
        %sign3A_155 = arith.cmpi slt, %jit3A, %sign3A_154 : i32
        %sign3A_156 = arith.extui %sign3A_155 : i1 to i32
        %sign3A_157 = arith.subi %sign3A_153, %sign3A_156 : i32
        %ne3A = arith.cmpi ne, %sign3A_150, %sign3A_157 : i32
        %rem3A_158 = arith.remsi %scan3A_142, %jit3A : i32
        %ne3A_159 = arith.constant 0 : i32
        %ne3A_160 = arith.cmpi ne, %rem3A_158, %ne3A_159 : i32
        %and3A = arith.andi %ne3A, %ne3A_160 : i1
        %sub3A = arith.constant 1 : i32
        %sub3A_161 = arith.subi %div3A, %sub3A : i32
        %select_n3A = arith.select %and3A, %sub3A_161, %div3A : i32
        %jit3A_162 = arith.constant 8 : i32
        %eq3A_163 = arith.constant 0 : i32
        %eq3A_164 = arith.cmpi eq, %jit3A_162, %eq3A_163 : i32
        %jit3A_165 = arith.constant 1 : i32
        %select_n3A_166 = arith.select %eq3A_164, %jit3A_165, %jit3A_162 : i32
        %rem3A_167 = arith.remsi %scan3A_142, %select_n3A_166 : i32
        %ne3A_168 = arith.constant 0 : i32
        %ne3A_169 = arith.cmpi ne, %rem3A_167, %ne3A_168 : i32
        %lt3A = arith.constant 0 : i32
        %lt3A_170 = arith.cmpi slt, %rem3A_167, %lt3A : i32
        %lt3A_171 = arith.constant 0 : i32
        %lt3A_172 = arith.cmpi slt, %select_n3A_166, %lt3A_171 : i32
        %ne3A_173 = arith.xori %lt3A_170, %lt3A_172 : i1
        %and3A_174 = arith.andi %ne3A_173, %ne3A_169 : i1
        %add3A_175 = arith.addi %rem3A_167, %select_n3A_166 : i32
        %select_n3A_176 = arith.select %and3A_174, %add3A_175, %rem3A_167 : i32
        %mul3A_177 = arith.constant 16 : i32
        %mul3A_178 = arith.muli %select_n3A_176, %mul3A_177 : i32
        %swap3A = arith.index_cast %select_n3A : i32 to index
        %swap3A_179 = arith.index_cast %mul3A_178 : i32 to index
        %swap3A_180 = tpu.vector_load %arg9[%swap3A, %swap3A_179] {strides = array<i32>} : memref<64x128xf32, #tpu.memory_space<vmem>>, vector<1x16xf32>,
        %swap3A_181 = vector.shape_cast %swap3A_180 : vector<1x16xf32> to vector<16xf32>
        %swap3A_182 = vector.shape_cast %broadcast_in_dim3A_144 : vector<16xf32> to vector<1x16xf32>
        tpu.vector_store %arg9[%swap3A, %swap3A_179], %swap3A_182 {strides = array<i32>} : memref<64x128xf32, #tpu.memory_space<vmem>>, vector<1x16xf32>,
        %scan3A_183 = arith.constant 0 : i32
        scf.yield %scan3A_183 : i32
      }
      %scan3A_61 = arith.constant 512 : i32
      %mul3A_62 = arith.constant 640 : i32
      %mul3A_63 = arith.muli %arg1, %mul3A_62 : i32
      %add3A_64 = arith.constant 0 : i32
      %add3A_65 = arith.addi %mul3A_63, %add3A_64 : i32
      %dma_start3A_66 = arith.constant 0 : i32
      %dma_start3A_67 = tpu.memref_slice %arg10[%add3A_65, %dma_start3A_66] : memref<10240x128xf32, #tpu.memory_space<vmem_shared>> -> memref<64x128xf32, #tpu.memory_space<vmem_shared>>
      %dma_start3A_68 = arith.constant 0 : i32
      %dma_start3A_69 = tpu.memref_slice %arg10[%add3A_65, %dma_start3A_68] : memref<10240x128xf32, #tpu.memory_space<vmem_shared>> -> memref<64x128xf32, #tpu.memory_space<vmem_shared>>
      tpu.enqueue_dma source(%arg9 : memref<64x128xf32, #tpu.memory_space<vmem>>) target(%dma_start3A_69 : memref<64x128xf32, #tpu.memory_space<vmem_shared>>) target_semaphore(%arg12 : memref<!tpu.dma_semaphore, #tpu.memory_space<semaphore_mem>>)
      %mul3A_70 = arith.constant 640 : i32
      %mul3A_71 = arith.muli %arg1, %mul3A_70 : i32
      %add3A_72 = arith.constant 64 : i32
      %add3A_73 = arith.addi %mul3A_71, %add3A_72 : i32
      %dma_start3A_74 = arith.constant 0 : i32
      %dma_start3A_75 = tpu.memref_slice %arg10[%add3A_73, %dma_start3A_74] : memref<10240x128xf32, #tpu.memory_space<vmem_shared>> -> memref<64x128xf32, #tpu.memory_space<vmem_shared>>
      %dma_start3A_76 = arith.constant 0 : i32
      %dma_start3A_77 = tpu.memref_slice %arg10[%add3A_73, %dma_start3A_76] : memref<10240x128xf32, #tpu.memory_space<vmem_shared>> -> memref<64x128xf32, #tpu.memory_space<vmem_shared>>
      tpu.enqueue_dma source(%arg9 : memref<64x128xf32, #tpu.memory_space<vmem>>) target(%dma_start3A_77 : memref<64x128xf32, #tpu.memory_space<vmem_shared>>) target_semaphore(%arg12 : memref<!tpu.dma_semaphore, #tpu.memory_space<semaphore_mem>>)
      %mul3A_78 = arith.constant 640 : i32
      %mul3A_79 = arith.muli %arg1, %mul3A_78 : i32
      %add3A_80 = arith.constant 128 : i32
      %add3A_81 = arith.addi %mul3A_79, %add3A_80 : i32
      %dma_start3A_82 = arith.constant 0 : i32
      %dma_start3A_83 = tpu.memref_slice %arg10[%add3A_81, %dma_start3A_82] : memref<10240x128xf32, #tpu.memory_space<vmem_shared>> -> memref<64x128xf32, #tpu.memory_space<vmem_shared>>
      %dma_start3A_84 = arith.constant 0 : i32
      %dma_start3A_85 = tpu.memref_slice %arg10[%add3A_81, %dma_start3A_84] : memref<10240x128xf32, #tpu.memory_space<vmem_shared>> -> memref<64x128xf32, #tpu.memory_space<vmem_shared>>
      tpu.enqueue_dma source(%arg9 : memref<64x128xf32, #tpu.memory_space<vmem>>) target(%dma_start3A_85 : memref<64x128xf32, #tpu.memory_space<vmem_shared>>) target_semaphore(%arg12 : memref<!tpu.dma_semaphore, #tpu.memory_space<semaphore_mem>>)
      %mul3A_86 = arith.constant 640 : i32
      %mul3A_87 = arith.muli %arg1, %mul3A_86 : i32
      %add3A_88 = arith.constant 192 : i32
      %add3A_89 = arith.addi %mul3A_87, %add3A_88 : i32
      %dma_start3A_90 = arith.constant 0 : i32
      %dma_start3A_91 = tpu.memref_slice %arg10[%add3A_89, %dma_start3A_90] : memref<10240x128xf32, #tpu.memory_space<vmem_shared>> -> memref<64x128xf32, #tpu.memory_space<vmem_shared>>
      %dma_start3A_92 = arith.constant 0 : i32
      %dma_start3A_93 = tpu.memref_slice %arg10[%add3A_89, %dma_start3A_92] : memref<10240x128xf32, #tpu.memory_space<vmem_shared>> -> memref<64x128xf32, #tpu.memory_space<vmem_shared>>
      tpu.enqueue_dma source(%arg9 : memref<64x128xf32, #tpu.memory_space<vmem>>) target(%dma_start3A_93 : memref<64x128xf32, #tpu.memory_space<vmem_shared>>) target_semaphore(%arg12 : memref<!tpu.dma_semaphore, #tpu.memory_space<semaphore_mem>>)
      %mul3A_94 = arith.constant 640 : i32
      %mul3A_95 = arith.muli %arg1, %mul3A_94 : i32
      %add3A_96 = arith.constant 256 : i32
      %add3A_97 = arith.addi %mul3A_95, %add3A_96 : i32
      %dma_start3A_98 = arith.constant 0 : i32
      %dma_start3A_99 = tpu.memref_slice %arg10[%add3A_97, %dma_start3A_98] : memref<10240x128xf32, #tpu.memory_space<vmem_shared>> -> memref<64x128xf32, #tpu.memory_space<vmem_shared>>
      %dma_start3A_100 = arith.constant 0 : i32
      %dma_start3A_101 = tpu.memref_slice %arg10[%add3A_97, %dma_start3A_100] : memref<10240x128xf32, #tpu.memory_space<vmem_shared>> -> memref<64x128xf32, #tpu.memory_space<vmem_shared>>
      tpu.enqueue_dma source(%arg9 : memref<64x128xf32, #tpu.memory_space<vmem>>) target(%dma_start3A_101 : memref<64x128xf32, #tpu.memory_space<vmem_shared>>) target_semaphore(%arg12 : memref<!tpu.dma_semaphore, #tpu.memory_space<semaphore_mem>>)
      %mul3A_102 = arith.constant 640 : i32
      %mul3A_103 = arith.muli %arg1, %mul3A_102 : i32
      %add3A_104 = arith.constant 320 : i32
      %add3A_105 = arith.addi %mul3A_103, %add3A_104 : i32
      %dma_start3A_106 = arith.constant 0 : i32
      %dma_start3A_107 = tpu.memref_slice %arg10[%add3A_105, %dma_start3A_106] : memref<10240x128xf32, #tpu.memory_space<vmem_shared>> -> memref<64x128xf32, #tpu.memory_space<vmem_shared>>
      %dma_start3A_108 = arith.constant 0 : i32
      %dma_start3A_109 = tpu.memref_slice %arg10[%add3A_105, %dma_start3A_108] : memref<10240x128xf32, #tpu.memory_space<vmem_shared>> -> memref<64x128xf32, #tpu.memory_space<vmem_shared>>
      tpu.enqueue_dma source(%arg9 : memref<64x128xf32, #tpu.memory_space<vmem>>) target(%dma_start3A_109 : memref<64x128xf32, #tpu.memory_space<vmem_shared>>) target_semaphore(%arg12 : memref<!tpu.dma_semaphore, #tpu.memory_space<semaphore_mem>>)
      %mul3A_110 = arith.constant 640 : i32
      %mul3A_111 = arith.muli %arg1, %mul3A_110 : i32
      %add3A_112 = arith.constant 384 : i32
      %add3A_113 = arith.addi %mul3A_111, %add3A_112 : i32
      %dma_start3A_114 = arith.constant 0 : i32
      %dma_start3A_115 = tpu.memref_slice %arg10[%add3A_113, %dma_start3A_114] : memref<10240x128xf32, #tpu.memory_space<vmem_shared>> -> memref<64x128xf32, #tpu.memory_space<vmem_shared>>
      %dma_start3A_116 = arith.constant 0 : i32
      %dma_start3A_117 = tpu.memref_slice %arg10[%add3A_113, %dma_start3A_116] : memref<10240x128xf32, #tpu.memory_space<vmem_shared>> -> memref<64x128xf32, #tpu.memory_space<vmem_shared>>
      tpu.enqueue_dma source(%arg9 : memref<64x128xf32, #tpu.memory_space<vmem>>) target(%dma_start3A_117 : memref<64x128xf32, #tpu.memory_space<vmem_shared>>) target_semaphore(%arg12 : memref<!tpu.dma_semaphore, #tpu.memory_space<semaphore_mem>>)
      %mul3A_118 = arith.constant 640 : i32
      %mul3A_119 = arith.muli %arg1, %mul3A_118 : i32
      %add3A_120 = arith.constant 448 : i32
      %add3A_121 = arith.addi %mul3A_119, %add3A_120 : i32
      %dma_start3A_122 = arith.constant 0 : i32
      %dma_start3A_123 = tpu.memref_slice %arg10[%add3A_121, %dma_start3A_122] : memref<10240x128xf32, #tpu.memory_space<vmem_shared>> -> memref<64x128xf32, #tpu.memory_space<vmem_shared>>
      %dma_start3A_124 = arith.constant 0 : i32
      %dma_start3A_125 = tpu.memref_slice %arg10[%add3A_121, %dma_start3A_124] : memref<10240x128xf32, #tpu.memory_space<vmem_shared>> -> memref<64x128xf32, #tpu.memory_space<vmem_shared>>
      tpu.enqueue_dma source(%arg9 : memref<64x128xf32, #tpu.memory_space<vmem>>) target(%dma_start3A_125 : memref<64x128xf32, #tpu.memory_space<vmem_shared>>) target_semaphore(%arg12 : memref<!tpu.dma_semaphore, #tpu.memory_space<semaphore_mem>>)
      %mul3A_126 = arith.constant 640 : i32
      %mul3A_127 = arith.muli %arg1, %mul3A_126 : i32
      %add3A_128 = arith.constant 512 : i32
      %add3A_129 = arith.addi %mul3A_127, %add3A_128 : i32
      %dma_start3A_130 = arith.constant 0 : i32
      %dma_start3A_131 = tpu.memref_slice %arg10[%add3A_129, %dma_start3A_130] : memref<10240x128xf32, #tpu.memory_space<vmem_shared>> -> memref<64x128xf32, #tpu.memory_space<vmem_shared>>
      %dma_start3A_132 = arith.constant 0 : i32
      %dma_start3A_133 = tpu.memref_slice %arg10[%add3A_129, %dma_start3A_132] : memref<10240x128xf32, #tpu.memory_space<vmem_shared>> -> memref<64x128xf32, #tpu.memory_space<vmem_shared>>
      tpu.enqueue_dma source(%arg9 : memref<64x128xf32, #tpu.memory_space<vmem>>) target(%dma_start3A_133 : memref<64x128xf32, #tpu.memory_space<vmem_shared>>) target_semaphore(%arg12 : memref<!tpu.dma_semaphore, #tpu.memory_space<semaphore_mem>>)
      %mul3A_134 = arith.constant 640 : i32
      %mul3A_135 = arith.muli %arg1, %mul3A_134 : i32
      %add3A_136 = arith.constant 576 : i32
      %add3A_137 = arith.addi %mul3A_135, %add3A_136 : i32
      %dma_start3A_138 = arith.constant 0 : i32
      %dma_start3A_139 = tpu.memref_slice %arg10[%add3A_137, %dma_start3A_138] : memref<10240x128xf32, #tpu.memory_space<vmem_shared>> -> memref<64x128xf32, #tpu.memory_space<vmem_shared>>
      %dma_start3A_140 = arith.constant 0 : i32
      %dma_start3A_141 = tpu.memref_slice %arg10[%add3A_137, %dma_start3A_140] : memref<10240x128xf32, #tpu.memory_space<vmem_shared>> -> memref<64x128xf32, #tpu.memory_space<vmem_shared>>
      tpu.enqueue_dma source(%arg9 : memref<64x128xf32, #tpu.memory_space<vmem>>) target(%dma_start3A_141 : memref<64x128xf32, #tpu.memory_space<vmem_shared>>) target_semaphore(%arg12 : memref<!tpu.dma_semaphore, #tpu.memory_space<semaphore_mem>>)
    } else {
    }
    %run_scoped3A = arith.constant 0 : i32
    "tpu.region"() ({
      %run_scoped3A_55 = tpu.sem_alloc : memref<!tpu.dma_semaphore, #tpu.memory_space<semaphore_mem>>
      %dma_start3A_56 = arith.constant 0 : i32
      %dma_start3A_57 = arith.constant 0 : i32
      %dma_start3A_58 = tpu.memref_slice %arg6[%run_scoped3A, %dma_start3A_56, %dma_start3A_57] : memref<2x16x125xi32, #tpu.memory_space<vmem>> -> memref<1x16x125xi32, #tpu.memory_space<vmem>>
      %dma_start3A_59 = tpu.memref_squeeze %dma_start3A_58 : memref<1x16x125xi32, #tpu.memory_space<vmem>> -> memref<16x125xi32, #tpu.memory_space<vmem>>
      %dma_start3A_60 = arith.constant 0 : i32
      %dma_start3A_61 = arith.constant 0 : i32
      %dma_start3A_62 = tpu.memref_slice %arg3[%add3A, %dma_start3A_60, %dma_start3A_61] : memref<32x80x125xi32, #tpu.memory_space<hbm>> -> memref<1x16x125xi32, #tpu.memory_space<hbm>>
      %dma_start3A_63 = tpu.memref_squeeze %dma_start3A_62 : memref<1x16x125xi32, #tpu.memory_space<hbm>> -> memref<16x125xi32, #tpu.memory_space<hbm>>
      %dma_start3A_64 = arith.constant 0 : i32
      %dma_start3A_65 = arith.constant 0 : i32
      %dma_start3A_66 = tpu.memref_slice %arg6[%run_scoped3A, %dma_start3A_64, %dma_start3A_65] : memref<2x16x125xi32, #tpu.memory_space<vmem>> -> memref<1x16x125xi32, #tpu.memory_space<vmem>>
      %dma_start3A_67 = tpu.memref_squeeze %dma_start3A_66 : memref<1x16x125xi32, #tpu.memory_space<vmem>> -> memref<16x125xi32, #tpu.memory_space<vmem>>
      %dma_start3A_68 = arith.constant 0 : i32
      %dma_start3A_69 = arith.constant 0 : i32
      %dma_start3A_70 = tpu.memref_slice %arg3[%add3A, %dma_start3A_68, %dma_start3A_69] : memref<32x80x125xi32, #tpu.memory_space<hbm>> -> memref<1x16x125xi32, #tpu.memory_space<hbm>>
      %dma_start3A_71 = tpu.memref_squeeze %dma_start3A_70 : memref<1x16x125xi32, #tpu.memory_space<hbm>> -> memref<16x125xi32, #tpu.memory_space<hbm>>
      tpu.enqueue_dma source(%dma_start3A_71 : memref<16x125xi32, #tpu.memory_space<hbm>>) target(%dma_start3A_67 : memref<16x125xi32, #tpu.memory_space<vmem>>) target_semaphore(%run_scoped3A_55 : memref<!tpu.dma_semaphore, #tpu.memory_space<semaphore_mem>>)
      %dma_wait3A_72 = arith.constant 0 : i32
      %dma_wait3A_73 = arith.constant 0 : i32
      %dma_wait3A_74 = tpu.memref_slice %arg6[%run_scoped3A, %dma_wait3A_72, %dma_wait3A_73] : memref<2x16x125xi32, #tpu.memory_space<vmem>> -> memref<1x16x125xi32, #tpu.memory_space<vmem>>
      %dma_wait3A_75 = tpu.memref_squeeze %dma_wait3A_74 : memref<1x16x125xi32, #tpu.memory_space<vmem>> -> memref<16x125xi32, #tpu.memory_space<vmem>>
      %dma_wait3A_76 = arith.constant 0 : i32
      %dma_wait3A_77 = arith.constant 0 : i32
      %dma_wait3A_78 = tpu.memref_slice %arg3[%add3A, %dma_wait3A_76, %dma_wait3A_77] : memref<32x80x125xi32, #tpu.memory_space<hbm>> -> memref<1x16x125xi32, #tpu.memory_space<hbm>>
      %dma_wait3A_79 = tpu.memref_squeeze %dma_wait3A_78 : memref<1x16x125xi32, #tpu.memory_space<hbm>> -> memref<16x125xi32, #tpu.memory_space<hbm>>
      %dma_wait3A_80 = arith.constant 0 : i32
      %dma_wait3A_81 = arith.constant 0 : i32
      %dma_wait3A_82 = tpu.memref_slice %arg6[%run_scoped3A, %dma_wait3A_80, %dma_wait3A_81] : memref<2x16x125xi32, #tpu.memory_space<vmem>> -> memref<1x16x125xi32, #tpu.memory_space<vmem>>
      %dma_wait3A_83 = tpu.memref_squeeze %dma_wait3A_82 : memref<1x16x125xi32, #tpu.memory_space<vmem>> -> memref<16x125xi32, #tpu.memory_space<vmem>>
      %dma_wait3A_84 = arith.constant 0 : i32
      %dma_wait3A_85 = arith.constant 0 : i32
      %dma_wait3A_86 = tpu.memref_slice %arg3[%add3A, %dma_wait3A_84, %dma_wait3A_85] : memref<32x80x125xi32, #tpu.memory_space<hbm>> -> memref<1x16x125xi32, #tpu.memory_space<hbm>>
      %dma_wait3A_87 = tpu.memref_squeeze %dma_wait3A_86 : memref<1x16x125xi32, #tpu.memory_space<hbm>> -> memref<16x125xi32, #tpu.memory_space<hbm>>
      tpu.wait_dma2 semaphore(%run_scoped3A_55 : memref<!tpu.dma_semaphore, #tpu.memory_space<semaphore_mem>>) src(%dma_wait3A_87 : memref<16x125xi32, #tpu.memory_space<hbm>>) dst(%dma_wait3A_83 : memref<16x125xi32, #tpu.memory_space<vmem>>)
      tpu.yield
    }) : () -> ()
    %run_scoped3A_8 = arith.constant 0 : i32
    "tpu.region"() ({
      %run_scoped3A_55 = tpu.sem_alloc : memref<!tpu.dma_semaphore, #tpu.memory_space<semaphore_mem>>
      %dma_start3A_56 = arith.constant 0 : i32
      %dma_start3A_57 = arith.constant 0 : i32
      %dma_start3A_58 = tpu.memref_slice %arg7[%run_scoped3A_8, %dma_start3A_56, %dma_start3A_57] : memref<2x16x125xi32, #tpu.memory_space<vmem>> -> memref<1x16x125xi32, #tpu.memory_space<vmem>>
      %dma_start3A_59 = tpu.memref_squeeze %dma_start3A_58 : memref<1x16x125xi32, #tpu.memory_space<vmem>> -> memref<16x125xi32, #tpu.memory_space<vmem>>
      %dma_start3A_60 = arith.constant 0 : i32
      %dma_start3A_61 = arith.constant 0 : i32
      %dma_start3A_62 = tpu.memref_slice %arg4[%add3A, %dma_start3A_60, %dma_start3A_61] : memref<32x80x125xi32, #tpu.memory_space<hbm>> -> memref<1x16x125xi32, #tpu.memory_space<hbm>>
      %dma_start3A_63 = tpu.memref_squeeze %dma_start3A_62 : memref<1x16x125xi32, #tpu.memory_space<hbm>> -> memref<16x125xi32, #tpu.memory_space<hbm>>
      %dma_start3A_64 = arith.constant 0 : i32
      %dma_start3A_65 = arith.constant 0 : i32
      %dma_start3A_66 = tpu.memref_slice %arg7[%run_scoped3A_8, %dma_start3A_64, %dma_start3A_65] : memref<2x16x125xi32, #tpu.memory_space<vmem>> -> memref<1x16x125xi32, #tpu.memory_space<vmem>>
      %dma_start3A_67 = tpu.memref_squeeze %dma_start3A_66 : memref<1x16x125xi32, #tpu.memory_space<vmem>> -> memref<16x125xi32, #tpu.memory_space<vmem>>
      %dma_start3A_68 = arith.constant 0 : i32
      %dma_start3A_69 = arith.constant 0 : i32
      %dma_start3A_70 = tpu.memref_slice %arg4[%add3A, %dma_start3A_68, %dma_start3A_69] : memref<32x80x125xi32, #tpu.memory_space<hbm>> -> memref<1x16x125xi32, #tpu.memory_space<hbm>>
      %dma_start3A_71 = tpu.memref_squeeze %dma_start3A_70 : memref<1x16x125xi32, #tpu.memory_space<hbm>> -> memref<16x125xi32, #tpu.memory_space<hbm>>
      tpu.enqueue_dma source(%dma_start3A_71 : memref<16x125xi32, #tpu.memory_space<hbm>>) target(%dma_start3A_67 : memref<16x125xi32, #tpu.memory_space<vmem>>) target_semaphore(%run_scoped3A_55 : memref<!tpu.dma_semaphore, #tpu.memory_space<semaphore_mem>>)
      %dma_wait3A_72 = arith.constant 0 : i32
      %dma_wait3A_73 = arith.constant 0 : i32
      %dma_wait3A_74 = tpu.memref_slice %arg7[%run_scoped3A_8, %dma_wait3A_72, %dma_wait3A_73] : memref<2x16x125xi32, #tpu.memory_space<vmem>> -> memref<1x16x125xi32, #tpu.memory_space<vmem>>
      %dma_wait3A_75 = tpu.memref_squeeze %dma_wait3A_74 : memref<1x16x125xi32, #tpu.memory_space<vmem>> -> memref<16x125xi32, #tpu.memory_space<vmem>>
      %dma_wait3A_76 = arith.constant 0 : i32
      %dma_wait3A_77 = arith.constant 0 : i32
      %dma_wait3A_78 = tpu.memref_slice %arg4[%add3A, %dma_wait3A_76, %dma_wait3A_77] : memref<32x80x125xi32, #tpu.memory_space<hbm>> -> memref<1x16x125xi32, #tpu.memory_space<hbm>>
      %dma_wait3A_79 = tpu.memref_squeeze %dma_wait3A_78 : memref<1x16x125xi32, #tpu.memory_space<hbm>> -> memref<16x125xi32, #tpu.memory_space<hbm>>
      %dma_wait3A_80 = arith.constant 0 : i32
      %dma_wait3A_81 = arith.constant 0 : i32
      %dma_wait3A_82 = tpu.memref_slice %arg7[%run_scoped3A_8, %dma_wait3A_80, %dma_wait3A_81] : memref<2x16x125xi32, #tpu.memory_space<vmem>> -> memref<1x16x125xi32, #tpu.memory_space<vmem>>
      %dma_wait3A_83 = tpu.memref_squeeze %dma_wait3A_82 : memref<1x16x125xi32, #tpu.memory_space<vmem>> -> memref<16x125xi32, #tpu.memory_space<vmem>>
      %dma_wait3A_84 = arith.constant 0 : i32
      %dma_wait3A_85 = arith.constant 0 : i32
      %dma_wait3A_86 = tpu.memref_slice %arg4[%add3A, %dma_wait3A_84, %dma_wait3A_85] : memref<32x80x125xi32, #tpu.memory_space<hbm>> -> memref<1x16x125xi32, #tpu.memory_space<hbm>>
      %dma_wait3A_87 = tpu.memref_squeeze %dma_wait3A_86 : memref<1x16x125xi32, #tpu.memory_space<hbm>> -> memref<16x125xi32, #tpu.memory_space<hbm>>
      tpu.wait_dma2 semaphore(%run_scoped3A_55 : memref<!tpu.dma_semaphore, #tpu.memory_space<semaphore_mem>>) src(%dma_wait3A_87 : memref<16x125xi32, #tpu.memory_space<hbm>>) dst(%dma_wait3A_83 : memref<16x125xi32, #tpu.memory_space<vmem>>)
      tpu.yield
    }) : () -> ()
    %dma_start3A = arith.constant 0 : i32
    %dma_start3A_9 = arith.constant 0 : i32
    %dma_start3A_10 = arith.constant 0 : i32
    %dma_start3A_11 = arith.constant 0 : i32
    %dma_start3A_12 = arith.constant 0 : i32
    %dma_start3A_13 = tpu.memref_slice %arg8[%dma_start3A_10, %dma_start3A_11, %dma_start3A_12] : memref<2x125x128xf32, #tpu.memory_space<vmem>> -> memref<1x125x128xf32, #tpu.memory_space<vmem>>
    %dma_start3A_14 = tpu.memref_squeeze %dma_start3A_13 : memref<1x125x128xf32, #tpu.memory_space<vmem>> -> memref<125x128xf32, #tpu.memory_space<vmem>>
    %dma_start3A_15 = arith.constant 0 : i32
    %dma_start3A_16 = tpu.memref_slice %arg6[%dma_start3A, %dma_start3A_9, %dma_start3A_15] : memref<2x16x125xi32, #tpu.memory_space<vmem>> -> memref<1x1x125xi32, #tpu.memory_space<vmem>>
    %dma_start3A_17 = tpu.memref_squeeze %dma_start3A_16 : memref<1x1x125xi32, #tpu.memory_space<vmem>> -> memref<125xi32, #tpu.memory_space<vmem>>
    %dma_start3A_18 = arith.constant 0 : i32
    %dma_start3A_19 = arith.constant 0 : i32
    %dma_start3A_20 = tpu.memref_slice %arg2[%dma_start3A_18, %dma_start3A_19] : memref<10000x128xf32, #tpu.memory_space<hbm>> -> memref<10000x128xf32, #tpu.memory_space<hbm>>
    tpu.enqueue_indirect_dma source(%dma_start3A_20 : memref<10000x128xf32, #tpu.memory_space<hbm>>) target(%dma_start3A_14 : memref<125x128xf32, #tpu.memory_space<vmem>>) offsets(%dma_start3A_17 : memref<125xi32, #tpu.memory_space<vmem>>) semaphore(%arg11 : memref<!tpu.dma_semaphore, #tpu.memory_space<semaphore_mem>>)
    %eq3A_21 = arith.constant 0 : i32
    %eq3A_22 = arith.cmpi eq, %arg0, %eq3A_21 : i32
    %convert_element_type3A_23 = arith.extui %eq3A_22 : i1 to i32
    %cond3A_24 = arith.constant 0 : i32
    %cond3A_25 = arith.cmpi ne, %convert_element_type3A_23, %cond3A_24 : i32
    scf.if %cond3A_25 {
      %lt3A = arith.constant 15 : i32
      %lt3A_55 = arith.cmpi slt, %arg1, %lt3A : i32
      %convert_element_type3A_56 = arith.extui %lt3A_55 : i1 to i32
      %cond3A_57 = arith.constant 0 : i32
      %cond3A_58 = arith.cmpi ne, %convert_element_type3A_56, %cond3A_57 : i32
      scf.if %cond3A_58 {
        %mul3A_64 = arith.constant 640 : i32
        %mul3A_65 = arith.muli %arg1, %mul3A_64 : i32
        %mul3A_66 = arith.constant 640 : i32
        %mul3A_67 = arith.muli %arg1, %mul3A_66 : i32
        %dma_wait3A_68 = arith.constant 0 : i32
        %dma_wait3A_69 = tpu.memref_slice %arg10[%mul3A_67, %dma_wait3A_68] : memref<10240x128xf32, #tpu.memory_space<vmem_shared>> -> memref<640x128xf32, #tpu.memory_space<vmem_shared>>
        %dma_wait3A_70 = arith.constant 0 : i32
        %dma_wait3A_71 = tpu.memref_slice %arg2[%mul3A_65, %dma_wait3A_70] : memref<10000x128xf32, #tpu.memory_space<hbm>> -> memref<640x128xf32, #tpu.memory_space<hbm>>
        tpu.wait_dma2 semaphore(%arg12 : memref<!tpu.dma_semaphore, #tpu.memory_space<semaphore_mem>>) src(%dma_wait3A_71 : memref<640x128xf32, #tpu.memory_space<hbm>>) dst(%dma_wait3A_69 : memref<640x128xf32, #tpu.memory_space<vmem_shared>>)
      } else {
      }
      %eq3A_59 = arith.constant 15 : i32
      %eq3A_60 = arith.cmpi eq, %arg1, %eq3A_59 : i32
      %convert_element_type3A_61 = arith.extui %eq3A_60 : i1 to i32
      %cond3A_62 = arith.constant 0 : i32
      %cond3A_63 = arith.cmpi ne, %convert_element_type3A_61, %cond3A_62 : i32
      scf.if %cond3A_63 {
        %dma_wait3A_64 = arith.constant 9600 : i32
        %dma_wait3A_65 = arith.constant 0 : i32
        %dma_wait3A_66 = tpu.memref_slice %arg10[%dma_wait3A_64, %dma_wait3A_65] : memref<10240x128xf32, #tpu.memory_space<vmem_shared>> -> memref<400x128xf32, #tpu.memory_space<vmem_shared>>
        %dma_wait3A_67 = arith.constant 9600 : i32
        %dma_wait3A_68 = arith.constant 0 : i32
        %dma_wait3A_69 = tpu.memref_slice %arg2[%dma_wait3A_67, %dma_wait3A_68] : memref<10000x128xf32, #tpu.memory_space<hbm>> -> memref<400x128xf32, #tpu.memory_space<hbm>>
        tpu.wait_dma2 semaphore(%arg12 : memref<!tpu.dma_semaphore, #tpu.memory_space<semaphore_mem>>) src(%dma_wait3A_69 : memref<400x128xf32, #tpu.memory_space<hbm>>) dst(%dma_wait3A_66 : memref<400x128xf32, #tpu.memory_space<vmem_shared>>)
      } else {
      }
    } else {
    }
    %eq3A_26 = arith.constant 1 : i32
    %eq3A_27 = arith.cmpi eq, %arg0, %eq3A_26 : i32
    %convert_element_type3A_28 = arith.extui %eq3A_27 : i1 to i32
    %cond3A_29 = arith.constant 0 : i32
    %cond3A_30 = arith.cmpi ne, %convert_element_type3A_28, %cond3A_29 : i32
    scf.if %cond3A_30 {
      %mul3A_55 = arith.constant 640 : i32
      %mul3A_56 = arith.muli %arg1, %mul3A_55 : i32
      %add3A_57 = arith.constant 0 : i32
      %add3A_58 = arith.addi %mul3A_56, %add3A_57 : i32
      %dma_wait3A_59 = arith.constant 0 : i32
      %dma_wait3A_60 = tpu.memref_slice %arg10[%add3A_58, %dma_wait3A_59] : memref<10240x128xf32, #tpu.memory_space<vmem_shared>> -> memref<64x128xf32, #tpu.memory_space<vmem_shared>>
      %dma_wait3A_61 = arith.constant 0 : i32
      %dma_wait3A_62 = tpu.memref_slice %arg10[%add3A_58, %dma_wait3A_61] : memref<10240x128xf32, #tpu.memory_space<vmem_shared>> -> memref<64x128xf32, #tpu.memory_space<vmem_shared>>
      tpu.wait_dma2 semaphore(%arg12 : memref<!tpu.dma_semaphore, #tpu.memory_space<semaphore_mem>>) src(%arg9 : memref<64x128xf32, #tpu.memory_space<vmem>>) dst(%dma_wait3A_62 : memref<64x128xf32, #tpu.memory_space<vmem_shared>>)
      %mul3A_63 = arith.constant 640 : i32
      %mul3A_64 = arith.muli %arg1, %mul3A_63 : i32
      %add3A_65 = arith.constant 64 : i32
      %add3A_66 = arith.addi %mul3A_64, %add3A_65 : i32
      %dma_wait3A_67 = arith.constant 0 : i32
      %dma_wait3A_68 = tpu.memref_slice %arg10[%add3A_66, %dma_wait3A_67] : memref<10240x128xf32, #tpu.memory_space<vmem_shared>> -> memref<64x128xf32, #tpu.memory_space<vmem_shared>>
      %dma_wait3A_69 = arith.constant 0 : i32
      %dma_wait3A_70 = tpu.memref_slice %arg10[%add3A_66, %dma_wait3A_69] : memref<10240x128xf32, #tpu.memory_space<vmem_shared>> -> memref<64x128xf32, #tpu.memory_space<vmem_shared>>
      tpu.wait_dma2 semaphore(%arg12 : memref<!tpu.dma_semaphore, #tpu.memory_space<semaphore_mem>>) src(%arg9 : memref<64x128xf32, #tpu.memory_space<vmem>>) dst(%dma_wait3A_70 : memref<64x128xf32, #tpu.memory_space<vmem_shared>>)
      %mul3A_71 = arith.constant 640 : i32
      %mul3A_72 = arith.muli %arg1, %mul3A_71 : i32
      %add3A_73 = arith.constant 128 : i32
      %add3A_74 = arith.addi %mul3A_72, %add3A_73 : i32
      %dma_wait3A_75 = arith.constant 0 : i32
      %dma_wait3A_76 = tpu.memref_slice %arg10[%add3A_74, %dma_wait3A_75] : memref<10240x128xf32, #tpu.memory_space<vmem_shared>> -> memref<64x128xf32, #tpu.memory_space<vmem_shared>>
      %dma_wait3A_77 = arith.constant 0 : i32
      %dma_wait3A_78 = tpu.memref_slice %arg10[%add3A_74, %dma_wait3A_77] : memref<10240x128xf32, #tpu.memory_space<vmem_shared>> -> memref<64x128xf32, #tpu.memory_space<vmem_shared>>
      tpu.wait_dma2 semaphore(%arg12 : memref<!tpu.dma_semaphore, #tpu.memory_space<semaphore_mem>>) src(%arg9 : memref<64x128xf32, #tpu.memory_space<vmem>>) dst(%dma_wait3A_78 : memref<64x128xf32, #tpu.memory_space<vmem_shared>>)
      %mul3A_79 = arith.constant 640 : i32
      %mul3A_80 = arith.muli %arg1, %mul3A_79 : i32
      %add3A_81 = arith.constant 192 : i32
      %add3A_82 = arith.addi %mul3A_80, %add3A_81 : i32
      %dma_wait3A_83 = arith.constant 0 : i32
      %dma_wait3A_84 = tpu.memref_slice %arg10[%add3A_82, %dma_wait3A_83] : memref<10240x128xf32, #tpu.memory_space<vmem_shared>> -> memref<64x128xf32, #tpu.memory_space<vmem_shared>>
      %dma_wait3A_85 = arith.constant 0 : i32
      %dma_wait3A_86 = tpu.memref_slice %arg10[%add3A_82, %dma_wait3A_85] : memref<10240x128xf32, #tpu.memory_space<vmem_shared>> -> memref<64x128xf32, #tpu.memory_space<vmem_shared>>
      tpu.wait_dma2 semaphore(%arg12 : memref<!tpu.dma_semaphore, #tpu.memory_space<semaphore_mem>>) src(%arg9 : memref<64x128xf32, #tpu.memory_space<vmem>>) dst(%dma_wait3A_86 : memref<64x128xf32, #tpu.memory_space<vmem_shared>>)
      %mul3A_87 = arith.constant 640 : i32
      %mul3A_88 = arith.muli %arg1, %mul3A_87 : i32
      %add3A_89 = arith.constant 256 : i32
      %add3A_90 = arith.addi %mul3A_88, %add3A_89 : i32
      %dma_wait3A_91 = arith.constant 0 : i32
      %dma_wait3A_92 = tpu.memref_slice %arg10[%add3A_90, %dma_wait3A_91] : memref<10240x128xf32, #tpu.memory_space<vmem_shared>> -> memref<64x128xf32, #tpu.memory_space<vmem_shared>>
      %dma_wait3A_93 = arith.constant 0 : i32
      %dma_wait3A_94 = tpu.memref_slice %arg10[%add3A_90, %dma_wait3A_93] : memref<10240x128xf32, #tpu.memory_space<vmem_shared>> -> memref<64x128xf32, #tpu.memory_space<vmem_shared>>
      tpu.wait_dma2 semaphore(%arg12 : memref<!tpu.dma_semaphore, #tpu.memory_space<semaphore_mem>>) src(%arg9 : memref<64x128xf32, #tpu.memory_space<vmem>>) dst(%dma_wait3A_94 : memref<64x128xf32, #tpu.memory_space<vmem_shared>>)
      %mul3A_95 = arith.constant 640 : i32
      %mul3A_96 = arith.muli %arg1, %mul3A_95 : i32
      %add3A_97 = arith.constant 320 : i32
      %add3A_98 = arith.addi %mul3A_96, %add3A_97 : i32
      %dma_wait3A_99 = arith.constant 0 : i32
      %dma_wait3A_100 = tpu.memref_slice %arg10[%add3A_98, %dma_wait3A_99] : memref<10240x128xf32, #tpu.memory_space<vmem_shared>> -> memref<64x128xf32, #tpu.memory_space<vmem_shared>>
      %dma_wait3A_101 = arith.constant 0 : i32
      %dma_wait3A_102 = tpu.memref_slice %arg10[%add3A_98, %dma_wait3A_101] : memref<10240x128xf32, #tpu.memory_space<vmem_shared>> -> memref<64x128xf32, #tpu.memory_space<vmem_shared>>
      tpu.wait_dma2 semaphore(%arg12 : memref<!tpu.dma_semaphore, #tpu.memory_space<semaphore_mem>>) src(%arg9 : memref<64x128xf32, #tpu.memory_space<vmem>>) dst(%dma_wait3A_102 : memref<64x128xf32, #tpu.memory_space<vmem_shared>>)
      %mul3A_103 = arith.constant 640 : i32
      %mul3A_104 = arith.muli %arg1, %mul3A_103 : i32
      %add3A_105 = arith.constant 384 : i32
      %add3A_106 = arith.addi %mul3A_104, %add3A_105 : i32
      %dma_wait3A_107 = arith.constant 0 : i32
      %dma_wait3A_108 = tpu.memref_slice %arg10[%add3A_106, %dma_wait3A_107] : memref<10240x128xf32, #tpu.memory_space<vmem_shared>> -> memref<64x128xf32, #tpu.memory_space<vmem_shared>>
      %dma_wait3A_109 = arith.constant 0 : i32
      %dma_wait3A_110 = tpu.memref_slice %arg10[%add3A_106, %dma_wait3A_109] : memref<10240x128xf32, #tpu.memory_space<vmem_shared>> -> memref<64x128xf32, #tpu.memory_space<vmem_shared>>
      tpu.wait_dma2 semaphore(%arg12 : memref<!tpu.dma_semaphore, #tpu.memory_space<semaphore_mem>>) src(%arg9 : memref<64x128xf32, #tpu.memory_space<vmem>>) dst(%dma_wait3A_110 : memref<64x128xf32, #tpu.memory_space<vmem_shared>>)
      %mul3A_111 = arith.constant 640 : i32
      %mul3A_112 = arith.muli %arg1, %mul3A_111 : i32
      %add3A_113 = arith.constant 448 : i32
      %add3A_114 = arith.addi %mul3A_112, %add3A_113 : i32
      %dma_wait3A_115 = arith.constant 0 : i32
      %dma_wait3A_116 = tpu.memref_slice %arg10[%add3A_114, %dma_wait3A_115] : memref<10240x128xf32, #tpu.memory_space<vmem_shared>> -> memref<64x128xf32, #tpu.memory_space<vmem_shared>>
      %dma_wait3A_117 = arith.constant 0 : i32
      %dma_wait3A_118 = tpu.memref_slice %arg10[%add3A_114, %dma_wait3A_117] : memref<10240x128xf32, #tpu.memory_space<vmem_shared>> -> memref<64x128xf32, #tpu.memory_space<vmem_shared>>
      tpu.wait_dma2 semaphore(%arg12 : memref<!tpu.dma_semaphore, #tpu.memory_space<semaphore_mem>>) src(%arg9 : memref<64x128xf32, #tpu.memory_space<vmem>>) dst(%dma_wait3A_118 : memref<64x128xf32, #tpu.memory_space<vmem_shared>>)
      %mul3A_119 = arith.constant 640 : i32
      %mul3A_120 = arith.muli %arg1, %mul3A_119 : i32
      %add3A_121 = arith.constant 512 : i32
      %add3A_122 = arith.addi %mul3A_120, %add3A_121 : i32
      %dma_wait3A_123 = arith.constant 0 : i32
      %dma_wait3A_124 = tpu.memref_slice %arg10[%add3A_122, %dma_wait3A_123] : memref<10240x128xf32, #tpu.memory_space<vmem_shared>> -> memref<64x128xf32, #tpu.memory_space<vmem_shared>>
      %dma_wait3A_125 = arith.constant 0 : i32
      %dma_wait3A_126 = tpu.memref_slice %arg10[%add3A_122, %dma_wait3A_125] : memref<10240x128xf32, #tpu.memory_space<vmem_shared>> -> memref<64x128xf32, #tpu.memory_space<vmem_shared>>
      tpu.wait_dma2 semaphore(%arg12 : memref<!tpu.dma_semaphore, #tpu.memory_space<semaphore_mem>>) src(%arg9 : memref<64x128xf32, #tpu.memory_space<vmem>>) dst(%dma_wait3A_126 : memref<64x128xf32, #tpu.memory_space<vmem_shared>>)
      %mul3A_127 = arith.constant 640 : i32
      %mul3A_128 = arith.muli %arg1, %mul3A_127 : i32
      %add3A_129 = arith.constant 576 : i32
      %add3A_130 = arith.addi %mul3A_128, %add3A_129 : i32
      %dma_wait3A_131 = arith.constant 0 : i32
      %dma_wait3A_132 = tpu.memref_slice %arg10[%add3A_130, %dma_wait3A_131] : memref<10240x128xf32, #tpu.memory_space<vmem_shared>> -> memref<64x128xf32, #tpu.memory_space<vmem_shared>>
      %dma_wait3A_133 = arith.constant 0 : i32
      %dma_wait3A_134 = tpu.memref_slice %arg10[%add3A_130, %dma_wait3A_133] : memref<10240x128xf32, #tpu.memory_space<vmem_shared>> -> memref<64x128xf32, #tpu.memory_space<vmem_shared>>
      tpu.wait_dma2 semaphore(%arg12 : memref<!tpu.dma_semaphore, #tpu.memory_space<semaphore_mem>>) src(%arg9 : memref<64x128xf32, #tpu.memory_space<vmem>>) dst(%dma_wait3A_134 : memref<64x128xf32, #tpu.memory_space<vmem_shared>>)
    } else {
    }
    %barrier3A = arith.constant 0 : index
    tpu.barrier barrier_id(%barrier3A)
    %scan3A = arith.constant 0 : i32
    %scan3A_31 = arith.constant 0 : i32
    %scan3A_32 = arith.constant 80 : i32
    %scan3A_33 = arith.addi %scan3A_31, %scan3A_32 : i32
    %scan3A_34 = arith.constant 1 : i32
    %scan3A_35 = scf.for %scan3A_55 = %scan3A_31 to %scan3A_33 step %scan3A_34 iter_args(%scan3A_56 = %scan3A) -> (i32)  : i32 {
      %rem3A_57 = arith.constant 2 : i32
      %rem3A_58 = arith.remsi %scan3A_55, %rem3A_57 : i32
      %add3A_59 = arith.constant 1 : i32
      %add3A_60 = arith.addi %scan3A_55, %add3A_59 : i32
      %jit3A = arith.constant 16 : i32
      %div3A = arith.divsi %add3A_60, %jit3A : i32
      %sign3A = arith.constant 0 : i32
      %sign3A_61 = arith.cmpi sgt, %add3A_60, %sign3A : i32
      %sign3A_62 = arith.extui %sign3A_61 : i1 to i32
      %sign3A_63 = arith.constant 0 : i32
      %sign3A_64 = arith.cmpi slt, %add3A_60, %sign3A_63 : i32
      %sign3A_65 = arith.extui %sign3A_64 : i1 to i32
      %sign3A_66 = arith.subi %sign3A_62, %sign3A_65 : i32
      %sign3A_67 = arith.constant 0 : i32
      %sign3A_68 = arith.cmpi sgt, %jit3A, %sign3A_67 : i32
      %sign3A_69 = arith.extui %sign3A_68 : i1 to i32
      %sign3A_70 = arith.constant 0 : i32
      %sign3A_71 = arith.cmpi slt, %jit3A, %sign3A_70 : i32
      %sign3A_72 = arith.extui %sign3A_71 : i1 to i32
      %sign3A_73 = arith.subi %sign3A_69, %sign3A_72 : i32
      %ne3A = arith.cmpi ne, %sign3A_66, %sign3A_73 : i32
      %rem3A_74 = arith.remsi %add3A_60, %jit3A : i32
      %ne3A_75 = arith.constant 0 : i32
      %ne3A_76 = arith.cmpi ne, %rem3A_74, %ne3A_75 : i32
      %and3A = arith.andi %ne3A, %ne3A_76 : i1
      %sub3A = arith.constant 1 : i32
      %sub3A_77 = arith.subi %div3A, %sub3A : i32
      %select_n3A = arith.select %and3A, %sub3A_77, %div3A : i32
      %rem3A_78 = arith.constant 2 : i32
      %rem3A_79 = arith.remsi %select_n3A, %rem3A_78 : i32
      %rem3A_80 = arith.constant 16 : i32
      %rem3A_81 = arith.remsi %add3A_60, %rem3A_80 : i32
      %eq3A_82 = arith.constant 0 : i32
      %eq3A_83 = arith.cmpi eq, %rem3A_81, %eq3A_82 : i32
      %lt3A = arith.constant 80 : i32
      %lt3A_84 = arith.cmpi slt, %add3A_60, %lt3A : i32
      %and3A_85 = arith.andi %eq3A_83, %lt3A_84 : i1
      %convert_element_type3A_86 = arith.extui %and3A_85 : i1 to i32
      %cond3A_87 = arith.constant 0 : i32
      %cond3A_88 = arith.cmpi ne, %convert_element_type3A_86, %cond3A_87 : i32
      scf.if %cond3A_88 {
        %mul3A_149 = arith.constant 16 : i32
        %mul3A_150 = arith.muli %select_n3A, %mul3A_149 : i32
        "tpu.region"() ({
          %run_scoped3A_153 = tpu.sem_alloc : memref<!tpu.dma_semaphore, #tpu.memory_space<semaphore_mem>>
          %dma_start3A_154 = arith.constant 0 : i32
          %dma_start3A_155 = arith.constant 0 : i32
          %dma_start3A_156 = tpu.memref_slice %arg6[%rem3A_79, %dma_start3A_154, %dma_start3A_155] : memref<2x16x125xi32, #tpu.memory_space<vmem>> -> memref<1x16x125xi32, #tpu.memory_space<vmem>>
          %dma_start3A_157 = tpu.memref_squeeze %dma_start3A_156 : memref<1x16x125xi32, #tpu.memory_space<vmem>> -> memref<16x125xi32, #tpu.memory_space<vmem>>
          %dma_start3A_158 = arith.constant 0 : i32
          %dma_start3A_159 = tpu.memref_slice %arg3[%add3A, %mul3A_150, %dma_start3A_158] : memref<32x80x125xi32, #tpu.memory_space<hbm>> -> memref<1x16x125xi32, #tpu.memory_space<hbm>>
          %dma_start3A_160 = tpu.memref_squeeze %dma_start3A_159 : memref<1x16x125xi32, #tpu.memory_space<hbm>> -> memref<16x125xi32, #tpu.memory_space<hbm>>
          %dma_start3A_161 = arith.constant 0 : i32
          %dma_start3A_162 = arith.constant 0 : i32
          %dma_start3A_163 = tpu.memref_slice %arg6[%rem3A_79, %dma_start3A_161, %dma_start3A_162] : memref<2x16x125xi32, #tpu.memory_space<vmem>> -> memref<1x16x125xi32, #tpu.memory_space<vmem>>
          %dma_start3A_164 = tpu.memref_squeeze %dma_start3A_163 : memref<1x16x125xi32, #tpu.memory_space<vmem>> -> memref<16x125xi32, #tpu.memory_space<vmem>>
          %dma_start3A_165 = arith.constant 0 : i32
          %dma_start3A_166 = tpu.memref_slice %arg3[%add3A, %mul3A_150, %dma_start3A_165] : memref<32x80x125xi32, #tpu.memory_space<hbm>> -> memref<1x16x125xi32, #tpu.memory_space<hbm>>
          %dma_start3A_167 = tpu.memref_squeeze %dma_start3A_166 : memref<1x16x125xi32, #tpu.memory_space<hbm>> -> memref<16x125xi32, #tpu.memory_space<hbm>>
          tpu.enqueue_dma source(%dma_start3A_167 : memref<16x125xi32, #tpu.memory_space<hbm>>) target(%dma_start3A_164 : memref<16x125xi32, #tpu.memory_space<vmem>>) target_semaphore(%run_scoped3A_153 : memref<!tpu.dma_semaphore, #tpu.memory_space<semaphore_mem>>)
          %dma_wait3A_168 = arith.constant 0 : i32
          %dma_wait3A_169 = arith.constant 0 : i32
          %dma_wait3A_170 = tpu.memref_slice %arg6[%rem3A_79, %dma_wait3A_168, %dma_wait3A_169] : memref<2x16x125xi32, #tpu.memory_space<vmem>> -> memref<1x16x125xi32, #tpu.memory_space<vmem>>
          %dma_wait3A_171 = tpu.memref_squeeze %dma_wait3A_170 : memref<1x16x125xi32, #tpu.memory_space<vmem>> -> memref<16x125xi32, #tpu.memory_space<vmem>>
          %dma_wait3A_172 = arith.constant 0 : i32
          %dma_wait3A_173 = tpu.memref_slice %arg3[%add3A, %mul3A_150, %dma_wait3A_172] : memref<32x80x125xi32, #tpu.memory_space<hbm>> -> memref<1x16x125xi32, #tpu.memory_space<hbm>>
          %dma_wait3A_174 = tpu.memref_squeeze %dma_wait3A_173 : memref<1x16x125xi32, #tpu.memory_space<hbm>> -> memref<16x125xi32, #tpu.memory_space<hbm>>
          %dma_wait3A_175 = arith.constant 0 : i32
          %dma_wait3A_176 = arith.constant 0 : i32
          %dma_wait3A_177 = tpu.memref_slice %arg6[%rem3A_79, %dma_wait3A_175, %dma_wait3A_176] : memref<2x16x125xi32, #tpu.memory_space<vmem>> -> memref<1x16x125xi32, #tpu.memory_space<vmem>>
          %dma_wait3A_178 = tpu.memref_squeeze %dma_wait3A_177 : memref<1x16x125xi32, #tpu.memory_space<vmem>> -> memref<16x125xi32, #tpu.memory_space<vmem>>
          %dma_wait3A_179 = arith.constant 0 : i32
          %dma_wait3A_180 = tpu.memref_slice %arg3[%add3A, %mul3A_150, %dma_wait3A_179] : memref<32x80x125xi32, #tpu.memory_space<hbm>> -> memref<1x16x125xi32, #tpu.memory_space<hbm>>
          %dma_wait3A_181 = tpu.memref_squeeze %dma_wait3A_180 : memref<1x16x125xi32, #tpu.memory_space<hbm>> -> memref<16x125xi32, #tpu.memory_space<hbm>>
          tpu.wait_dma2 semaphore(%run_scoped3A_153 : memref<!tpu.dma_semaphore, #tpu.memory_space<semaphore_mem>>) src(%dma_wait3A_181 : memref<16x125xi32, #tpu.memory_space<hbm>>) dst(%dma_wait3A_178 : memref<16x125xi32, #tpu.memory_space<vmem>>)
          tpu.yield
        }) : () -> ()
        %mul3A_151 = arith.constant 16 : i32
        %mul3A_152 = arith.muli %select_n3A, %mul3A_151 : i32
        "tpu.region"() ({
          %run_scoped3A_153 = tpu.sem_alloc : memref<!tpu.dma_semaphore, #tpu.memory_space<semaphore_mem>>
          %dma_start3A_154 = arith.constant 0 : i32
          %dma_start3A_155 = arith.constant 0 : i32
          %dma_start3A_156 = tpu.memref_slice %arg7[%rem3A_79, %dma_start3A_154, %dma_start3A_155] : memref<2x16x125xi32, #tpu.memory_space<vmem>> -> memref<1x16x125xi32, #tpu.memory_space<vmem>>
          %dma_start3A_157 = tpu.memref_squeeze %dma_start3A_156 : memref<1x16x125xi32, #tpu.memory_space<vmem>> -> memref<16x125xi32, #tpu.memory_space<vmem>>
          %dma_start3A_158 = arith.constant 0 : i32
          %dma_start3A_159 = tpu.memref_slice %arg4[%add3A, %mul3A_152, %dma_start3A_158] : memref<32x80x125xi32, #tpu.memory_space<hbm>> -> memref<1x16x125xi32, #tpu.memory_space<hbm>>
          %dma_start3A_160 = tpu.memref_squeeze %dma_start3A_159 : memref<1x16x125xi32, #tpu.memory_space<hbm>> -> memref<16x125xi32, #tpu.memory_space<hbm>>
          %dma_start3A_161 = arith.constant 0 : i32
          %dma_start3A_162 = arith.constant 0 : i32
          %dma_start3A_163 = tpu.memref_slice %arg7[%rem3A_79, %dma_start3A_161, %dma_start3A_162] : memref<2x16x125xi32, #tpu.memory_space<vmem>> -> memref<1x16x125xi32, #tpu.memory_space<vmem>>
          %dma_start3A_164 = tpu.memref_squeeze %dma_start3A_163 : memref<1x16x125xi32, #tpu.memory_space<vmem>> -> memref<16x125xi32, #tpu.memory_space<vmem>>
          %dma_start3A_165 = arith.constant 0 : i32
          %dma_start3A_166 = tpu.memref_slice %arg4[%add3A, %mul3A_152, %dma_start3A_165] : memref<32x80x125xi32, #tpu.memory_space<hbm>> -> memref<1x16x125xi32, #tpu.memory_space<hbm>>
          %dma_start3A_167 = tpu.memref_squeeze %dma_start3A_166 : memref<1x16x125xi32, #tpu.memory_space<hbm>> -> memref<16x125xi32, #tpu.memory_space<hbm>>
          tpu.enqueue_dma source(%dma_start3A_167 : memref<16x125xi32, #tpu.memory_space<hbm>>) target(%dma_start3A_164 : memref<16x125xi32, #tpu.memory_space<vmem>>) target_semaphore(%run_scoped3A_153 : memref<!tpu.dma_semaphore, #tpu.memory_space<semaphore_mem>>)
          %dma_wait3A_168 = arith.constant 0 : i32
          %dma_wait3A_169 = arith.constant 0 : i32
          %dma_wait3A_170 = tpu.memref_slice %arg7[%rem3A_79, %dma_wait3A_168, %dma_wait3A_169] : memref<2x16x125xi32, #tpu.memory_space<vmem>> -> memref<1x16x125xi32, #tpu.memory_space<vmem>>
          %dma_wait3A_171 = tpu.memref_squeeze %dma_wait3A_170 : memref<1x16x125xi32, #tpu.memory_space<vmem>> -> memref<16x125xi32, #tpu.memory_space<vmem>>
          %dma_wait3A_172 = arith.constant 0 : i32
          %dma_wait3A_173 = tpu.memref_slice %arg4[%add3A, %mul3A_152, %dma_wait3A_172] : memref<32x80x125xi32, #tpu.memory_space<hbm>> -> memref<1x16x125xi32, #tpu.memory_space<hbm>>
          %dma_wait3A_174 = tpu.memref_squeeze %dma_wait3A_173 : memref<1x16x125xi32, #tpu.memory_space<hbm>> -> memref<16x125xi32, #tpu.memory_space<hbm>>
          %dma_wait3A_175 = arith.constant 0 : i32
          %dma_wait3A_176 = arith.constant 0 : i32
          %dma_wait3A_177 = tpu.memref_slice %arg7[%rem3A_79, %dma_wait3A_175, %dma_wait3A_176] : memref<2x16x125xi32, #tpu.memory_space<vmem>> -> memref<1x16x125xi32, #tpu.memory_space<vmem>>
          %dma_wait3A_178 = tpu.memref_squeeze %dma_wait3A_177 : memref<1x16x125xi32, #tpu.memory_space<vmem>> -> memref<16x125xi32, #tpu.memory_space<vmem>>
          %dma_wait3A_179 = arith.constant 0 : i32
          %dma_wait3A_180 = tpu.memref_slice %arg4[%add3A, %mul3A_152, %dma_wait3A_179] : memref<32x80x125xi32, #tpu.memory_space<hbm>> -> memref<1x16x125xi32, #tpu.memory_space<hbm>>
          %dma_wait3A_181 = tpu.memref_squeeze %dma_wait3A_180 : memref<1x16x125xi32, #tpu.memory_space<hbm>> -> memref<16x125xi32, #tpu.memory_space<hbm>>
          tpu.wait_dma2 semaphore(%run_scoped3A_153 : memref<!tpu.dma_semaphore, #tpu.memory_space<semaphore_mem>>) src(%dma_wait3A_181 : memref<16x125xi32, #tpu.memory_space<hbm>>) dst(%dma_wait3A_178 : memref<16x125xi32, #tpu.memory_space<vmem>>)
          tpu.yield
        }) : () -> ()
      } else {
      }
      %gt3A = arith.constant 0 : i32
      %gt3A_89 = arith.cmpi sgt, %scan3A_55, %gt3A : i32
      %convert_element_type3A_90 = arith.extui %gt3A_89 : i1 to i32
      %cond3A_91 = arith.constant 0 : i32
      %cond3A_92 = arith.cmpi ne, %convert_element_type3A_90, %cond3A_91 : i32
      scf.if %cond3A_92 {
        %sub3A_149 = arith.constant 1 : i32
        %sub3A_150 = arith.subi %sub3A_149, %rem3A_58 : i32
        %dma_wait3A_151 = arith.constant 0 : i32
        %dma_wait3A_152 = arith.constant 0 : i32
        %dma_wait3A_153 = tpu.memref_slice %arg8[%sub3A_150, %dma_wait3A_151, %dma_wait3A_152] : memref<2x125x128xf32, #tpu.memory_space<vmem>> -> memref<1x125x128xf32, #tpu.memory_space<vmem>>
        %dma_wait3A_154 = tpu.memref_squeeze %dma_wait3A_153 : memref<1x125x128xf32, #tpu.memory_space<vmem>> -> memref<125x128xf32, #tpu.memory_space<vmem>>
        %dma_wait3A_155 = arith.constant 0 : i32
        %dma_wait3A_156 = arith.constant 0 : i32
        %dma_wait3A_157 = tpu.memref_slice %arg10[%dma_wait3A_155, %dma_wait3A_156] : memref<10240x128xf32, #tpu.memory_space<vmem_shared>> -> memref<125x128xf32, #tpu.memory_space<vmem_shared>>
        %dma_wait3A_158 = arith.constant 0 : i32
        %dma_wait3A_159 = arith.constant 0 : i32
        %dma_wait3A_160 = tpu.memref_slice %arg10[%dma_wait3A_158, %dma_wait3A_159] : memref<10240x128xf32, #tpu.memory_space<vmem_shared>> -> memref<125x128xf32, #tpu.memory_space<vmem_shared>>
        %dma_wait3A_161 = arith.constant 0 : i32
        %dma_wait3A_162 = arith.constant 0 : i32
        %dma_wait3A_163 = tpu.memref_slice %arg8[%sub3A_150, %dma_wait3A_161, %dma_wait3A_162] : memref<2x125x128xf32, #tpu.memory_space<vmem>> -> memref<1x125x128xf32, #tpu.memory_space<vmem>>
        %dma_wait3A_164 = tpu.memref_squeeze %dma_wait3A_163 : memref<1x125x128xf32, #tpu.memory_space<vmem>> -> memref<125x128xf32, #tpu.memory_space<vmem>>
        tpu.wait_dma2 semaphore(%arg13 : memref<!tpu.dma_semaphore, #tpu.memory_space<semaphore_mem>>) src(%dma_wait3A_164 : memref<125x128xf32, #tpu.memory_space<vmem>>) dst(%dma_wait3A_160 : memref<125x128xf32, #tpu.memory_space<vmem_shared>>)
      } else {
      }
      %lt3A_93 = arith.constant 80 : i32
      %lt3A_94 = arith.cmpi slt, %add3A_60, %lt3A_93 : i32
      %convert_element_type3A_95 = arith.extui %lt3A_94 : i1 to i32
      %cond3A_96 = arith.constant 0 : i32
      %cond3A_97 = arith.cmpi ne, %convert_element_type3A_95, %cond3A_96 : i32
      scf.if %cond3A_97 {
        %rem3A_149 = arith.constant 16 : i32
        %rem3A_150 = arith.remsi %add3A_60, %rem3A_149 : i32
        %sub3A_151 = arith.constant 1 : i32
        %sub3A_152 = arith.subi %sub3A_151, %rem3A_58 : i32
        %dma_start3A_153 = arith.constant 0 : i32
        %dma_start3A_154 = arith.constant 0 : i32
        %dma_start3A_155 = tpu.memref_slice %arg8[%sub3A_152, %dma_start3A_153, %dma_start3A_154] : memref<2x125x128xf32, #tpu.memory_space<vmem>> -> memref<1x125x128xf32, #tpu.memory_space<vmem>>
        %dma_start3A_156 = tpu.memref_squeeze %dma_start3A_155 : memref<1x125x128xf32, #tpu.memory_space<vmem>> -> memref<125x128xf32, #tpu.memory_space<vmem>>
        %dma_start3A_157 = arith.constant 0 : i32
        %dma_start3A_158 = tpu.memref_slice %arg6[%rem3A_79, %rem3A_150, %dma_start3A_157] : memref<2x16x125xi32, #tpu.memory_space<vmem>> -> memref<1x1x125xi32, #tpu.memory_space<vmem>>
        %dma_start3A_159 = tpu.memref_squeeze %dma_start3A_158 : memref<1x1x125xi32, #tpu.memory_space<vmem>> -> memref<125xi32, #tpu.memory_space<vmem>>
        %dma_start3A_160 = arith.constant 0 : i32
        %dma_start3A_161 = arith.constant 0 : i32
        %dma_start3A_162 = tpu.memref_slice %arg2[%dma_start3A_160, %dma_start3A_161] : memref<10000x128xf32, #tpu.memory_space<hbm>> -> memref<10000x128xf32, #tpu.memory_space<hbm>>
        tpu.enqueue_indirect_dma source(%dma_start3A_162 : memref<10000x128xf32, #tpu.memory_space<hbm>>) target(%dma_start3A_156 : memref<125x128xf32, #tpu.memory_space<vmem>>) offsets(%dma_start3A_159 : memref<125xi32, #tpu.memory_space<vmem>>) semaphore(%arg11 : memref<!tpu.dma_semaphore, #tpu.memory_space<semaphore_mem>>)
      } else {
      }
      %dma_wait3A_98 = arith.constant 0 : i32
      %dma_wait3A_99 = arith.constant 0 : i32
      %dma_wait3A_100 = arith.constant 0 : i32
      %dma_wait3A_101 = arith.constant 0 : i32
      %dma_wait3A_102 = tpu.memref_slice %arg8[%rem3A_58, %dma_wait3A_100, %dma_wait3A_101] : memref<2x125x128xf32, #tpu.memory_space<vmem>> -> memref<1x125x128xf32, #tpu.memory_space<vmem>>
      %dma_wait3A_103 = tpu.memref_squeeze %dma_wait3A_102 : memref<1x125x128xf32, #tpu.memory_space<vmem>> -> memref<125x128xf32, #tpu.memory_space<vmem>>
      %dma_wait3A_104 = arith.constant 0 : i32
      %dma_wait3A_105 = tpu.memref_slice %arg6[%dma_wait3A_98, %dma_wait3A_99, %dma_wait3A_104] : memref<2x16x125xi32, #tpu.memory_space<vmem>> -> memref<1x1x125xi32, #tpu.memory_space<vmem>>
      %dma_wait3A_106 = tpu.memref_squeeze %dma_wait3A_105 : memref<1x1x125xi32, #tpu.memory_space<vmem>> -> memref<125xi32, #tpu.memory_space<vmem>>
      %dma_wait3A_107 = arith.constant 0 : i32
      %dma_wait3A_108 = arith.constant 0 : i32
      %dma_wait3A_109 = tpu.memref_slice %arg2[%dma_wait3A_107, %dma_wait3A_108] : memref<10000x128xf32, #tpu.memory_space<hbm>> -> memref<10000x128xf32, #tpu.memory_space<hbm>>
      tpu.wait_indirect_dma semaphore(%arg11 : memref<!tpu.dma_semaphore, #tpu.memory_space<semaphore_mem>>) src(%dma_wait3A_109 : memref<10000x128xf32, #tpu.memory_space<hbm>>) dst(%dma_wait3A_103 : memref<125x128xf32, #tpu.memory_space<vmem>>)
      %jit3A_110 = arith.constant 16 : i32
      %div3A_111 = arith.divsi %scan3A_55, %jit3A_110 : i32
      %sign3A_112 = arith.constant 0 : i32
      %sign3A_113 = arith.cmpi sgt, %scan3A_55, %sign3A_112 : i32
      %sign3A_114 = arith.extui %sign3A_113 : i1 to i32
      %sign3A_115 = arith.constant 0 : i32
      %sign3A_116 = arith.cmpi slt, %scan3A_55, %sign3A_115 : i32
      %sign3A_117 = arith.extui %sign3A_116 : i1 to i32
      %sign3A_118 = arith.subi %sign3A_114, %sign3A_117 : i32
      %sign3A_119 = arith.constant 0 : i32
      %sign3A_120 = arith.cmpi sgt, %jit3A_110, %sign3A_119 : i32
      %sign3A_121 = arith.extui %sign3A_120 : i1 to i32
      %sign3A_122 = arith.constant 0 : i32
      %sign3A_123 = arith.cmpi slt, %jit3A_110, %sign3A_122 : i32
      %sign3A_124 = arith.extui %sign3A_123 : i1 to i32
      %sign3A_125 = arith.subi %sign3A_121, %sign3A_124 : i32
      %ne3A_126 = arith.cmpi ne, %sign3A_118, %sign3A_125 : i32
      %rem3A_127 = arith.remsi %scan3A_55, %jit3A_110 : i32
      %ne3A_128 = arith.constant 0 : i32
      %ne3A_129 = arith.cmpi ne, %rem3A_127, %ne3A_128 : i32
      %and3A_130 = arith.andi %ne3A_126, %ne3A_129 : i1
      %sub3A_131 = arith.constant 1 : i32
      %sub3A_132 = arith.subi %div3A_111, %sub3A_131 : i32
      %select_n3A_133 = arith.select %and3A_130, %sub3A_132, %div3A_111 : i32
      %rem3A_134 = arith.constant 2 : i32
      %rem3A_135 = arith.remsi %select_n3A_133, %rem3A_134 : i32
      %rem3A_136 = arith.constant 16 : i32
      %rem3A_137 = arith.remsi %scan3A_55, %rem3A_136 : i32
      %dma_start3A_138 = arith.constant 0 : i32
      %dma_start3A_139 = arith.constant 0 : i32
      %dma_start3A_140 = tpu.memref_slice %arg8[%rem3A_58, %dma_start3A_138, %dma_start3A_139] : memref<2x125x128xf32, #tpu.memory_space<vmem>> -> memref<1x125x128xf32, #tpu.memory_space<vmem>>
      %dma_start3A_141 = tpu.memref_squeeze %dma_start3A_140 : memref<1x125x128xf32, #tpu.memory_space<vmem>> -> memref<125x128xf32, #tpu.memory_space<vmem>>
      %dma_start3A_142 = arith.constant 0 : i32
      %dma_start3A_143 = tpu.memref_slice %arg7[%rem3A_135, %rem3A_137, %dma_start3A_142] : memref<2x16x125xi32, #tpu.memory_space<vmem>> -> memref<1x1x125xi32, #tpu.memory_space<vmem>>
      %dma_start3A_144 = tpu.memref_squeeze %dma_start3A_143 : memref<1x1x125xi32, #tpu.memory_space<vmem>> -> memref<125xi32, #tpu.memory_space<vmem>>
      %dma_start3A_145 = arith.constant 0 : i32
      %dma_start3A_146 = arith.constant 0 : i32
      %dma_start3A_147 = tpu.memref_slice %arg10[%dma_start3A_145, %dma_start3A_146] : memref<10240x128xf32, #tpu.memory_space<vmem_shared>> -> memref<10240x128xf32, #tpu.memory_space<vmem_shared>>
      tpu.enqueue_indirect_dma source(%dma_start3A_141 : memref<125x128xf32, #tpu.memory_space<vmem>>) target(%dma_start3A_147 : memref<10240x128xf32, #tpu.memory_space<vmem_shared>>) offsets(%dma_start3A_144 : memref<125xi32, #tpu.memory_space<vmem>>) semaphore(%arg13 : memref<!tpu.dma_semaphore, #tpu.memory_space<semaphore_mem>>) {add = true}
      %scan3A_148 = arith.constant 0 : i32
      scf.yield %scan3A_148 : i32
    }
    %scan3A_36 = arith.constant 80 : i32
    %rem3A = arith.constant 79 : i32
    %rem3A_37 = arith.constant 2 : i32
    %rem3A_38 = arith.remsi %rem3A, %rem3A_37 : i32
    %dma_wait3A = arith.constant 0 : i32
    %dma_wait3A_39 = arith.constant 0 : i32
    %dma_wait3A_40 = tpu.memref_slice %arg8[%rem3A_38, %dma_wait3A, %dma_wait3A_39] : memref<2x125x128xf32, #tpu.memory_space<vmem>> -> memref<1x125x128xf32, #tpu.memory_space<vmem>>
    %dma_wait3A_41 = tpu.memref_squeeze %dma_wait3A_40 : memref<1x125x128xf32, #tpu.memory_space<vmem>> -> memref<125x128xf32, #tpu.memory_space<vmem>>
    %dma_wait3A_42 = arith.constant 0 : i32
    %dma_wait3A_43 = arith.constant 0 : i32
    %dma_wait3A_44 = tpu.memref_slice %arg10[%dma_wait3A_42, %dma_wait3A_43] : memref<10240x128xf32, #tpu.memory_space<vmem_shared>> -> memref<125x128xf32, #tpu.memory_space<vmem_shared>>
    %dma_wait3A_45 = arith.constant 0 : i32
    %dma_wait3A_46 = arith.constant 0 : i32
    %dma_wait3A_47 = tpu.memref_slice %arg10[%dma_wait3A_45, %dma_wait3A_46] : memref<10240x128xf32, #tpu.memory_space<vmem_shared>> -> memref<125x128xf32, #tpu.memory_space<vmem_shared>>
    %dma_wait3A_48 = arith.constant 0 : i32
    %dma_wait3A_49 = arith.constant 0 : i32
    %dma_wait3A_50 = tpu.memref_slice %arg8[%rem3A_38, %dma_wait3A_48, %dma_wait3A_49] : memref<2x125x128xf32, #tpu.memory_space<vmem>> -> memref<1x125x128xf32, #tpu.memory_space<vmem>>
    %dma_wait3A_51 = tpu.memref_squeeze %dma_wait3A_50 : memref<1x125x128xf32, #tpu.memory_space<vmem>> -> memref<125x128xf32, #tpu.memory_space<vmem>>
    tpu.wait_dma2 semaphore(%arg13 : memref<!tpu.dma_semaphore, #tpu.memory_space<semaphore_mem>>) src(%dma_wait3A_51 : memref<125x128xf32, #tpu.memory_space<vmem>>) dst(%dma_wait3A_47 : memref<125x128xf32, #tpu.memory_space<vmem_shared>>)
    %barrier3A_52 = arith.constant 0 : index
    tpu.barrier barrier_id(%barrier3A_52)
    %mul3A_53 = arith.constant 640 : i32
    %mul3A_54 = arith.muli %arg1, %mul3A_53 : i32
    "tpu.region"() ({
      %run_scoped3A_55 = tpu.sem_alloc : memref<!tpu.dma_semaphore, #tpu.memory_space<semaphore_mem>>
      %dma_start3A_56 = arith.constant 0 : i32
      %dma_start3A_57 = tpu.memref_slice %arg5[%arg0, %mul3A_54, %dma_start3A_56] : memref<2x10240x128xf32, #tpu.memory_space<hbm>> -> memref<1x640x128xf32, #tpu.memory_space<hbm>>
      %dma_start3A_58 = tpu.memref_squeeze %dma_start3A_57 : memref<1x640x128xf32, #tpu.memory_space<hbm>> -> memref<640x128xf32, #tpu.memory_space<hbm>>
      %dma_start3A_59 = arith.constant 0 : i32
      %dma_start3A_60 = tpu.memref_slice %arg10[%mul3A_54, %dma_start3A_59] : memref<10240x128xf32, #tpu.memory_space<vmem_shared>> -> memref<640x128xf32, #tpu.memory_space<vmem_shared>>
      tpu.enqueue_dma source(%dma_start3A_60 : memref<640x128xf32, #tpu.memory_space<vmem_shared>>) target(%dma_start3A_58 : memref<640x128xf32, #tpu.memory_space<hbm>>) target_semaphore(%run_scoped3A_55 : memref<!tpu.dma_semaphore, #tpu.memory_space<semaphore_mem>>)
      %dma_wait3A_61 = arith.constant 0 : i32
      %dma_wait3A_62 = tpu.memref_slice %arg5[%arg0, %mul3A_54, %dma_wait3A_61] : memref<2x10240x128xf32, #tpu.memory_space<hbm>> -> memref<1x640x128xf32, #tpu.memory_space<hbm>>
      %dma_wait3A_63 = tpu.memref_squeeze %dma_wait3A_62 : memref<1x640x128xf32, #tpu.memory_space<hbm>> -> memref<640x128xf32, #tpu.memory_space<hbm>>
      %dma_wait3A_64 = arith.constant 0 : i32
      %dma_wait3A_65 = tpu.memref_slice %arg10[%mul3A_54, %dma_wait3A_64] : memref<10240x128xf32, #tpu.memory_space<vmem_shared>> -> memref<640x128xf32, #tpu.memory_space<vmem_shared>>
      tpu.wait_dma2 semaphore(%run_scoped3A_55 : memref<!tpu.dma_semaphore, #tpu.memory_space<semaphore_mem>>) src(%dma_wait3A_65 : memref<640x128xf32, #tpu.memory_space<vmem_shared>>) dst(%dma_wait3A_63 : memref<640x128xf32, #tpu.memory_space<hbm>>)
      tpu.yield
    }) : () -> ()
    return
  }
}

module attributes {stable_mosaic.version = 14 : i64} {
  func.func @_mlp_body(%arg0: i32, %arg1: memref<2x5000x128xf32, #tpu.memory_space<vmem>>, %arg2: memref<128x128xf32, #tpu.memory_space<vmem>>, %arg3: memref<1x128xf32, #tpu.memory_space<vmem>>, %arg4: memref<128x128xf32, #tpu.memory_space<vmem>>, %arg5: memref<1x128xf32, #tpu.memory_space<vmem>>, %arg6: memref<1x128xf32, #tpu.memory_space<vmem>>, %arg7: memref<1x128xf32, #tpu.memory_space<vmem>>, %arg8: memref<5000x128xf32, #tpu.memory_space<vmem>>) attributes {dimension_semantics = [#tpu.dimension_semantics<arbitrary>], iteration_bounds = array<i64: 2>, scalar_prefetch = 0 : i64, scratch_operands = 0 : i64, tpu.core_type = #tpu.core_type<tc>, window_params = [{transform_indices = @transform_0, window_bounds = array<i64: 2, 5000, 128>}, {pipeline_mode = #tpu.pipeline_mode<synchronous>, transform_indices = @transform_1, window_bounds = array<i64: 128, 128>}, {pipeline_mode = #tpu.pipeline_mode<synchronous>, transform_indices = @transform_2, window_bounds = array<i64: 1, 128>}, {pipeline_mode = #tpu.pipeline_mode<synchronous>, transform_indices = @transform_3, window_bounds = array<i64: 128, 128>}, {pipeline_mode = #tpu.pipeline_mode<synchronous>, transform_indices = @transform_4, window_bounds = array<i64: 1, 128>}, {pipeline_mode = #tpu.pipeline_mode<synchronous>, transform_indices = @transform_5, window_bounds = array<i64: 1, 128>}, {pipeline_mode = #tpu.pipeline_mode<synchronous>, transform_indices = @transform_6, window_bounds = array<i64: 1, 128>}, {transform_indices = @transform_7, window_bounds = array<i64: 5000, 128>}]} {
    %get3A = arith.constant 0 : index
    %get3A_0 = arith.constant 0 : index
    %get3A_1 = arith.constant 0 : index
    %get3A_2 = vector.load %arg1[%get3A, %get3A_0, %get3A_1] : memref<2x5000x128xf32, #tpu.memory_space<vmem>>, vector<1x5000x128xf32>
    %get3A_3 = vector.shape_cast %get3A_2 : vector<1x5000x128xf32> to vector<5000x128xf32>
    %get3A_4 = arith.constant 1 : index
    %get3A_5 = arith.constant 0 : index
    %get3A_6 = arith.constant 0 : index
    %get3A_7 = vector.load %arg1[%get3A_4, %get3A_5, %get3A_6] : memref<2x5000x128xf32, #tpu.memory_space<vmem>>, vector<1x5000x128xf32>
    %get3A_8 = vector.shape_cast %get3A_7 : vector<1x5000x128xf32> to vector<5000x128xf32>
    %add3A = arith.addf %get3A_3, %get3A_8 : vector<5000x128xf32>
    %get3A_9 = arith.constant 0 : index
    %get3A_10 = arith.constant 0 : index
    %get3A_11 = vector.load %arg2[%get3A_9, %get3A_10] : memref<128x128xf32, #tpu.memory_space<vmem>>, vector<128x128xf32>
    %dot_general3A = arith.constant dense<0.000000e+00> : vector<5000x128xf32>
    %dot_general3A_12 = tpu.matmul %add3A, %get3A_11, %dot_general3A {dimension_numbers = #tpu.dot_dimension_numbers<[1], [0], [0], [1], [0, 0, 1, 1], [], []>, transpose_lhs_hint = false} : vector<5000x128xf32>, vector<128x128xf32>, vector<5000x128xf32> -> vector<5000x128xf32>
    %get3A_13 = arith.constant 0 : index
    %get3A_14 = arith.constant 0 : index
    %get3A_15 = vector.load %arg3[%get3A_13, %get3A_14] : memref<1x128xf32, #tpu.memory_space<vmem>>, vector<1x128xf32>
    %add3A_16 = vector.broadcast %get3A_15 : vector<1x128xf32> to vector<5000x128xf32>
    %add3A_17 = arith.addf %dot_general3A_12, %add3A_16 : vector<5000x128xf32>
    %max3A = arith.constant 0.000000e+00 : f32
    %max3A_18 = vector.broadcast %max3A : f32 to vector<5000x128xf32>
    %max3A_19 = arith.maximumf %add3A_17, %max3A_18 : vector<5000x128xf32>
    %get3A_20 = arith.constant 0 : index
    %get3A_21 = arith.constant 0 : index
    %get3A_22 = vector.load %arg4[%get3A_20, %get3A_21] : memref<128x128xf32, #tpu.memory_space<vmem>>, vector<128x128xf32>
    %dot_general3A_23 = arith.constant dense<0.000000e+00> : vector<5000x128xf32>
    %dot_general3A_24 = tpu.matmul %max3A_19, %get3A_22, %dot_general3A_23 {dimension_numbers = #tpu.dot_dimension_numbers<[1], [0], [0], [1], [0, 0, 1, 1], [], []>, transpose_lhs_hint = false} : vector<5000x128xf32>, vector<128x128xf32>, vector<5000x128xf32> -> vector<5000x128xf32>
    %get3A_25 = arith.constant 0 : index
    %get3A_26 = arith.constant 0 : index
    %get3A_27 = vector.load %arg5[%get3A_25, %get3A_26] : memref<1x128xf32, #tpu.memory_space<vmem>>, vector<1x128xf32>
    %add3A_28 = vector.broadcast %get3A_27 : vector<1x128xf32> to vector<5000x128xf32>
    %add3A_29 = arith.addf %dot_general3A_24, %add3A_28 : vector<5000x128xf32>
    %max3A_30 = arith.constant 0.000000e+00 : f32
    %max3A_31 = vector.broadcast %max3A_30 : f32 to vector<5000x128xf32>
    %max3A_32 = arith.maximumf %add3A_29, %max3A_31 : vector<5000x128xf32>
    %get3A_33 = arith.constant 0 : index
    %get3A_34 = arith.constant 0 : index
    %get3A_35 = vector.load %arg6[%get3A_33, %get3A_34] : memref<1x128xf32, #tpu.memory_space<vmem>>, vector<1x128xf32>
    %mul3A = arith.constant 0.999994993 : f32
    %mul3A_36 = vector.broadcast %mul3A : f32 to vector<1x128xf32>
    %mul3A_37 = arith.mulf %get3A_35, %mul3A_36 : vector<1x128xf32>
    %mul3A_38 = vector.broadcast %mul3A_37 : vector<1x128xf32> to vector<5000x128xf32>
    %mul3A_39 = arith.mulf %max3A_32, %mul3A_38 : vector<5000x128xf32>
    %get3A_40 = arith.constant 0 : index
    %get3A_41 = arith.constant 0 : index
    %get3A_42 = vector.load %arg7[%get3A_40, %get3A_41] : memref<1x128xf32, #tpu.memory_space<vmem>>, vector<1x128xf32>
    %add3A_43 = vector.broadcast %get3A_42 : vector<1x128xf32> to vector<5000x128xf32>
    %add3A_44 = arith.addf %mul3A_39, %add3A_43 : vector<5000x128xf32>
    %swap3A = arith.constant 0 : index
    %swap3A_45 = arith.constant 0 : index
    %swap3A_46 = vector.load %arg8[%swap3A, %swap3A_45] : memref<5000x128xf32, #tpu.memory_space<vmem>>, vector<5000x128xf32>
    tpu.vector_store %arg8[%swap3A, %swap3A_45], %add3A_44 {strides = array<i32>} : memref<5000x128xf32, #tpu.memory_space<vmem>>, vector<5000x128xf32>,
    return
  }
  func.func @transform_0(%arg0: i32) -> (i32, i32, i32) {
    %c0_i32 = arith.constant 0 : i32
    %c0_i32_0 = arith.constant 0 : i32
    %c0_i32_1 = arith.constant 0 : i32
    return %c0_i32, %arg0, %c0_i32_0 : i32, i32, i32
  }
  func.func @transform_1(%arg0: i32) -> (i32, i32) {
    %c0_i32 = arith.constant 0 : i32
    %c0_i32_0 = arith.constant 0 : i32
    %c0_i32_1 = arith.constant 0 : i32
    return %c0_i32, %c0_i32_0 : i32, i32
  }
  func.func @transform_2(%arg0: i32) -> (i32, i32) {
    %c0_i32 = arith.constant 0 : i32
    %c0_i32_0 = arith.constant 0 : i32
    %c0_i32_1 = arith.constant 0 : i32
    return %c0_i32, %c0_i32_0 : i32, i32
  }
  func.func @transform_3(%arg0: i32) -> (i32, i32) {
    %c0_i32 = arith.constant 0 : i32
    %c0_i32_0 = arith.constant 0 : i32
    %c0_i32_1 = arith.constant 0 : i32
    return %c0_i32, %c0_i32_0 : i32, i32
  }
  func.func @transform_4(%arg0: i32) -> (i32, i32) {
    %c0_i32 = arith.constant 0 : i32
    %c0_i32_0 = arith.constant 0 : i32
    %c0_i32_1 = arith.constant 0 : i32
    return %c0_i32, %c0_i32_0 : i32, i32
  }
  func.func @transform_5(%arg0: i32) -> (i32, i32) {
    %c0_i32 = arith.constant 0 : i32
    %c0_i32_0 = arith.constant 0 : i32
    %c0_i32_1 = arith.constant 0 : i32
    return %c0_i32, %c0_i32_0 : i32, i32
  }
  func.func @transform_6(%arg0: i32) -> (i32, i32) {
    %c0_i32 = arith.constant 0 : i32
    %c0_i32_0 = arith.constant 0 : i32
    %c0_i32_1 = arith.constant 0 : i32
    return %c0_i32, %c0_i32_0 : i32, i32
  }
  func.func @transform_7(%arg0: i32) -> (i32, i32) {
    %c0_i32 = arith.constant 0 : i32
    %c0_i32_0 = arith.constant 0 : i32
    return %arg0, %c0_i32 : i32, i32
  }
}

module attributes {stable_mosaic.version = 14 : i64} {
  func.func @_last_body(%arg0: i32, %arg1: memref<2x5000x128xf32, #tpu.memory_space<vmem>>, %arg2: memref<128x128xf32, #tpu.memory_space<vmem>>, %arg3: memref<1x128xf32, #tpu.memory_space<vmem>>, %arg4: memref<128x128xf32, #tpu.memory_space<vmem>>, %arg5: memref<1x128xf32, #tpu.memory_space<vmem>>, %arg6: memref<1x128xf32, #tpu.memory_space<vmem>>, %arg7: memref<1x128xf32, #tpu.memory_space<vmem>>, %arg8: memref<128x128xf32, #tpu.memory_space<vmem>>, %arg9: memref<1x128xf32, #tpu.memory_space<vmem>>, %arg10: memref<128x128xf32, #tpu.memory_space<vmem>>, %arg11: memref<1x128xf32, #tpu.memory_space<vmem>>, %arg12: memref<5000x10xf32, #tpu.memory_space<vmem>>) attributes {dimension_semantics = [#tpu.dimension_semantics<arbitrary>], iteration_bounds = array<i64: 2>, scalar_prefetch = 0 : i64, scratch_operands = 0 : i64, tpu.core_type = #tpu.core_type<tc>, window_params = [{transform_indices = @transform_0, window_bounds = array<i64: 2, 5000, 128>}, {pipeline_mode = #tpu.pipeline_mode<synchronous>, transform_indices = @transform_1, window_bounds = array<i64: 128, 128>}, {pipeline_mode = #tpu.pipeline_mode<synchronous>, transform_indices = @transform_2, window_bounds = array<i64: 1, 128>}, {pipeline_mode = #tpu.pipeline_mode<synchronous>, transform_indices = @transform_3, window_bounds = array<i64: 128, 128>}, {pipeline_mode = #tpu.pipeline_mode<synchronous>, transform_indices = @transform_4, window_bounds = array<i64: 1, 128>}, {pipeline_mode = #tpu.pipeline_mode<synchronous>, transform_indices = @transform_5, window_bounds = array<i64: 1, 128>}, {pipeline_mode = #tpu.pipeline_mode<synchronous>, transform_indices = @transform_6, window_bounds = array<i64: 1, 128>}, {pipeline_mode = #tpu.pipeline_mode<synchronous>, transform_indices = @transform_7, window_bounds = array<i64: 128, 128>}, {pipeline_mode = #tpu.pipeline_mode<synchronous>, transform_indices = @transform_8, window_bounds = array<i64: 1, 128>}, {pipeline_mode = #tpu.pipeline_mode<synchronous>, transform_indices = @transform_9, window_bounds = array<i64: 128, 128>}, {pipeline_mode = #tpu.pipeline_mode<synchronous>, transform_indices = @transform_10, window_bounds = array<i64: 1, 128>}, {transform_indices = @transform_11, window_bounds = array<i64: 5000, 10>}]} {
    %get3A = arith.constant 0 : index
    %get3A_0 = arith.constant 0 : index
    %get3A_1 = arith.constant 0 : index
    %get3A_2 = vector.load %arg1[%get3A, %get3A_0, %get3A_1] : memref<2x5000x128xf32, #tpu.memory_space<vmem>>, vector<1x5000x128xf32>
    %get3A_3 = vector.shape_cast %get3A_2 : vector<1x5000x128xf32> to vector<5000x128xf32>
    %get3A_4 = arith.constant 1 : index
    %get3A_5 = arith.constant 0 : index
    %get3A_6 = arith.constant 0 : index
    %get3A_7 = vector.load %arg1[%get3A_4, %get3A_5, %get3A_6] : memref<2x5000x128xf32, #tpu.memory_space<vmem>>, vector<1x5000x128xf32>
    %get3A_8 = vector.shape_cast %get3A_7 : vector<1x5000x128xf32> to vector<5000x128xf32>
    %add3A = arith.addf %get3A_3, %get3A_8 : vector<5000x128xf32>
    %get3A_9 = arith.constant 0 : index
    %get3A_10 = arith.constant 0 : index
    %get3A_11 = vector.load %arg2[%get3A_9, %get3A_10] : memref<128x128xf32, #tpu.memory_space<vmem>>, vector<128x128xf32>
    %dot_general3A = arith.constant dense<0.000000e+00> : vector<5000x128xf32>
    %dot_general3A_12 = tpu.matmul %add3A, %get3A_11, %dot_general3A {dimension_numbers = #tpu.dot_dimension_numbers<[1], [0], [0], [1], [0, 0, 1, 1], [], []>, transpose_lhs_hint = false} : vector<5000x128xf32>, vector<128x128xf32>, vector<5000x128xf32> -> vector<5000x128xf32>
    %get3A_13 = arith.constant 0 : index
    %get3A_14 = arith.constant 0 : index
    %get3A_15 = vector.load %arg3[%get3A_13, %get3A_14] : memref<1x128xf32, #tpu.memory_space<vmem>>, vector<1x128xf32>
    %add3A_16 = vector.broadcast %get3A_15 : vector<1x128xf32> to vector<5000x128xf32>
    %add3A_17 = arith.addf %dot_general3A_12, %add3A_16 : vector<5000x128xf32>
    %max3A = arith.constant 0.000000e+00 : f32
    %max3A_18 = vector.broadcast %max3A : f32 to vector<5000x128xf32>
    %max3A_19 = arith.maximumf %add3A_17, %max3A_18 : vector<5000x128xf32>
    %get3A_20 = arith.constant 0 : index
    %get3A_21 = arith.constant 0 : index
    %get3A_22 = vector.load %arg4[%get3A_20, %get3A_21] : memref<128x128xf32, #tpu.memory_space<vmem>>, vector<128x128xf32>
    %dot_general3A_23 = arith.constant dense<0.000000e+00> : vector<5000x128xf32>
    %dot_general3A_24 = tpu.matmul %max3A_19, %get3A_22, %dot_general3A_23 {dimension_numbers = #tpu.dot_dimension_numbers<[1], [0], [0], [1], [0, 0, 1, 1], [], []>, transpose_lhs_hint = false} : vector<5000x128xf32>, vector<128x128xf32>, vector<5000x128xf32> -> vector<5000x128xf32>
    %get3A_25 = arith.constant 0 : index
    %get3A_26 = arith.constant 0 : index
    %get3A_27 = vector.load %arg5[%get3A_25, %get3A_26] : memref<1x128xf32, #tpu.memory_space<vmem>>, vector<1x128xf32>
    %add3A_28 = vector.broadcast %get3A_27 : vector<1x128xf32> to vector<5000x128xf32>
    %add3A_29 = arith.addf %dot_general3A_24, %add3A_28 : vector<5000x128xf32>
    %max3A_30 = arith.constant 0.000000e+00 : f32
    %max3A_31 = vector.broadcast %max3A_30 : f32 to vector<5000x128xf32>
    %max3A_32 = arith.maximumf %add3A_29, %max3A_31 : vector<5000x128xf32>
    %get3A_33 = arith.constant 0 : index
    %get3A_34 = arith.constant 0 : index
    %get3A_35 = vector.load %arg6[%get3A_33, %get3A_34] : memref<1x128xf32, #tpu.memory_space<vmem>>, vector<1x128xf32>
    %mul3A = arith.constant 0.999994993 : f32
    %mul3A_36 = vector.broadcast %mul3A : f32 to vector<1x128xf32>
    %mul3A_37 = arith.mulf %get3A_35, %mul3A_36 : vector<1x128xf32>
    %mul3A_38 = vector.broadcast %mul3A_37 : vector<1x128xf32> to vector<5000x128xf32>
    %mul3A_39 = arith.mulf %max3A_32, %mul3A_38 : vector<5000x128xf32>
    %get3A_40 = arith.constant 0 : index
    %get3A_41 = arith.constant 0 : index
    %get3A_42 = vector.load %arg7[%get3A_40, %get3A_41] : memref<1x128xf32, #tpu.memory_space<vmem>>, vector<1x128xf32>
    %add3A_43 = vector.broadcast %get3A_42 : vector<1x128xf32> to vector<5000x128xf32>
    %add3A_44 = arith.addf %mul3A_39, %add3A_43 : vector<5000x128xf32>
    %get3A_45 = arith.constant 0 : index
    %get3A_46 = arith.constant 0 : index
    %get3A_47 = vector.load %arg8[%get3A_45, %get3A_46] : memref<128x128xf32, #tpu.memory_space<vmem>>, vector<128x128xf32>
    %dot_general3A_48 = arith.constant dense<0.000000e+00> : vector<5000x128xf32>
    %dot_general3A_49 = tpu.matmul %add3A_44, %get3A_47, %dot_general3A_48 {dimension_numbers = #tpu.dot_dimension_numbers<[1], [0], [0], [1], [0, 0, 1, 1], [], []>, transpose_lhs_hint = false} : vector<5000x128xf32>, vector<128x128xf32>, vector<5000x128xf32> -> vector<5000x128xf32>
    %get3A_50 = arith.constant 0 : index
    %get3A_51 = arith.constant 0 : index
    %get3A_52 = vector.load %arg9[%get3A_50, %get3A_51] : memref<1x128xf32, #tpu.memory_space<vmem>>, vector<1x128xf32>
    %add3A_53 = vector.broadcast %get3A_52 : vector<1x128xf32> to vector<5000x128xf32>
    %add3A_54 = arith.addf %dot_general3A_49, %add3A_53 : vector<5000x128xf32>
    %max3A_55 = arith.constant 0.000000e+00 : f32
    %max3A_56 = vector.broadcast %max3A_55 : f32 to vector<5000x128xf32>
    %max3A_57 = arith.maximumf %add3A_54, %max3A_56 : vector<5000x128xf32>
    %get3A_58 = arith.constant 0 : index
    %get3A_59 = arith.constant 0 : index
    %get3A_60 = vector.load %arg10[%get3A_58, %get3A_59] : memref<128x128xf32, #tpu.memory_space<vmem>>, vector<128x128xf32>
    %dot_general3A_61 = arith.constant dense<0.000000e+00> : vector<5000x128xf32>
    %dot_general3A_62 = tpu.matmul %max3A_57, %get3A_60, %dot_general3A_61 {dimension_numbers = #tpu.dot_dimension_numbers<[1], [0], [0], [1], [0, 0, 1, 1], [], []>, transpose_lhs_hint = false} : vector<5000x128xf32>, vector<128x128xf32>, vector<5000x128xf32> -> vector<5000x128xf32>
    %get3A_63 = arith.constant 0 : index
    %get3A_64 = arith.constant 0 : index
    %get3A_65 = vector.load %arg11[%get3A_63, %get3A_64] : memref<1x128xf32, #tpu.memory_space<vmem>>, vector<1x128xf32>
    %add3A_66 = vector.broadcast %get3A_65 : vector<1x128xf32> to vector<5000x128xf32>
    %add3A_67 = arith.addf %dot_general3A_62, %add3A_66 : vector<5000x128xf32>
    %reduce_max3A = arith.constant dense<0xFF800000> : vector<5000xf32>
    %reduce_max3A_68 = vector.multi_reduction <maximumf>, %add3A_67, %reduce_max3A [1] : vector<5000x128xf32> to vector<5000xf32>
    %broadcast_in_dim3A = vector.shape_cast %reduce_max3A_68 : vector<5000xf32> to vector<5000x1xf32>
    %sub3A = vector.broadcast %broadcast_in_dim3A : vector<5000x1xf32> to vector<5000x128xf32>
    %sub3A_69 = arith.subf %add3A_67, %sub3A : vector<5000x128xf32>
    %exp3A = math.exp %sub3A_69 : vector<5000x128xf32>
    %reduce_sum3A = arith.constant dense<0.000000e+00> : vector<5000xf32>
    %reduce_sum3A_70 = vector.multi_reduction <add>, %exp3A, %reduce_sum3A [1] : vector<5000x128xf32> to vector<5000xf32>
    %broadcast_in_dim3A_71 = vector.shape_cast %reduce_sum3A_70 : vector<5000xf32> to vector<5000x1xf32>
    %log3A = math.log %broadcast_in_dim3A_71 : vector<5000x1xf32>
    %add3A_72 = arith.addf %broadcast_in_dim3A, %log3A : vector<5000x1xf32>
    %sub3A_73 = vector.broadcast %add3A_72 : vector<5000x1xf32> to vector<5000x128xf32>
    %sub3A_74 = arith.subf %add3A_67, %sub3A_73 : vector<5000x128xf32>
    %slice3A = vector.extract_strided_slice %sub3A_74 {offsets = [0, 0], sizes = [5000, 10], strides = [1, 1]} : vector<5000x128xf32> to vector<5000x10xf32>
    %swap3A = arith.constant 0 : index
    %swap3A_75 = arith.constant 0 : index
    %swap3A_76 = vector.load %arg12[%swap3A, %swap3A_75] : memref<5000x10xf32, #tpu.memory_space<vmem>>, vector<5000x10xf32>
    tpu.vector_store %arg12[%swap3A, %swap3A_75], %slice3A {strides = array<i32>} : memref<5000x10xf32, #tpu.memory_space<vmem>>, vector<5000x10xf32>,
    return
  }
  func.func @transform_0(%arg0: i32) -> (i32, i32, i32) {
    %c0_i32 = arith.constant 0 : i32
    %c0_i32_0 = arith.constant 0 : i32
    %c0_i32_1 = arith.constant 0 : i32
    return %c0_i32, %arg0, %c0_i32_0 : i32, i32, i32
  }
  func.func @transform_1(%arg0: i32) -> (i32, i32) {
    %c0_i32 = arith.constant 0 : i32
    %c0_i32_0 = arith.constant 0 : i32
    %c0_i32_1 = arith.constant 0 : i32
    return %c0_i32, %c0_i32_0 : i32, i32
  }
  func.func @transform_2(%arg0: i32) -> (i32, i32) {
    %c0_i32 = arith.constant 0 : i32
    %c0_i32_0 = arith.constant 0 : i32
    %c0_i32_1 = arith.constant 0 : i32
    return %c0_i32, %c0_i32_0 : i32, i32
  }
  func.func @transform_3(%arg0: i32) -> (i32, i32) {
    %c0_i32 = arith.constant 0 : i32
    %c0_i32_0 = arith.constant 0 : i32
    %c0_i32_1 = arith.constant 0 : i32
    return %c0_i32, %c0_i32_0 : i32, i32
  }
  func.func @transform_4(%arg0: i32) -> (i32, i32) {
    %c0_i32 = arith.constant 0 : i32
    %c0_i32_0 = arith.constant 0 : i32
    %c0_i32_1 = arith.constant 0 : i32
    return %c0_i32, %c0_i32_0 : i32, i32
  }
  func.func @transform_5(%arg0: i32) -> (i32, i32) {
    %c0_i32 = arith.constant 0 : i32
    %c0_i32_0 = arith.constant 0 : i32
    %c0_i32_1 = arith.constant 0 : i32
    return %c0_i32, %c0_i32_0 : i32, i32
  }
  func.func @transform_6(%arg0: i32) -> (i32, i32) {
    %c0_i32 = arith.constant 0 : i32
    %c0_i32_0 = arith.constant 0 : i32
    %c0_i32_1 = arith.constant 0 : i32
    return %c0_i32, %c0_i32_0 : i32, i32
  }
  func.func @transform_7(%arg0: i32) -> (i32, i32) {
    %c0_i32 = arith.constant 0 : i32
    %c0_i32_0 = arith.constant 0 : i32
    %c0_i32_1 = arith.constant 0 : i32
    return %c0_i32, %c0_i32_0 : i32, i32
  }
  func.func @transform_8(%arg0: i32) -> (i32, i32) {
    %c0_i32 = arith.constant 0 : i32
    %c0_i32_0 = arith.constant 0 : i32
    %c0_i32_1 = arith.constant 0 : i32
    return %c0_i32, %c0_i32_0 : i32, i32
  }
  func.func @transform_9(%arg0: i32) -> (i32, i32) {
    %c0_i32 = arith.constant 0 : i32
    %c0_i32_0 = arith.constant 0 : i32
    %c0_i32_1 = arith.constant 0 : i32
    return %c0_i32, %c0_i32_0 : i32, i32
  }
  func.func @transform_10(%arg0: i32) -> (i32, i32) {
    %c0_i32 = arith.constant 0 : i32
    %c0_i32_0 = arith.constant 0 : i32
    %c0_i32_1 = arith.constant 0 : i32
    return %c0_i32, %c0_i32_0 : i32, i32
  }
  func.func @transform_11(%arg0: i32) -> (i32, i32) {
    %c0_i32 = arith.constant 0 : i32
    %c0_i32_0 = arith.constant 0 : i32
    return %arg0, %c0_i32 : i32, i32
  }
}

</mosaic_0001>

<sc_bundles>
// kernel: kernel.11.cloned.1.call-start
scs
__scs_entry_jumppad:
0x0: {  	(pc) =	sbr.rel $0x88, $3  }
0x1: {  	(tag) =	ssettag $0x0;
	lr =	simm.s32 $0x1  }
0x2: {  	[smem:$0x3F95] =	sst lr;
	_ =	strace $0xD0000000  }
0x3: {  	_ = 	snop  }
0x4: {  	_ = 	snop  }
0x5: {  	_ = 	snop  }
0x6: {  	_ = 	snop  }
0x7: {  	_ = 	snop  }
__scs_overlays_trampoline_lowered:
0x8: {  	[smem:$0x3FA4] =	sst s0  }
0x9: {  	[smem:$0x3FA5] =	sst s1  }
0xa: {  	[smem:$0x3FA6] =	sst s2  }
0xb: {  	[smem:$0x3FA7] =	sst s3  }
0xc: {  	[smem:$0x3FA8] =	sst s4  }
0xd: {  	[smem:$0x3FA9] =	sst s5  }
0xe: {  	[smem:$0x3FAA] =	sst s6  }
0xf: {  	[smem:$0x3FAB] =	sst s7  }
0x10: {  	[smem:$0x3FAC] =	sst s8  }
0x11: {  	[smem:$0x3FAD] =	sst s9;
	s0 =	simm.s32 @!p0 $0x0  }
0x12: {  	s1 =	sld [smem:$0x3F93];
	s0 =	simm.s32 @p0 $0x1  }
0x13: {  	[smem:$0x3FAE] =	sst s0;
	s0 =	simm.s32 @!p1 $0x0  }
0x14: {  	s2 =	sld [smem:$0x3F92];
	s0 =	simm.s32 @p1 $0x1  }
0x15: {  	[smem:$0x3FAF] =	sst s0;
	s0 =	simm.s32 @!p2 $0x0  }
0x16: {  	s3 =	sld [smem:$0x3FDB];
	s0 =	simm.s32 @p2 $0x1  }
0x17: {  	s4 =	simm.s32 $0x1BF5;
	[smem:$0x3FB1] =	sst s0  }
0x18: {  	s0 =	sld [smem:$0x3F94];
	_ =	swait.ge [sflag:s4], $0x0  }
0x19: {  	s7 =	sld [smem:$0x3F95]  }
0x1a: {  	s8 =	sadd.s32 $0xFFFFE003, lr  }
0x1b: {  	s9 =	sadd.s32 $0xFFFFFEF7, lr;
	s5 =	simm.s32 $0xFFFFFFFF;
	p2 =	slt.u32 s8, $0xFFFFF086  }
0x1c: {  	p1 =	slt.u32 s9, $0xF7A;
	s5 =	simm.s32 @!p2 $0x0  }
0x1d: {  	s5 =	simm.s32 @p1 $0x1;
	p0 =	seq.s32 s7, s2  }
0x1e: {  	s7 =	smul.u32 @!p0 $0xF7A, s2;
	p2 =	seq.s32 @!p0 s5, $0x0  }
0x1f: {  	s9 =	smul.u32 $0xF7A, s1;
	s8 =	simm.s32 @!p0 $0x1BF5;
	p2 =	por !p2, p0  }
0x20: {  	[sflag:s8] =	ssyncset.s32 @!p0 $0xFFFFF086;
	s6 =	sadd.s32 @!p0 s3, s7;
	s7 =	simm.s32 @!p0 $0x108  }
0x21: {  	s3 =	sadd.s32 s3, s9;
	s6 =	sadd.s32 @!p0 $0x88, s6;
	s7 =	simm.s32 @p2 $0x1082  }
0x22: {  	[simem:s7], [sflag:s8] =	dma.local @!p0 [hbm:s6], $0xF7A  }
0x23: {  	s9 =	sor.u32 $0xD0000000, s2;
	s6 =	simm.s32 $0x108;
	_ =	swait.ge @!p0 [sflag:s8], $0x0  }
0x24: {  	s3 =	sadd.s32 $0x88, s3;
	s6 =	simm.s32 @!p1 $0x1082;
	[sflag:s4] =	ssyncset.s32 $0xFFFFF086  }
0x25: {  	[simem:s6], [sflag:s4] =	dma.local [hbm:s3], $0xF7A  }
0x26: {  	[smem:$0x3F95] =	sst s1;
	(tag) =	ssettag s2;
	_ =	strace s9  }
0x27: {  	s1 =	sld [smem:$0x3FA5]  }
0x28: {  	s2 =	sld [smem:$0x3FA6]  }
0x29: {  	s4 =	sld [smem:$0x3FA8]  }
0x2a: {  	p0 =	seq.s32 s5, $0x0;
	s5 =	sld [smem:$0x3FA9]  }
0x2b: {  	s6 =	sld [smem:$0x3FAA]  }
0x2c: {  	s7 =	sld [smem:$0x3FAB]  }
0x2d: {  	s3 =	simm.s32 $0x108;
	s8 =	sld [smem:$0x3FAC]  }
0x2e: {  	s3 =	simm.s32 @!p0 $0x1082;
	s9 =	sld [smem:$0x3FAD]  }
0x2f: {  	lr =	sadd.s32 s0, s3;
	s0 =	sld [smem:$0x3FA4]  }
0x30: {  	s3 =	sld [smem:$0x3FA7]  }
0x31: {  	[smem:$0x3FB0] =	sst s10  }
0x32: {  	s10 =	sld [smem:$0x3FAE];
	_ =	sdelay $0x3  }
0x33: {  	p0 =	seq.s32 s10, $0x1;
	s10 =	sld [smem:$0x3FB0];
	_ =	sdelay $0x3  }
0x34: {  	[smem:$0x3FB0] =	sst s10  }
0x35: {  	s10 =	sld [smem:$0x3FAF];
	_ =	sdelay $0x3  }
0x36: {  	p1 =	seq.s32 s10, $0x1;
	s10 =	sld [smem:$0x3FB0];
	_ =	sdelay $0x3  }
0x37: {  	[smem:$0x3FB0] =	sst s10  }
0x38: {  	s10 =	sld [smem:$0x3FB1]  }
0x39: {  	_ = 	snop;
	(pc) =	sbr.ind lr, $3  }
0x3a: {  	_ = 	snop  }
0x3b: {  	_ = 	snop  }
0x3c: {  	p2 =	seq.s32 s10, $0x1;
	s10 =	sld [smem:$0x3FB0]  }
0x3d: {  	_ =	shalt  }
0x3e: {  	_ =	shalt  }
0x3f: {  	_ =	shalt  }
0x40: {  	_ =	shalt  }
0x41: {  	_ =	shalt  }
0x42: {  	_ =	shalt  }
0x43: {  	_ =	shalt  }
0x44: {  	_ =	shalt  }
0x45: {  	_ =	shalt  }
0x46: {  	_ =	shalt  }
0x47: {  	_ =	shalt  }
0x48: {  	_ =	shalt  }
0x49: {  	_ =	shalt  }
0x4a: {  	_ =	shalt  }
0x4b: {  	_ =	shalt  }
0x4c: {  	_ =	shalt  }
0x4d: {  	_ =	shalt  }
0x4e: {  	_ =	shalt  }
0x4f: {  	_ =	shalt  }
0x50: {  	_ =	shalt  }
0x51: {  	_ =	shalt  }
0x52: {  	_ =	shalt  }
0x53: {  	_ =	shalt  }
0x54: {  	_ =	shalt  }
0x55: {  	_ =	shalt  }
0x56: {  	_ =	shalt  }
0x57: {  	_ =	shalt  }
0x58: {  	_ =	shalt  }
0x59: {  	_ =	shalt  }
0x5a: {  	_ =	shalt  }
0x5b: {  	_ =	shalt  }
0x5c: {  	_ =	shalt  }
0x5d: {  	_ =	shalt  }
0x5e: {  	_ =	shalt  }
0x5f: {  	_ =	shalt  }
0x60: {  	_ =	shalt  }
0x61: {  	_ =	shalt  }
0x62: {  	_ =	shalt  }
0x63: {  	_ =	shalt  }
0x64: {  	_ =	shalt  }
0x65: {  	_ =	shalt  }
0x66: {  	_ =	shalt  }
0x67: {  	_ =	shalt  }
0x68: {  	_ =	shalt  }
0x69: {  	_ =	shalt  }
0x6a: {  	_ =	shalt  }
0x6b: {  	_ =	shalt  }
0x6c: {  	_ =	shalt  }
0x6d: {  	_ =	shalt  }
0x6e: {  	_ =	shalt  }
0x6f: {  	_ =	shalt  }
0x70: {  	_ =	shalt  }
0x71: {  	_ =	shalt  }
0x72: {  	_ =	shalt  }
0x73: {  	_ =	shalt  }
0x74: {  	_ =	shalt  }
0x75: {  	_ =	shalt  }
0x76: {  	_ =	shalt  }
0x77: {  	_ =	shalt  }
0x78: {  	_ =	shalt  }
0x79: {  	_ =	shalt  }
0x7a: {  	_ =	shalt  }
0x7b: {  	_ =	shalt  }
0x7c: {  	_ =	shalt  }
0x7d: {  	_ =	shalt  }
0x7e: {  	_ =	shalt  }
0x7f: {  	_ =	shalt  }
0x80: {  	_ =	shalt  }
0x81: {  	_ =	shalt  }
0x82: {  	_ =	shalt  }
0x83: {  	_ =	shalt  }
0x84: {  	_ =	shalt  }
0x85: {  	_ =	shalt  }
0x86: {  	_ =	shalt  }
0x87: {  	_ =	shalt  }
.Lfunc_end0:
.L_simem_size_0:
called_computation.1_lowered:
.L_overlay_start_0:
0x88: {  	s2 =	sld [smem:$0x3FD9]  }
0x89: {  	s3 =	sld [smem:$0x3FFE];
	_ =	sdelay $0x1  }
0x8a: {  	s1 =	srdreg.scid  }
0x8b: {  	s0 =	sand.u32 $0x1, s1  }
0x8c: {  	s16 =	sshll.u32 s0, $0xA;
	s2 =	sadd.s32 s3, s2  }
0x8d: {  	s2 =	sadd.s32 s2, s16  }
0x8e: {  	[smem:$0x3FBC] =	sst s2  }
0x8f: {  	_ = 	snop  }
0x90: {  	(tm) =	ssettm $0x1  }
0x91: {  	s17 =	sld [smem:$0x3FFB];
	_ =	sdelay $0x3  }
0x92: {  	_ =	strace s17  }
0x93: {  	s2 =	sld [smem:$0x3FFC];
	_ =	sdelay $0x3  }
0x94: {  	_ =	strace s2  }
0x95: {  	s2 =	sld [smem:$0x3FFD];
	_ =	sdelay $0x3  }
0x96: {  	_ =	strace s2  }
0x97: {  	_ =	strace $0x8FFFFFFF  }
0x98: {  	s18 =	sld [smem:$0x3FDB];
	_ =	sdelay $0x1  }
0x99: {  	s19 =	simm.s32 $_scs_section_size  }
0x9a: {  	s4 =	simm.s32 $_size__tile_overlayer_lowered;
	s5 =	simm.s32 $_tile_overlayer_lowered  }
0x9b: {  	s22 =	simm.s32 $0x1BFF;
	s21 =	sshll.u32 s5, $0x1;
	s2 =	sadd.s32 s19, s18  }
0x9c: {  	s6 =	simm.s32 $0x0;
	s20 =	sshll.u32 s4, $0x1;
	s4 =	sadd.s32 s21, s2  }
0x9d: {  	[timem:s6], [sflag:s22] =	dma.local [hbm:s4], s20  }
0x9e: {  	_ =	swait.ge [sflag:s22], s20  }
0x9f: {  	s3 =	ssub.s32 $0x0, s20;
	[sflag:s22] =	ssyncset.done $0x0  }
0xa0: {  	[sflag:s22] =	ssyncadd.s32 s3;
	_ =	sdelay $0x1  }
0xa1: {  	s23 =	simm.s32 $0x1B8B  }
0xa2: {  	_ =	swait.ge [sflag:s23], $0x1  }
0xa3: {  	[sflag:s23] =	ssyncset.done $0x0  }
0xa4: {  	s25 =	simm.s32 $0x1B8E;
	s24 =	sld [smem:$0x3FFE];
	[sflag:s23] =	ssyncadd.s32 $0xFFFFFFFF  }
0xa5: {  	s26 =	simm.s32 $execute0_lowered;
	[smem:$0x3FD2] =	sst s25  }
0xa6: {  	s4 =	sshll.u32 s26, $0x1;
	_ =	strace $0x80000049;
	[dreg:$0x1] =	wrdreg $0xFFFFFFFF  }
0xa7: {  	s28 =	simm.s32 $_size_execute0_lowered;
	s2 =	sadd.s32 s2, s4;
	[dreg:$0x0] =	wrdreg $0x0  }
0xa8: {  	s4 =	sshll.u32 s28, $0x1;
	[dreg:$0x2] =	wrdreg s2  }
0xa9: {  	[dreg:$0x3] =	wrdreg s4  }
0xaa: {  	[dreg:$0x4] =	wrdreg $0xC0  }
0xab: {  	_ =	task [dreg:s6], $0x5FFFF  }
0xac: {  	[dreg:$0x1] =	wrdreg $0xFFFFFFFF  }
0xad: {  	[dreg:$0x0] =	wrdreg $0x60  }
0xae: {  	[dreg:$0x2] =	wrdreg s24  }
0xaf: {  	[dreg:$0x3] =	wrdreg $0xC0000  }
0xb0: {  	[dreg:$0x4] =	wrdreg $0x9  }
0xb1: {  	_ =	task.clear_ibuf [dreg:s6], $0x5FFFF;
	_ =	strace $0x90000049  }
0xb2: {  	s29 =	simm.s32 $0x9;
	_ =	strace $0x8000004B  }
0xb3: {  	_ =	swait.ge [sflag:s29], $0x1  }
0xb4: {  	[sflag:s29] =	ssyncadd.s32 $0xFFFFFFFF  }
0xb5: {  	_ =	strace $0x9000004B  }
0xb6: {  	_ =	sfence  }
0xb7: {  	s30 =	sld [smem:$0x0];
	_ =	sdelay $0x2  }
0xb8: {  	s31 =	sshll.u32 s1, $0xD;
	s1 =	sshrl.u32 s1, $0x2  }
0xb9: {  	s3 =	sand.u32 $0x4000, s31;
	s1 =	sadd.s32 s1, s30  }
0xba: {  	s0 =	sor.u32 s3, s0;
	s1 =	sshll.u32 s1, $0x11  }
0xbb: {  	s0 =	sor.u32 s1, s0  }
0xbc: {  	s0 =	sadd.s32 $0x8F2B, s0  }
0xbd: {  	[sflag:s0] =	ssyncadd.remote.s32 $0x1  }
0xbe: {  	_ =	sfence.sel $0xFFFF  }
0xbf: {  	[dreg:$0x0] =	wrdreg $0xFFFFFFFF;
	(pc) =	sbr.abs _section_cstart, $3  }
0xc0: {  	[dreg:$0x1] =	wrdreg $0xFFFFFFFF  }
0xc1: {  	_ =	task.clear_ibuf [dreg:s6], $0x2FFFF;
	_ =	strace $0x9FFFFFFF  }
0xc2: {  	(tm) =	ssettm $0x7FFFFFFF  }
0xc3: {  	_ =	shalt  }
tec
execute0_lowered:
.L_overlay_start_1:
0x0: {  	(tag) =	ssettag $0x1  }
0x1: {  	s0 =	rddreg [dreg:$0x0];
	s1 =	srdreg.scid  }
0x2: {  	s2 =	rddreg [dreg:$0x1];
	s3 =	simm.s32 $0x0;
	s28 =	simm.s32 $0x7D  }
0x3: {  	s29 =	simm.s32 $0x2000;
	s8 =	sand.u32 $0x1, s1;
	s1 =	stileid.u32  }
0x4: {  	s31 =	simm.s32 $0x6000;
	[smem:$0x7FF] =	sst s3;
	s5 =	smul.u32 $0x140000, s8  }
0x5: {  	s4 =	sadd.s32 $0x16200, s0;
	s6 =	smul.u32 $0x14000, s1;
	_ =	strace $0x8000004A  }
0x6: {  	s9 =	smul.u32 $0x50000, s1;
	s17 =	ssub.s32 $0x2, s8;
	s12 =	sshll.u32 s1, $0x1  }
0x7: {  	s22 =	smul.u32 $0x2800, s1;
	s6 =	sadd.s32 s6, s5;
	s5 =	sadd.s32 $0x2200, s0  }
0x8: {  	s9 =	sshrl.u32 s9, $0x2;
	s7 =	sshrl.u32 s6, $0x3;
	s6 =	sadd.s32 $0xC200, s0  }
0x9: {  	s10 =	sadd.s32 s7, s0;
	s7 =	sadd.s32 s9, s2;
	s0 =	sadd.s32 $0x3BA00, s0  }
0xa: {  	p0 =	sne.s32 s8, $0x0;
	s9 =	sadd.s32 $0x2000, s7;
	[dreg:$0xd] =	wrdreg s0  }
0xb: {  	p1 =	seq.s32 s1, $0xF;
	s18 =	sadd.s32 $0x4000, s7;
	[dreg:$0x3] =	wrdreg s9  }
0xc: {  	s11 =	sshrl.u32 s17, $0x1;
	s19 =	sadd.s32 $0x6000, s7;
	[dreg:$0x4] =	wrdreg s18  }
0xd: {  	s12 =	sor.u32 s8, s12;
	s20 =	sadd.s32 $0x8000, s7;
	[dreg:$0x5] =	wrdreg s19  }
0xe: {  	p3 =	seq.s32 @!p0 s1, $0xF;
	s21 =	sadd.s32 $0xA000, s7;
	[dreg:$0x6] =	wrdreg s20  }
0xf: {  	s8 =	simm.s32 $0x3;
	s13 =	sadd.s32 $0xC000, s7;
	[dreg:$0x7] =	wrdreg s21  }
0x10: {  	s15 =	smul.u32 $0x2800, s12;
	s23 =	sadd.s32 $0xE000, s7;
	[dreg:$0x8] =	wrdreg s13  }
0x11: {  	s11 =	ssub.s32 s17, s11;
	s24 =	sadd.s32 $0x10000, s7;
	[dreg:$0x9] =	wrdreg s23  }
0x12: {  	s26 =	sshrl.u32 s15, $0x3;
	s25 =	sadd.s32 $0x12000, s7;
	[dreg:$0xa] =	wrdreg s24  }
0x13: {  	p2 =	por !p3, p0;
	s30 =	sadd.s32 s5, s26;
	[dreg:$0xb] =	wrdreg s25  }
0x14: {  	p3 =	por p3, p0;
	s9 =	sadd.s32 s4, s22;
	[dreg:$0xe] =	wrdreg s30  }
0x15: {  	s21 =	sadd.s32 s6, s26;
	s22 =	sadd.s32 $0x3D400, s10;
	s23 =	smax.u32 s11, $0x1  }
0x16: {  	s25 =	simm.s32 $0x4;
	[dreg:$0xc] =	wrdreg s9;
	s9 =	sadd.s32 $0x12C000, s2  }
0x17: {  	s26 =	simm.s32 $0x1000;
	s10 =	simm.s32 $0xA000;
	s0 =	sshrl.u32 @p1 s9, $0x3  }
0x18: {  	v0 =	vimm.f32 $0.0e+00;
	s11 =	simm.s32 $0x0;
	[dreg:$0xf] =	wrdreg s0;
	s0 =	simm.s32 $0x1  }
.LBB2_1:
.Ltmp0:
0x19: {  	(pc) =	sbr.rel @p0 .LBB2_3-.Ltmp0, $1  }
0x1a: {  	_ =	sdelay $0x3  }
0x1b: {  	s1 =	rddreg [dreg:$0xd]  }
0x1c: {  	s12 =	simm.s32 @p1 $0x1FC2;
	s9 =	rddreg [dreg:$0xf]  }
0x1d: {  	[spmem:s9], [sflag:s12] =	dma.local @p1 [hbm:s1], $0x1900  }
.Ltmp1:
0x1e: {  	_ = 	snop;
	(pc) =	sbr.rel .LBB2_6-.Ltmp1, $4  }
0x1f: {  	s1 =	stileid.u32  }
0x20: {  	s12 =	sshll.u32 @!p1 s1, $0x6  }
0x21: {  	s13 =	sshrl.u32 @!p1 s7, $0x3;
	s1 =	rddreg [dreg:$0xc];
	s12 =	sor.u32 @!p1 $0x1C02, s12  }
0x22: {  	[spmem:s13], [sflag:s12] =	dma.local @!p1 [hbm:s1], $0x2800  }
.LBB2_3:
0x23: {  	s12 =	sand.u32 $0x7E00, s3  }
0x24: {  	s13 =	sand.u32 $0x70, s3;
	s14 =	sshrl.u32 s12, $0x2  }
0x25: {  	s12 =	simm.s32 $0x40;
	s14 =	sor.u32 s13, s14;
	s13 =	simm.s32 $0x0  }
.LBB2_4:
0x26: {  	p4 =	sne.s32 s12, $0x7FC0  }
0x27: {  	[tilespmem:s14+$0xA000] =	vst v0;
	s13 =	sadd.s32 $0x10, s13;
	s14 =	smov.u32 s12;
	s12 =	sadd.s32 $0x40, s12  }
.Ltmp2:
0x28: {  	(pc) =	sbr.rel @p4 .LBB2_4-.Ltmp2, $4  }
0x29: {  	_ = 	snop  }
0x2a: {  	s14 =	sand.u32 $0x7E00, s14  }
0x2b: {  	s16 =	sand.u32 $0x70, s13;
	s14 =	sshrl.u32 s14, $0x2  }
0x2c: {  	s14 =	sor.u32 s16, s14  }
0x2d: {  	[tilespmem:s14+$0xA000] =	vst v0  }
0x2e: {  	[spmem:s7] =	stream.linear.scatter [tilespmem:s10], [sflag:$0x2], $0x2000, $0x38;
	v63 =	vld [tilespmem:$0x0]  }
0x2f: {  	s1 =	rddreg [dreg:$0x3]  }
0x30: {  	[spmem:s1] =	stream.linear.scatter [tilespmem:s10], [sflag:$0x2], $0x2000, $0x38;
	v63 =	vld [tilespmem:$0x0]  }
0x31: {  	s14 =	rddreg [dreg:$0x4]  }
0x32: {  	[spmem:s14] =	stream.linear.scatter [tilespmem:s10], [sflag:$0x2], $0x2000, $0x38;
	v63 =	vld [tilespmem:$0x0]  }
0x33: {  	s16 =	rddreg [dreg:$0x5]  }
0x34: {  	[spmem:s16] =	stream.linear.scatter [tilespmem:s10], [sflag:$0x2], $0x2000, $0x38;
	v63 =	vld [tilespmem:$0x0]  }
0x35: {  	s17 =	rddreg [dreg:$0x6]  }
0x36: {  	[spmem:s17] =	stream.linear.scatter [tilespmem:s10], [sflag:$0x2], $0x2000, $0x38;
	v63 =	vld [tilespmem:$0x0]  }
0x37: {  	s18 =	rddreg [dreg:$0x7]  }
0x38: {  	[spmem:s18] =	stream.linear.scatter [tilespmem:s10], [sflag:$0x2], $0x2000, $0x38;
	v63 =	vld [tilespmem:$0x0]  }
0x39: {  	s19 =	rddreg [dreg:$0x8]  }
0x3a: {  	[spmem:s19] =	stream.linear.scatter [tilespmem:s10], [sflag:$0x2], $0x2000, $0x38;
	v63 =	vld [tilespmem:$0x0]  }
0x3b: {  	s20 =	rddreg [dreg:$0x9]  }
0x3c: {  	[spmem:s20] =	stream.linear.scatter [tilespmem:s10], [sflag:$0x2], $0x2000, $0x38;
	v63 =	vld [tilespmem:$0x0]  }
0x3d: {  	s24 =	rddreg [dreg:$0xa]  }
0x3e: {  	[spmem:s24] =	stream.linear.scatter [tilespmem:s10], [sflag:$0x2], $0x2000, $0x38;
	v63 =	vld [tilespmem:$0x0]  }
0x3f: {  	s30 =	rddreg [dreg:$0xb]  }
0x40: {  	[spmem:s30] =	stream.linear.scatter [tilespmem:s10], [sflag:$0x2], $0x2000, $0x38;
	v63 =	vld [tilespmem:$0x0]  }
.LBB2_6:
0x41: {  	s1 =	rddreg [dreg:$0xe]  }
0x42: {  	[tilespmem:s3], [sflag:$0x4] =	stream.linear.gather [hbm4b:s1+s3], $0x800, $0x38;
	v63 =	vld [tilespmem:$0x0]  }
0x43: {  	_ =	swait.ge [sflag:s25], $0x800  }
0x44: {  	[sflag:s25] =	ssyncset.done $0x0  }
0x45: {  	[sflag:s25] =	ssyncadd.s32 $0xFFFFF800  }
0x46: {  	[tilespmem:s26], [sflag:$0x4] =	stream.linear.gather [hbm4b:s21+s3], $0x800, $0x38;
	v63 =	vld [tilespmem:$0x0]  }
0x47: {  	_ =	swait.ge [sflag:s25], $0x800  }
0x48: {  	[sflag:s25] =	ssyncset.done $0x0  }
0x49: {  	s12 =	simm.s32 @p0 $0x2;
	[sflag:s25] =	ssyncadd.s32 $0xFFFFF800  }
0x4a: {  	[tilespmem:s29], [sflag:$0x1] =	stream.indirect.gather [hbm4b:s4+s28], $0x80, s3, s28, $0xb8;
	v63 =	vld [tilespmem:$0x0]  }
0x4b: {  	_ =	swait.ge @p0 [sflag:s12], $0x2000  }
0x4c: {  	[sflag:s12] =	ssyncset.done @p0 $0x0  }
0x4d: {  	[sflag:s12] =	ssyncadd.s32 @p0 $0xFFFFE000  }
0x4e: {  	_ =	swait.ge @p0 [sflag:s12], $0x2000  }
0x4f: {  	[sflag:s12] =	ssyncset.done @p0 $0x0  }
0x50: {  	[sflag:s12] =	ssyncadd.s32 @p0 $0xFFFFE000  }
0x51: {  	_ =	swait.ge @p0 [sflag:s12], $0x2000  }
0x52: {  	[sflag:s12] =	ssyncset.done @p0 $0x0  }
0x53: {  	[sflag:s12] =	ssyncadd.s32 @p0 $0xFFFFE000  }
0x54: {  	_ =	swait.ge @p0 [sflag:s12], $0x2000  }
0x55: {  	[sflag:s12] =	ssyncset.done @p0 $0x0  }
0x56: {  	[sflag:s12] =	ssyncadd.s32 @p0 $0xFFFFE000  }
0x57: {  	_ =	swait.ge @p0 [sflag:s12], $0x2000  }
0x58: {  	[sflag:s12] =	ssyncset.done @p0 $0x0  }
0x59: {  	[sflag:s12] =	ssyncadd.s32 @p0 $0xFFFFE000  }
0x5a: {  	_ =	swait.ge @p0 [sflag:s12], $0x2000  }
0x5b: {  	[sflag:s12] =	ssyncset.done @p0 $0x0  }
0x5c: {  	[sflag:s12] =	ssyncadd.s32 @p0 $0xFFFFE000  }
0x5d: {  	_ =	swait.ge @p0 [sflag:s12], $0x2000  }
0x5e: {  	[sflag:s12] =	ssyncset.done @p0 $0x0  }
0x5f: {  	[sflag:s12] =	ssyncadd.s32 @p0 $0xFFFFE000  }
0x60: {  	_ =	swait.ge @p0 [sflag:s12], $0x2000  }
0x61: {  	[sflag:s12] =	ssyncset.done @p0 $0x0  }
0x62: {  	[sflag:s12] =	ssyncadd.s32 @p0 $0xFFFFE000  }
0x63: {  	_ =	swait.ge @p0 [sflag:s12], $0x2000  }
0x64: {  	[sflag:s12] =	ssyncset.done @p0 $0x0  }
0x65: {  	[sflag:s12] =	ssyncadd.s32 @p0 $0xFFFFE000  }
0x66: {  	_ =	swait.ge @p0 [sflag:s12], $0x2000  }
0x67: {  	[sflag:s12] =	ssyncset.done @p0 $0x0  }
0x68: {  	[sflag:s12] =	ssyncadd.s32 @p0 $0xFFFFE000;
	s12 =	simm.s32 @!p2 $0x2  }
0x69: {  	_ =	swait.ge @!p2 [sflag:s12], $0x1900  }
0x6a: {  	[sflag:s12] =	ssyncset.done @!p2 $0x0  }
0x6b: {  	[sflag:s12] =	ssyncadd.s32 @!p2 $0xFFFFE700;
	s12 =	simm.s32 @!p3 $0x2  }
0x6c: {  	_ =	swait.ge @!p3 [sflag:s12], $0x2800  }
0x6d: {  	[sflag:s12] =	ssyncset.done @!p3 $0x0  }
0x6e: {  	s24 =	simm.s32 $0x2;
	[sflag:s12] =	ssyncadd.s32 @!p3 $0xFFFFD800  }
0x6f: {  	s20 =	simm.s32 $0x80;
	s13 =	sand.u32 $0xF, s24;
	[bflag:$0x0] =	sbarrier.arrive $0xFFFF  }
0x70: {  	[tilespmem:s31], [sflag:$0x1] =	stream.indirect.gather [hbm4b:s4+s28], $0x80, s20, s28, $0xb8;
	v63 =	vld [tilespmem:$0x0]  }
0x71: {  	s1 =	simm.s32 $0x0;
	p4 =	sne.s32 s13, $0x0;
	_ =	swait.ge [sflag:s0], $0x3E80  }
0x72: {  	s16 =	sand.u32 $0x1, s1;
	s14 =	sadd.s32 @!p4 $0x0, s15;
	[sflag:s0] =	ssyncset.done $0x0  }
0x73: {  	s17 =	simm.s32 @!p4 $0x4;
	s14 =	sshrl.u32 @!p4 s14, $0x3;
	[sflag:s0] =	ssyncadd.s32 $0xFFFFC180  }
0x74: {  	[spmem:s2] =	stream.indirect.scatter.add.f32 [tilespmem:s29], [sflag:$0x3], $0x80, s26, s28, $0xb8;
	v63 =	vld [tilespmem:$0x0]  }
0x75: {  	s18 =	sshll.u32 @!p4 s16, $0xB;
	s19 =	simm.s32 @!p4 $0x0;
	s12 =	sadd.s32 @!p4 s5, s14  }
0x76: {  	[tilespmem:s18], [sflag:$0x4] =	stream.linear.gather @!p4 [hbm4b:s12+s19], $0x800, $0x38;
	v63 =	vld [tilespmem:$0x0]  }
0x77: {  	_ =	swait.ge @!p4 [sflag:s17], $0x800  }
0x78: {  	s30 =	simm.s32 $0x200;
	s9 =	sshll.u32 s13, $0x7;
	[sflag:s17] =	ssyncset.done @!p4 $0x0  }
0x79: {  	s14 =	sadd.s32 @!p4 s6, s14;
	s18 =	sor.u32 @!p4 $0x1000, s18;
	[sflag:s17] =	ssyncadd.s32 @!p4 $0xFFFFF800  }
0x7a: {  	[tilespmem:s18], [sflag:$0x4] =	stream.linear.gather @!p4 [hbm4b:s14+s19], $0x800, $0x38;
	v63 =	vld [tilespmem:$0x0]  }
0x7b: {  	s20 =	sand.u32 $0x3E00, s30;
	s30 =	simm.s32 $0x1;
	_ =	swait.ge @!p4 [sflag:s17], $0x800  }
0x7c: {  	s13 =	simm.s32 $0x3;
	s24 =	sand.u32 $0x1, s30;
	[sflag:s17] =	ssyncset.done @!p4 $0x0  }
0x7d: {  	s16 =	sshll.u32 s16, $0xB;
	s24 =	sshll.u32 s24, $0xE;
	[sflag:s17] =	ssyncadd.s32 @!p4 $0xFFFFF800  }
0x7e: {  	s12 =	simm.s32 $0x400;
	s14 =	simm.s32 $0x600;
	_ =	swait.ge [sflag:s8], $0x3E80  }
0x7f: {  	s18 =	sor.u32 s9, s16;
	s16 =	sand.u32 $0xF, s13;
	[sflag:s8] =	ssyncset.done $0x0  }
0x80: {  	s19 =	sxor.u32 $0x6000, s24;
	p4 =	sne.s32 s16, $0x0;
	[sflag:s8] =	ssyncadd.s32 $0xFFFFC180  }
0x81: {  	[tilespmem:s19], [sflag:$0x1] =	stream.indirect.gather [hbm4b:s4+s28], $0x80, s18, s28, $0xb8;
	v63 =	vld [tilespmem:$0x0]  }
0x82: {  	s17 =	sshrl.u32 s20, $0x2;
	s30 =	simm.s32 @!p4 $0x0;
	_ =	swait.ge [sflag:s0], $0x3E80  }
0x83: {  	s19 =	simm.s32 $0x0;
	s18 =	sor.u32 $0x2000, s24;
	[sflag:s0] =	ssyncset.done $0x0  }
.LBB2_7:
0x84: {  	s19 =	sand.u32 $0x1, s19;
	s24 =	sadd.s32 @!p4 s15, s30;
	s17 =	sor.u32 $0x1000, s17  }
0x85: {  	s30 =	smov.u32 s12;
	s12 =	smov.u32 s14;
	s9 =	smov.u32 s13  }
0x86: {  	s1 =	simm.s32 @!p4 $0x4;
	s24 =	sshrl.u32 @!p4 s24, $0x3;
	[sflag:s0] =	ssyncadd.s32 $0xFFFFC180  }
0x87: {  	[spmem:s2] =	stream.indirect.scatter.add.f32 [tilespmem:s18], [sflag:$0x3], $0x80, s17, s28, $0xb8;
	v63 =	vld [tilespmem:$0x0]  }
0x88: {  	s20 =	simm.s32 @!p4 $0x0;
	s17 =	sshll.u32 @!p4 s19, $0xB;
	s18 =	sadd.s32 @!p4 s5, s24  }
0x89: {  	[tilespmem:s17], [sflag:$0x4] =	stream.linear.gather @!p4 [hbm4b:s18+s20], $0x800, $0x38;
	v63 =	vld [tilespmem:$0x0]  }
0x8a: {  	s17 =	sor.u32 @!p4 $0x1000, s17;
	s18 =	sadd.s32 @!p4 s6, s24;
	_ =	swait.ge @!p4 [sflag:s1], $0x800  }
0x8b: {  	s14 =	sadd.s32 $0x200, s14;
	s19 =	sshll.u32 s19, $0xB;
	[sflag:s1] =	ssyncset.done @!p4 $0x0  }
0x8c: {  	p5 =	sne.s32 s14, $0x9E00;
	[sflag:s1] =	ssyncadd.s32 @!p4 $0xFFFFF800  }
0x8d: {  	[tilespmem:s17], [sflag:$0x4] =	stream.linear.gather @!p4 [hbm4b:s18+s20], $0x800, $0x38;
	v63 =	vld [tilespmem:$0x0]  }
0x8e: {  	s16 =	sshll.u32 s16, $0x7;
	_ =	swait.ge @!p4 [sflag:s1], $0x800  }
0x8f: {  	s13 =	sadd.s32 $0x1, s13;
	s17 =	sand.u32 $0x3E00, s30;
	[sflag:s1] =	ssyncset.done @!p4 $0x0  }
0x90: {  	s9 =	sadd.s32 $0xFFFFFFFF, s9;
	s17 =	sshrl.u32 s17, $0x2;
	[sflag:s1] =	ssyncadd.s32 @!p4 $0xFFFFF800  }
0x91: {  	s1 =	sand.u32 $0x1, s9;
	s9 =	sor.u32 s16, s19;
	_ =	swait.ge [sflag:s8], $0x3E80  }
.Ltmp3:
0x92: {  	s1 =	sshll.u32 s1, $0xE;
	[sflag:s8] =	ssyncset.done $0x0;
	(pc) =	sbr.rel @p5 .LBB2_7-.Ltmp3, $4  }
0x93: {  	s16 =	sand.u32 $0xF, s13;
	s18 =	sxor.u32 $0x6000, s1;
	[sflag:s8] =	ssyncadd.s32 $0xFFFFC180  }
0x94: {  	[tilespmem:s18], [sflag:$0x1] =	stream.indirect.gather [hbm4b:s4+s28], $0x80, s9, s28, $0xb8;
	v63 =	vld [tilespmem:$0x0]  }
0x95: {  	s19 =	sshrl.u32 s13, $0x4;
	p4 =	sne.s32 s16, $0x0;
	_ =	swait.ge [sflag:s0], $0x3E80  }
0x96: {  	s30 =	sshll.u32 @!p4 s19, $0xB;
	s18 =	sor.u32 $0x2000, s1;
	[sflag:s0] =	ssyncset.done $0x0  }
0x97: {  	s1 =	sand.u32 $0x1, s19;
	s9 =	sadd.s32 @!p4 s15, s30;
	s14 =	sor.u32 $0x1000, s17  }
0x98: {  	s17 =	simm.s32 @!p4 $0x4;
	[sflag:s0] =	ssyncadd.s32 $0xFFFFC180;
	s9 =	sshrl.u32 @!p4 s9, $0x3  }
0x99: {  	[spmem:s2] =	stream.indirect.scatter.add.f32 [tilespmem:s18], [sflag:$0x3], $0x80, s14, s28, $0xb8;
	v63 =	vld [tilespmem:$0x0]  }
0x9a: {  	s19 =	simm.s32 @!p4 $0x0;
	s14 =	sshll.u32 @!p4 s1, $0xB;
	s18 =	sadd.s32 @!p4 s5, s9  }
0x9b: {  	[tilespmem:s14], [sflag:$0x4] =	stream.linear.gather @!p4 [hbm4b:s18+s19], $0x800, $0x38;
	v63 =	vld [tilespmem:$0x0]  }
0x9c: {  	_ =	swait.ge @!p4 [sflag:s17], $0x800  }
0x9d: {  	[sflag:s17] =	ssyncset.done @!p4 $0x0  }
0x9e: {  	s9 =	sadd.s32 @!p4 s6, s9;
	s14 =	sor.u32 @!p4 $0x1000, s14;
	[sflag:s17] =	ssyncadd.s32 @!p4 $0xFFFFF800  }
0x9f: {  	[tilespmem:s14], [sflag:$0x4] =	stream.linear.gather @!p4 [hbm4b:s9+s19], $0x800, $0x38;
	v63 =	vld [tilespmem:$0x0]  }
0xa0: {  	_ =	swait.ge @!p4 [sflag:s17], $0x800  }
0xa1: {  	[sflag:s17] =	ssyncset.done @!p4 $0x0  }
0xa2: {  	s14 =	sadd.s32 $0xFFFFFFFF, s13;
	[sflag:s17] =	ssyncadd.s32 @!p4 $0xFFFFF800  }
0xa3: {  	s1 =	sshll.u32 s1, $0xB;
	s9 =	sand.u32 $0x1, s14;
	_ =	swait.ge [sflag:s8], $0x3E80  }
0xa4: {  	s9 =	sshll.u32 s9, $0xE;
	s17 =	sshll.u32 s16, $0x7;
	[sflag:s8] =	ssyncset.done $0x0  }
0xa5: {  	s18 =	sxor.u32 $0x6000, s9;
	s1 =	sor.u32 s17, s1;
	[sflag:s8] =	ssyncadd.s32 $0xFFFFC180  }
0xa6: {  	[tilespmem:s18], [sflag:$0x1] =	stream.indirect.gather [hbm4b:s4+s28], $0x80, s1, s28, $0xb8;
	v63 =	vld [tilespmem:$0x0]  }
0xa7: {  	s19 =	sand.u32 $0x3E00, s12;
	_ =	swait.ge [sflag:s0], $0x3E80  }
0xa8: {  	s1 =	sshrl.u32 s19, $0x2;
	[sflag:s0] =	ssyncset.done $0x0  }
0xa9: {  	s9 =	sor.u32 $0x2000, s9;
	s1 =	sor.u32 $0x1000, s1;
	[sflag:s0] =	ssyncadd.s32 $0xFFFFC180  }
0xaa: {  	[spmem:s2] =	stream.indirect.scatter.add.f32 [tilespmem:s9], [sflag:$0x3], $0x80, s1, s28, $0xb8;
	v63 =	vld [tilespmem:$0x0]  }
0xab: {  	_ =	swait.ge [sflag:s8], $0x3E80  }
0xac: {  	[sflag:s8] =	ssyncset.done $0x0  }
0xad: {  	[sflag:s8] =	ssyncadd.s32 $0xFFFFC180  }
0xae: {  	_ =	swait.ge [sflag:s0], $0x3E80  }
0xaf: {  	[sflag:s0] =	ssyncset.done $0x0  }
0xb0: {  	s20 =	simm.s32 $0x1780;
	[sflag:s0] =	ssyncadd.s32 $0xFFFFC180  }
0xb1: {  	[spmem:s2] =	stream.indirect.scatter.add.f32 [tilespmem:s31], [sflag:$0x3], $0x80, s20, s28, $0xb8;
	v63 =	vld [tilespmem:$0x0]  }
0xb2: {  	s24 =	stileid.u32;
	_ =	swait.ge [sflag:s8], $0x3E80  }
0xb3: {  	s30 =	sshrl.u32 s7, $0x3;
	s11 =	sadd.s32 $0x1, s11;
	[sflag:s8] =	ssyncset.done $0x0  }
0xb4: {  	p4 =	sne.s32 s11, s23;
	s1 =	sshll.u32 s24, $0x6;
	[sflag:s8] =	ssyncadd.s32 $0xFFFFC180  }
.Ltmp4:
0xb5: {  	s1 =	sor.u32 $0x1C04, s1;
	[bflag:$0x0] =	sbarrier.arrive $0xFFFF;
	(pc) =	sbr.rel @p4 .LBB2_1-.Ltmp4, $4  }
0xb6: {  	[hbm:s22], [sflag:s1] =	dma.local [spmem:s30], $0x2800  }
0xb7: {  	_ =	swait.ge [sflag:s25], $0x2800  }
0xb8: {  	[sflag:s25] =	ssyncset.done $0x0  }
0xb9: {  	[sflag:s25] =	ssyncadd.s32 $0xFFFFD800  }
0xba: {  	_ =	sfence.sel $0x180000  }
0xbb: {  	[bflag:$0x0] =	sbarrier.arrive $0xFFFF  }
0xbc: {  	_ =	strace $0x9000004A  }
0xbd: {  	s0 =	stileid.u32;
	[bflag:$0x2] =	sbarrier.arrive $0xFFFF  }
0xbe: {  	p0 =	sne.s32 s0, $0x0;
	s0 =	rddreg [dreg:$0x2]  }
0xbf: {  	s0 =	sadd.s32 @!p0 $0x100000, s0  }
0xc0: {  	[sflag:s0] =	ssyncadd.tile.s32 @!p0 $0x1;
	_ =	shalt  }
.Lfunc_end2:
_tile_overlayer_lowered:
.L_overlay_start_2:
0xc1: {  	(tag) =	ssettag $0x2  }
0xc2: {  	s0 =	rddreg [dreg:$0x0];
	s2 =	stileid.u32  }
0xc3: {  	s1 =	rddreg [dreg:$0x1];
	p0 =	sne.s32 s2, $0x0  }
0xc4: {  	s3 =	rddreg [dreg:$0x2];
	[bflag:$0x3] =	sbarrier.arrive $0xFFFF;
	s2 =	simm.s32 @!p0 $0x1C04  }
0xc5: {  	[timem:s3], [sflag:s2] =	dma.local @!p0 [hbm:s0], s1  }
0xc6: {  	s0 =	simm.s32 @!p0 $0x4  }
0xc7: {  	_ =	swait.ge @!p0 [sflag:s0], s1  }
0xc8: {  	s1 =	ssub.s32 @!p0 $0x0, s1;
	[sflag:s0] =	ssyncset.done @!p0 $0x0  }
0xc9: {  	[sflag:s0] =	ssyncadd.s32 @!p0 s1  }
0xca: {  	[bflag:$0x3] =	sbarrier.arrive $0xFFFF  }
0xcb: {  	_ =	shalt  }

// kernel: kernel.14.cloned.1.call-start
scs
__scs_entry_jumppad:
0x0: {  	(pc) =	sbr.rel $0x88, $3  }
0x1: {  	(tag) =	ssettag $0x0;
	lr =	simm.s32 $0x1  }
0x2: {  	[smem:$0x3F95] =	sst lr;
	_ =	strace $0xD0000000  }
0x3: {  	_ = 	snop  }
0x4: {  	_ = 	snop  }
0x5: {  	_ = 	snop  }
0x6: {  	_ = 	snop  }
0x7: {  	_ = 	snop  }
__scs_overlays_trampoline_lowered:
0x8: {  	[smem:$0x3FA4] =	sst s0  }
0x9: {  	[smem:$0x3FA5] =	sst s1  }
0xa: {  	[smem:$0x3FA6] =	sst s2  }
0xb: {  	[smem:$0x3FA7] =	sst s3  }
0xc: {  	[smem:$0x3FA8] =	sst s4  }
0xd: {  	[smem:$0x3FA9] =	sst s5  }
0xe: {  	[smem:$0x3FAA] =	sst s6  }
0xf: {  	[smem:$0x3FAB] =	sst s7  }
0x10: {  	[smem:$0x3FAC] =	sst s8  }
0x11: {  	[smem:$0x3FAD] =	sst s9;
	s0 =	simm.s32 @!p0 $0x0  }
0x12: {  	s1 =	sld [smem:$0x3F93];
	s0 =	simm.s32 @p0 $0x1  }
0x13: {  	[smem:$0x3FAE] =	sst s0;
	s0 =	simm.s32 @!p1 $0x0  }
0x14: {  	s2 =	sld [smem:$0x3F92];
	s0 =	simm.s32 @p1 $0x1  }
0x15: {  	[smem:$0x3FAF] =	sst s0;
	s0 =	simm.s32 @!p2 $0x0  }
0x16: {  	s3 =	sld [smem:$0x3FDB];
	s0 =	simm.s32 @p2 $0x1  }
0x17: {  	s4 =	simm.s32 $0x1BF5;
	[smem:$0x3FB1] =	sst s0  }
0x18: {  	s0 =	sld [smem:$0x3F94];
	_ =	swait.ge [sflag:s4], $0x0  }
0x19: {  	s7 =	sld [smem:$0x3F95]  }
0x1a: {  	s8 =	sadd.s32 $0xFFFFE003, lr  }
0x1b: {  	s9 =	sadd.s32 $0xFFFFFEF7, lr;
	s5 =	simm.s32 $0xFFFFFFFF;
	p2 =	slt.u32 s8, $0xFFFFF086  }
0x1c: {  	p1 =	slt.u32 s9, $0xF7A;
	s5 =	simm.s32 @!p2 $0x0  }
0x1d: {  	s5 =	simm.s32 @p1 $0x1;
	p0 =	seq.s32 s7, s2  }
0x1e: {  	s7 =	smul.u32 @!p0 $0xF7A, s2;
	p2 =	seq.s32 @!p0 s5, $0x0  }
0x1f: {  	s9 =	smul.u32 $0xF7A, s1;
	s8 =	simm.s32 @!p0 $0x1BF5;
	p2 =	por !p2, p0  }
0x20: {  	[sflag:s8] =	ssyncset.s32 @!p0 $0xFFFFF086;
	s6 =	sadd.s32 @!p0 s3, s7;
	s7 =	simm.s32 @!p0 $0x108  }
0x21: {  	s3 =	sadd.s32 s3, s9;
	s6 =	sadd.s32 @!p0 $0x88, s6;
	s7 =	simm.s32 @p2 $0x1082  }
0x22: {  	[simem:s7], [sflag:s8] =	dma.local @!p0 [hbm:s6], $0xF7A  }
0x23: {  	s9 =	sor.u32 $0xD0000000, s2;
	s6 =	simm.s32 $0x108;
	_ =	swait.ge @!p0 [sflag:s8], $0x0  }
0x24: {  	s3 =	sadd.s32 $0x88, s3;
	s6 =	simm.s32 @!p1 $0x1082;
	[sflag:s4] =	ssyncset.s32 $0xFFFFF086  }
0x25: {  	[simem:s6], [sflag:s4] =	dma.local [hbm:s3], $0xF7A  }
0x26: {  	[smem:$0x3F95] =	sst s1;
	(tag) =	ssettag s2;
	_ =	strace s9  }
0x27: {  	s1 =	sld [smem:$0x3FA5]  }
0x28: {  	s2 =	sld [smem:$0x3FA6]  }
0x29: {  	s4 =	sld [smem:$0x3FA8]  }
0x2a: {  	p0 =	seq.s32 s5, $0x0;
	s5 =	sld [smem:$0x3FA9]  }
0x2b: {  	s6 =	sld [smem:$0x3FAA]  }
0x2c: {  	s7 =	sld [smem:$0x3FAB]  }
0x2d: {  	s3 =	simm.s32 $0x108;
	s8 =	sld [smem:$0x3FAC]  }
0x2e: {  	s3 =	simm.s32 @!p0 $0x1082;
	s9 =	sld [smem:$0x3FAD]  }
0x2f: {  	lr =	sadd.s32 s0, s3;
	s0 =	sld [smem:$0x3FA4]  }
0x30: {  	s3 =	sld [smem:$0x3FA7]  }
0x31: {  	[smem:$0x3FB0] =	sst s10  }
0x32: {  	s10 =	sld [smem:$0x3FAE];
	_ =	sdelay $0x3  }
0x33: {  	p0 =	seq.s32 s10, $0x1;
	s10 =	sld [smem:$0x3FB0];
	_ =	sdelay $0x3  }
0x34: {  	[smem:$0x3FB0] =	sst s10  }
0x35: {  	s10 =	sld [smem:$0x3FAF];
	_ =	sdelay $0x3  }
0x36: {  	p1 =	seq.s32 s10, $0x1;
	s10 =	sld [smem:$0x3FB0];
	_ =	sdelay $0x3  }
0x37: {  	[smem:$0x3FB0] =	sst s10  }
0x38: {  	s10 =	sld [smem:$0x3FB1]  }
0x39: {  	_ = 	snop;
	(pc) =	sbr.ind lr, $3  }
0x3a: {  	_ = 	snop  }
0x3b: {  	_ = 	snop  }
0x3c: {  	p2 =	seq.s32 s10, $0x1;
	s10 =	sld [smem:$0x3FB0]  }
0x3d: {  	_ =	shalt  }
0x3e: {  	_ =	shalt  }
0x3f: {  	_ =	shalt  }
0x40: {  	_ =	shalt  }
0x41: {  	_ =	shalt  }
0x42: {  	_ =	shalt  }
0x43: {  	_ =	shalt  }
0x44: {  	_ =	shalt  }
0x45: {  	_ =	shalt  }
0x46: {  	_ =	shalt  }
0x47: {  	_ =	shalt  }
0x48: {  	_ =	shalt  }
0x49: {  	_ =	shalt  }
0x4a: {  	_ =	shalt  }
0x4b: {  	_ =	shalt  }
0x4c: {  	_ =	shalt  }
0x4d: {  	_ =	shalt  }
0x4e: {  	_ =	shalt  }
0x4f: {  	_ =	shalt  }
0x50: {  	_ =	shalt  }
0x51: {  	_ =	shalt  }
0x52: {  	_ =	shalt  }
0x53: {  	_ =	shalt  }
0x54: {  	_ =	shalt  }
0x55: {  	_ =	shalt  }
0x56: {  	_ =	shalt  }
0x57: {  	_ =	shalt  }
0x58: {  	_ =	shalt  }
0x59: {  	_ =	shalt  }
0x5a: {  	_ =	shalt  }
0x5b: {  	_ =	shalt  }
0x5c: {  	_ =	shalt  }
0x5d: {  	_ =	shalt  }
0x5e: {  	_ =	shalt  }
0x5f: {  	_ =	shalt  }
0x60: {  	_ =	shalt  }
0x61: {  	_ =	shalt  }
0x62: {  	_ =	shalt  }
0x63: {  	_ =	shalt  }
0x64: {  	_ =	shalt  }
0x65: {  	_ =	shalt  }
0x66: {  	_ =	shalt  }
0x67: {  	_ =	shalt  }
0x68: {  	_ =	shalt  }
0x69: {  	_ =	shalt  }
0x6a: {  	_ =	shalt  }
0x6b: {  	_ =	shalt  }
0x6c: {  	_ =	shalt  }
0x6d: {  	_ =	shalt  }
0x6e: {  	_ =	shalt  }
0x6f: {  	_ =	shalt  }
0x70: {  	_ =	shalt  }
0x71: {  	_ =	shalt  }
0x72: {  	_ =	shalt  }
0x73: {  	_ =	shalt  }
0x74: {  	_ =	shalt  }
0x75: {  	_ =	shalt  }
0x76: {  	_ =	shalt  }
0x77: {  	_ =	shalt  }
0x78: {  	_ =	shalt  }
0x79: {  	_ =	shalt  }
0x7a: {  	_ =	shalt  }
0x7b: {  	_ =	shalt  }
0x7c: {  	_ =	shalt  }
0x7d: {  	_ =	shalt  }
0x7e: {  	_ =	shalt  }
0x7f: {  	_ =	shalt  }
0x80: {  	_ =	shalt  }
0x81: {  	_ =	shalt  }
0x82: {  	_ =	shalt  }
0x83: {  	_ =	shalt  }
0x84: {  	_ =	shalt  }
0x85: {  	_ =	shalt  }
0x86: {  	_ =	shalt  }
0x87: {  	_ =	shalt  }
.Lfunc_end0:
.L_simem_size_0:
called_computation.2_lowered:
.L_overlay_start_0:
0x88: {  	s2 =	sld [smem:$0x3FD9]  }
0x89: {  	s3 =	sld [smem:$0x3FFE];
	_ =	sdelay $0x1  }
0x8a: {  	s1 =	srdreg.scid  }
0x8b: {  	s0 =	sand.u32 $0x1, s1  }
0x8c: {  	s16 =	sshll.u32 s0, $0xA;
	s2 =	sadd.s32 s3, s2  }
0x8d: {  	s2 =	sadd.s32 s2, s16  }
0x8e: {  	[smem:$0x3FBC] =	sst s2  }
0x8f: {  	_ = 	snop  }
0x90: {  	(tm) =	ssettm $0x1  }
0x91: {  	s17 =	sld [smem:$0x3FFB];
	_ =	sdelay $0x3  }
0x92: {  	_ =	strace s17  }
0x93: {  	s2 =	sld [smem:$0x3FFC];
	_ =	sdelay $0x3  }
0x94: {  	_ =	strace s2  }
0x95: {  	s2 =	sld [smem:$0x3FFD];
	_ =	sdelay $0x3  }
0x96: {  	_ =	strace s2  }
0x97: {  	_ =	strace $0x8FFFFFFF  }
0x98: {  	s18 =	sld [smem:$0x3FDB];
	_ =	sdelay $0x1  }
0x99: {  	s19 =	simm.s32 $_scs_section_size  }
0x9a: {  	s4 =	simm.s32 $_size__tile_overlayer_lowered;
	s5 =	simm.s32 $_tile_overlayer_lowered  }
0x9b: {  	s22 =	simm.s32 $0x1BFF;
	s21 =	sshll.u32 s5, $0x1;
	s2 =	sadd.s32 s19, s18  }
0x9c: {  	s6 =	simm.s32 $0x0;
	s20 =	sshll.u32 s4, $0x1;
	s4 =	sadd.s32 s21, s2  }
0x9d: {  	[timem:s6], [sflag:s22] =	dma.local [hbm:s4], s20  }
0x9e: {  	_ =	swait.ge [sflag:s22], s20  }
0x9f: {  	s3 =	ssub.s32 $0x0, s20;
	[sflag:s22] =	ssyncset.done $0x0  }
0xa0: {  	[sflag:s22] =	ssyncadd.s32 s3;
	_ =	sdelay $0x1  }
0xa1: {  	s23 =	simm.s32 $0x1B8B  }
0xa2: {  	_ =	swait.ge [sflag:s23], $0x1  }
0xa3: {  	[sflag:s23] =	ssyncset.done $0x0  }
0xa4: {  	s25 =	simm.s32 $0x1B8E;
	s24 =	sld [smem:$0x3FFE];
	[sflag:s23] =	ssyncadd.s32 $0xFFFFFFFF  }
0xa5: {  	s26 =	simm.s32 $execute0_lowered;
	[smem:$0x3FD2] =	sst s25  }
0xa6: {  	s4 =	sshll.u32 s26, $0x1;
	_ =	strace $0x8000004C;
	[dreg:$0x1] =	wrdreg $0xFFFFFFFF  }
0xa7: {  	s28 =	simm.s32 $_size_execute0_lowered;
	s2 =	sadd.s32 s2, s4;
	[dreg:$0x0] =	wrdreg $0x0  }
0xa8: {  	s4 =	sshll.u32 s28, $0x1;
	[dreg:$0x2] =	wrdreg s2  }
0xa9: {  	[dreg:$0x3] =	wrdreg s4  }
0xaa: {  	[dreg:$0x4] =	wrdreg $0xC0  }
0xab: {  	_ =	task [dreg:s6], $0x5FFFF  }
0xac: {  	[dreg:$0x1] =	wrdreg $0xFFFFFFFF  }
0xad: {  	[dreg:$0x0] =	wrdreg $0x60  }
0xae: {  	[dreg:$0x2] =	wrdreg s24  }
0xaf: {  	[dreg:$0x3] =	wrdreg $0xC0000  }
0xb0: {  	[dreg:$0x4] =	wrdreg $0x9  }
0xb1: {  	_ =	task.clear_ibuf [dreg:s6], $0x5FFFF;
	_ =	strace $0x9000004C  }
0xb2: {  	s29 =	simm.s32 $0x9;
	_ =	strace $0x8000004E  }
0xb3: {  	_ =	swait.ge [sflag:s29], $0x1  }
0xb4: {  	[sflag:s29] =	ssyncadd.s32 $0xFFFFFFFF  }
0xb5: {  	_ =	strace $0x9000004E  }
0xb6: {  	_ =	sfence  }
0xb7: {  	s30 =	sld [smem:$0x0];
	_ =	sdelay $0x2  }
0xb8: {  	s31 =	sshll.u32 s1, $0xD;
	s1 =	sshrl.u32 s1, $0x2  }
0xb9: {  	s3 =	sand.u32 $0x4000, s31;
	s1 =	sadd.s32 s1, s30  }
0xba: {  	s0 =	sor.u32 s3, s0;
	s1 =	sshll.u32 s1, $0x11  }
0xbb: {  	s0 =	sor.u32 s1, s0  }
0xbc: {  	s0 =	sadd.s32 $0x8F2B, s0  }
0xbd: {  	[sflag:s0] =	ssyncadd.remote.s32 $0x1  }
0xbe: {  	_ =	sfence.sel $0xFFFF  }
0xbf: {  	[dreg:$0x0] =	wrdreg $0xFFFFFFFF;
	(pc) =	sbr.abs _section_cstart, $3  }
0xc0: {  	[dreg:$0x1] =	wrdreg $0xFFFFFFFF  }
0xc1: {  	_ =	task.clear_ibuf [dreg:s6], $0x2FFFF;
	_ =	strace $0x9FFFFFFF  }
0xc2: {  	(tm) =	ssettm $0x7FFFFFFF  }
0xc3: {  	_ =	shalt  }
tec
execute0_lowered:
.L_overlay_start_1:
0x0: {  	(tag) =	ssettag $0x1  }
0x1: {  	s0 =	rddreg [dreg:$0x0];
	s1 =	srdreg.scid  }
0x2: {  	s2 =	rddreg [dreg:$0x1];
	s3 =	simm.s32 $0x0;
	s28 =	simm.s32 $0x7D  }
0x3: {  	s29 =	simm.s32 $0x2000;
	s8 =	sand.u32 $0x1, s1;
	s1 =	stileid.u32  }
0x4: {  	s31 =	simm.s32 $0x6000;
	[smem:$0x7FF] =	sst s3;
	s5 =	smul.u32 $0x140000, s8  }
0x5: {  	s4 =	sadd.s32 $0x16200, s0;
	s6 =	smul.u32 $0x14000, s1;
	_ =	strace $0x8000004D  }
0x6: {  	s9 =	smul.u32 $0x50000, s1;
	s17 =	ssub.s32 $0x2, s8;
	s12 =	sshll.u32 s1, $0x1  }
0x7: {  	s22 =	smul.u32 $0x2800, s1;
	s6 =	sadd.s32 s6, s5;
	s5 =	sadd.s32 $0x2200, s0  }
0x8: {  	s9 =	sshrl.u32 s9, $0x2;
	s7 =	sshrl.u32 s6, $0x3;
	s6 =	sadd.s32 $0xC200, s0  }
0x9: {  	s10 =	sadd.s32 s7, s0;
	s7 =	sadd.s32 s9, s2;
	s0 =	sadd.s32 $0x3BA00, s0  }
0xa: {  	p0 =	sne.s32 s8, $0x0;
	s9 =	sadd.s32 $0x2000, s7;
	[dreg:$0xd] =	wrdreg s0  }
0xb: {  	p1 =	seq.s32 s1, $0xF;
	s18 =	sadd.s32 $0x4000, s7;
	[dreg:$0x3] =	wrdreg s9  }
0xc: {  	s11 =	sshrl.u32 s17, $0x1;
	s19 =	sadd.s32 $0x6000, s7;
	[dreg:$0x4] =	wrdreg s18  }
0xd: {  	s12 =	sor.u32 s8, s12;
	s20 =	sadd.s32 $0x8000, s7;
	[dreg:$0x5] =	wrdreg s19  }
0xe: {  	p3 =	seq.s32 @!p0 s1, $0xF;
	s21 =	sadd.s32 $0xA000, s7;
	[dreg:$0x6] =	wrdreg s20  }
0xf: {  	s8 =	simm.s32 $0x3;
	s13 =	sadd.s32 $0xC000, s7;
	[dreg:$0x7] =	wrdreg s21  }
0x10: {  	s15 =	smul.u32 $0x2800, s12;
	s23 =	sadd.s32 $0xE000, s7;
	[dreg:$0x8] =	wrdreg s13  }
0x11: {  	s11 =	ssub.s32 s17, s11;
	s24 =	sadd.s32 $0x10000, s7;
	[dreg:$0x9] =	wrdreg s23  }
0x12: {  	s26 =	sshrl.u32 s15, $0x3;
	s25 =	sadd.s32 $0x12000, s7;
	[dreg:$0xa] =	wrdreg s24  }
0x13: {  	p2 =	por !p3, p0;
	s30 =	sadd.s32 s5, s26;
	[dreg:$0xb] =	wrdreg s25  }
0x14: {  	p3 =	por p3, p0;
	s9 =	sadd.s32 s4, s22;
	[dreg:$0xe] =	wrdreg s30  }
0x15: {  	s21 =	sadd.s32 s6, s26;
	s22 =	sadd.s32 $0x3D400, s10;
	s23 =	smax.u32 s11, $0x1  }
0x16: {  	s25 =	simm.s32 $0x4;
	[dreg:$0xc] =	wrdreg s9;
	s9 =	sadd.s32 $0x12C000, s2  }
0x17: {  	s26 =	simm.s32 $0x1000;
	s10 =	simm.s32 $0xA000;
	s0 =	sshrl.u32 @p1 s9, $0x3  }
0x18: {  	v0 =	vimm.f32 $0.0e+00;
	s11 =	simm.s32 $0x0;
	[dreg:$0xf] =	wrdreg s0;
	s0 =	simm.s32 $0x1  }
.LBB2_1:
.Ltmp0:
0x19: {  	(pc) =	sbr.rel @p0 .LBB2_3-.Ltmp0, $1  }
0x1a: {  	_ =	sdelay $0x3  }
0x1b: {  	s1 =	rddreg [dreg:$0xd]  }
0x1c: {  	s12 =	simm.s32 @p1 $0x1FC2;
	s9 =	rddreg [dreg:$0xf]  }
0x1d: {  	[spmem:s9], [sflag:s12] =	dma.local @p1 [hbm:s1], $0x1900  }
.Ltmp1:
0x1e: {  	_ = 	snop;
	(pc) =	sbr.rel .LBB2_6-.Ltmp1, $4  }
0x1f: {  	s1 =	stileid.u32  }
0x20: {  	s12 =	sshll.u32 @!p1 s1, $0x6  }
0x21: {  	s13 =	sshrl.u32 @!p1 s7, $0x3;
	s1 =	rddreg [dreg:$0xc];
	s12 =	sor.u32 @!p1 $0x1C02, s12  }
0x22: {  	[spmem:s13], [sflag:s12] =	dma.local @!p1 [hbm:s1], $0x2800  }
.LBB2_3:
0x23: {  	s12 =	sand.u32 $0x7E00, s3  }
0x24: {  	s13 =	sand.u32 $0x70, s3;
	s14 =	sshrl.u32 s12, $0x2  }
0x25: {  	s12 =	simm.s32 $0x40;
	s14 =	sor.u32 s13, s14;
	s13 =	simm.s32 $0x0  }
.LBB2_4:
0x26: {  	p4 =	sne.s32 s12, $0x7FC0  }
0x27: {  	[tilespmem:s14+$0xA000] =	vst v0;
	s13 =	sadd.s32 $0x10, s13;
	s14 =	smov.u32 s12;
	s12 =	sadd.s32 $0x40, s12  }
.Ltmp2:
0x28: {  	(pc) =	sbr.rel @p4 .LBB2_4-.Ltmp2, $4  }
0x29: {  	_ = 	snop  }
0x2a: {  	s14 =	sand.u32 $0x7E00, s14  }
0x2b: {  	s16 =	sand.u32 $0x70, s13;
	s14 =	sshrl.u32 s14, $0x2  }
0x2c: {  	s14 =	sor.u32 s16, s14  }
0x2d: {  	[tilespmem:s14+$0xA000] =	vst v0  }
0x2e: {  	[spmem:s7] =	stream.linear.scatter [tilespmem:s10], [sflag:$0x2], $0x2000, $0x38;
	v63 =	vld [tilespmem:$0x0]  }
0x2f: {  	s1 =	rddreg [dreg:$0x3]  }
0x30: {  	[spmem:s1] =	stream.linear.scatter [tilespmem:s10], [sflag:$0x2], $0x2000, $0x38;
	v63 =	vld [tilespmem:$0x0]  }
0x31: {  	s14 =	rddreg [dreg:$0x4]  }
0x32: {  	[spmem:s14] =	stream.linear.scatter [tilespmem:s10], [sflag:$0x2], $0x2000, $0x38;
	v63 =	vld [tilespmem:$0x0]  }
0x33: {  	s16 =	rddreg [dreg:$0x5]  }
0x34: {  	[spmem:s16] =	stream.linear.scatter [tilespmem:s10], [sflag:$0x2], $0x2000, $0x38;
	v63 =	vld [tilespmem:$0x0]  }
0x35: {  	s17 =	rddreg [dreg:$0x6]  }
0x36: {  	[spmem:s17] =	stream.linear.scatter [tilespmem:s10], [sflag:$0x2], $0x2000, $0x38;
	v63 =	vld [tilespmem:$0x0]  }
0x37: {  	s18 =	rddreg [dreg:$0x7]  }
0x38: {  	[spmem:s18] =	stream.linear.scatter [tilespmem:s10], [sflag:$0x2], $0x2000, $0x38;
	v63 =	vld [tilespmem:$0x0]  }
0x39: {  	s19 =	rddreg [dreg:$0x8]  }
0x3a: {  	[spmem:s19] =	stream.linear.scatter [tilespmem:s10], [sflag:$0x2], $0x2000, $0x38;
	v63 =	vld [tilespmem:$0x0]  }
0x3b: {  	s20 =	rddreg [dreg:$0x9]  }
0x3c: {  	[spmem:s20] =	stream.linear.scatter [tilespmem:s10], [sflag:$0x2], $0x2000, $0x38;
	v63 =	vld [tilespmem:$0x0]  }
0x3d: {  	s24 =	rddreg [dreg:$0xa]  }
0x3e: {  	[spmem:s24] =	stream.linear.scatter [tilespmem:s10], [sflag:$0x2], $0x2000, $0x38;
	v63 =	vld [tilespmem:$0x0]  }
0x3f: {  	s30 =	rddreg [dreg:$0xb]  }
0x40: {  	[spmem:s30] =	stream.linear.scatter [tilespmem:s10], [sflag:$0x2], $0x2000, $0x38;
	v63 =	vld [tilespmem:$0x0]  }
.LBB2_6:
0x41: {  	s1 =	rddreg [dreg:$0xe]  }
0x42: {  	[tilespmem:s3], [sflag:$0x4] =	stream.linear.gather [hbm4b:s1+s3], $0x800, $0x38;
	v63 =	vld [tilespmem:$0x0]  }
0x43: {  	_ =	swait.ge [sflag:s25], $0x800  }
0x44: {  	[sflag:s25] =	ssyncset.done $0x0  }
0x45: {  	[sflag:s25] =	ssyncadd.s32 $0xFFFFF800  }
0x46: {  	[tilespmem:s26], [sflag:$0x4] =	stream.linear.gather [hbm4b:s21+s3], $0x800, $0x38;
	v63 =	vld [tilespmem:$0x0]  }
0x47: {  	_ =	swait.ge [sflag:s25], $0x800  }
0x48: {  	[sflag:s25] =	ssyncset.done $0x0  }
0x49: {  	s12 =	simm.s32 @p0 $0x2;
	[sflag:s25] =	ssyncadd.s32 $0xFFFFF800  }
0x4a: {  	[tilespmem:s29], [sflag:$0x1] =	stream.indirect.gather [hbm4b:s4+s28], $0x80, s3, s28, $0xb8;
	v63 =	vld [tilespmem:$0x0]  }
0x4b: {  	_ =	swait.ge @p0 [sflag:s12], $0x2000  }
0x4c: {  	[sflag:s12] =	ssyncset.done @p0 $0x0  }
0x4d: {  	[sflag:s12] =	ssyncadd.s32 @p0 $0xFFFFE000  }
0x4e: {  	_ =	swait.ge @p0 [sflag:s12], $0x2000  }
0x4f: {  	[sflag:s12] =	ssyncset.done @p0 $0x0  }
0x50: {  	[sflag:s12] =	ssyncadd.s32 @p0 $0xFFFFE000  }
0x51: {  	_ =	swait.ge @p0 [sflag:s12], $0x2000  }
0x52: {  	[sflag:s12] =	ssyncset.done @p0 $0x0  }
0x53: {  	[sflag:s12] =	ssyncadd.s32 @p0 $0xFFFFE000  }
0x54: {  	_ =	swait.ge @p0 [sflag:s12], $0x2000  }
0x55: {  	[sflag:s12] =	ssyncset.done @p0 $0x0  }
0x56: {  	[sflag:s12] =	ssyncadd.s32 @p0 $0xFFFFE000  }
0x57: {  	_ =	swait.ge @p0 [sflag:s12], $0x2000  }
0x58: {  	[sflag:s12] =	ssyncset.done @p0 $0x0  }
0x59: {  	[sflag:s12] =	ssyncadd.s32 @p0 $0xFFFFE000  }
0x5a: {  	_ =	swait.ge @p0 [sflag:s12], $0x2000  }
0x5b: {  	[sflag:s12] =	ssyncset.done @p0 $0x0  }
0x5c: {  	[sflag:s12] =	ssyncadd.s32 @p0 $0xFFFFE000  }
0x5d: {  	_ =	swait.ge @p0 [sflag:s12], $0x2000  }
0x5e: {  	[sflag:s12] =	ssyncset.done @p0 $0x0  }
0x5f: {  	[sflag:s12] =	ssyncadd.s32 @p0 $0xFFFFE000  }
0x60: {  	_ =	swait.ge @p0 [sflag:s12], $0x2000  }
0x61: {  	[sflag:s12] =	ssyncset.done @p0 $0x0  }
0x62: {  	[sflag:s12] =	ssyncadd.s32 @p0 $0xFFFFE000  }
0x63: {  	_ =	swait.ge @p0 [sflag:s12], $0x2000  }
0x64: {  	[sflag:s12] =	ssyncset.done @p0 $0x0  }
0x65: {  	[sflag:s12] =	ssyncadd.s32 @p0 $0xFFFFE000  }
0x66: {  	_ =	swait.ge @p0 [sflag:s12], $0x2000  }
0x67: {  	[sflag:s12] =	ssyncset.done @p0 $0x0  }
0x68: {  	[sflag:s12] =	ssyncadd.s32 @p0 $0xFFFFE000;
	s12 =	simm.s32 @!p2 $0x2  }
0x69: {  	_ =	swait.ge @!p2 [sflag:s12], $0x1900  }
0x6a: {  	[sflag:s12] =	ssyncset.done @!p2 $0x0  }
0x6b: {  	[sflag:s12] =	ssyncadd.s32 @!p2 $0xFFFFE700;
	s12 =	simm.s32 @!p3 $0x2  }
0x6c: {  	_ =	swait.ge @!p3 [sflag:s12], $0x2800  }
0x6d: {  	[sflag:s12] =	ssyncset.done @!p3 $0x0  }
0x6e: {  	s24 =	simm.s32 $0x2;
	[sflag:s12] =	ssyncadd.s32 @!p3 $0xFFFFD800  }
0x6f: {  	s20 =	simm.s32 $0x80;
	s13 =	sand.u32 $0xF, s24;
	[bflag:$0x0] =	sbarrier.arrive $0xFFFF  }
0x70: {  	[tilespmem:s31], [sflag:$0x1] =	stream.indirect.gather [hbm4b:s4+s28], $0x80, s20, s28, $0xb8;
	v63 =	vld [tilespmem:$0x0]  }
0x71: {  	s1 =	simm.s32 $0x0;
	p4 =	sne.s32 s13, $0x0;
	_ =	swait.ge [sflag:s0], $0x3E80  }
0x72: {  	s16 =	sand.u32 $0x1, s1;
	s14 =	sadd.s32 @!p4 $0x0, s15;
	[sflag:s0] =	ssyncset.done $0x0  }
0x73: {  	s17 =	simm.s32 @!p4 $0x4;
	s14 =	sshrl.u32 @!p4 s14, $0x3;
	[sflag:s0] =	ssyncadd.s32 $0xFFFFC180  }
0x74: {  	[spmem:s2] =	stream.indirect.scatter.add.f32 [tilespmem:s29], [sflag:$0x3], $0x80, s26, s28, $0xb8;
	v63 =	vld [tilespmem:$0x0]  }
0x75: {  	s18 =	sshll.u32 @!p4 s16, $0xB;
	s19 =	simm.s32 @!p4 $0x0;
	s12 =	sadd.s32 @!p4 s5, s14  }
0x76: {  	[tilespmem:s18], [sflag:$0x4] =	stream.linear.gather @!p4 [hbm4b:s12+s19], $0x800, $0x38;
	v63 =	vld [tilespmem:$0x0]  }
0x77: {  	_ =	swait.ge @!p4 [sflag:s17], $0x800  }
0x78: {  	s30 =	simm.s32 $0x200;
	s9 =	sshll.u32 s13, $0x7;
	[sflag:s17] =	ssyncset.done @!p4 $0x0  }
0x79: {  	s14 =	sadd.s32 @!p4 s6, s14;
	s18 =	sor.u32 @!p4 $0x1000, s18;
	[sflag:s17] =	ssyncadd.s32 @!p4 $0xFFFFF800  }
0x7a: {  	[tilespmem:s18], [sflag:$0x4] =	stream.linear.gather @!p4 [hbm4b:s14+s19], $0x800, $0x38;
	v63 =	vld [tilespmem:$0x0]  }
0x7b: {  	s20 =	sand.u32 $0x3E00, s30;
	s30 =	simm.s32 $0x1;
	_ =	swait.ge @!p4 [sflag:s17], $0x800  }
0x7c: {  	s13 =	simm.s32 $0x3;
	s24 =	sand.u32 $0x1, s30;
	[sflag:s17] =	ssyncset.done @!p4 $0x0  }
0x7d: {  	s16 =	sshll.u32 s16, $0xB;
	s24 =	sshll.u32 s24, $0xE;
	[sflag:s17] =	ssyncadd.s32 @!p4 $0xFFFFF800  }
0x7e: {  	s12 =	simm.s32 $0x400;
	s14 =	simm.s32 $0x600;
	_ =	swait.ge [sflag:s8], $0x3E80  }
0x7f: {  	s18 =	sor.u32 s9, s16;
	s16 =	sand.u32 $0xF, s13;
	[sflag:s8] =	ssyncset.done $0x0  }
0x80: {  	s19 =	sxor.u32 $0x6000, s24;
	p4 =	sne.s32 s16, $0x0;
	[sflag:s8] =	ssyncadd.s32 $0xFFFFC180  }
0x81: {  	[tilespmem:s19], [sflag:$0x1] =	stream.indirect.gather [hbm4b:s4+s28], $0x80, s18, s28, $0xb8;
	v63 =	vld [tilespmem:$0x0]  }
0x82: {  	s17 =	sshrl.u32 s20, $0x2;
	s30 =	simm.s32 @!p4 $0x0;
	_ =	swait.ge [sflag:s0], $0x3E80  }
0x83: {  	s19 =	simm.s32 $0x0;
	s18 =	sor.u32 $0x2000, s24;
	[sflag:s0] =	ssyncset.done $0x0  }
.LBB2_7:
0x84: {  	s19 =	sand.u32 $0x1, s19;
	s24 =	sadd.s32 @!p4 s15, s30;
	s17 =	sor.u32 $0x1000, s17  }
0x85: {  	s30 =	smov.u32 s12;
	s12 =	smov.u32 s14;
	s9 =	smov.u32 s13  }
0x86: {  	s1 =	simm.s32 @!p4 $0x4;
	s24 =	sshrl.u32 @!p4 s24, $0x3;
	[sflag:s0] =	ssyncadd.s32 $0xFFFFC180  }
0x87: {  	[spmem:s2] =	stream.indirect.scatter.add.f32 [tilespmem:s18], [sflag:$0x3], $0x80, s17, s28, $0xb8;
	v63 =	vld [tilespmem:$0x0]  }
0x88: {  	s20 =	simm.s32 @!p4 $0x0;
	s17 =	sshll.u32 @!p4 s19, $0xB;
	s18 =	sadd.s32 @!p4 s5, s24  }
0x89: {  	[tilespmem:s17], [sflag:$0x4] =	stream.linear.gather @!p4 [hbm4b:s18+s20], $0x800, $0x38;
	v63 =	vld [tilespmem:$0x0]  }
0x8a: {  	s17 =	sor.u32 @!p4 $0x1000, s17;
	s18 =	sadd.s32 @!p4 s6, s24;
	_ =	swait.ge @!p4 [sflag:s1], $0x800  }
0x8b: {  	s14 =	sadd.s32 $0x200, s14;
	s19 =	sshll.u32 s19, $0xB;
	[sflag:s1] =	ssyncset.done @!p4 $0x0  }
0x8c: {  	p5 =	sne.s32 s14, $0x9E00;
	[sflag:s1] =	ssyncadd.s32 @!p4 $0xFFFFF800  }
0x8d: {  	[tilespmem:s17], [sflag:$0x4] =	stream.linear.gather @!p4 [hbm4b:s18+s20], $0x800, $0x38;
	v63 =	vld [tilespmem:$0x0]  }
0x8e: {  	s16 =	sshll.u32 s16, $0x7;
	_ =	swait.ge @!p4 [sflag:s1], $0x800  }
0x8f: {  	s13 =	sadd.s32 $0x1, s13;
	s17 =	sand.u32 $0x3E00, s30;
	[sflag:s1] =	ssyncset.done @!p4 $0x0  }
0x90: {  	s9 =	sadd.s32 $0xFFFFFFFF, s9;
	s17 =	sshrl.u32 s17, $0x2;
	[sflag:s1] =	ssyncadd.s32 @!p4 $0xFFFFF800  }
0x91: {  	s1 =	sand.u32 $0x1, s9;
	s9 =	sor.u32 s16, s19;
	_ =	swait.ge [sflag:s8], $0x3E80  }
.Ltmp3:
0x92: {  	s1 =	sshll.u32 s1, $0xE;
	[sflag:s8] =	ssyncset.done $0x0;
	(pc) =	sbr.rel @p5 .LBB2_7-.Ltmp3, $4  }
0x93: {  	s16 =	sand.u32 $0xF, s13;
	s18 =	sxor.u32 $0x6000, s1;
	[sflag:s8] =	ssyncadd.s32 $0xFFFFC180  }
0x94: {  	[tilespmem:s18], [sflag:$0x1] =	stream.indirect.gather [hbm4b:s4+s28], $0x80, s9, s28, $0xb8;
	v63 =	vld [tilespmem:$0x0]  }
0x95: {  	s19 =	sshrl.u32 s13, $0x4;
	p4 =	sne.s32 s16, $0x0;
	_ =	swait.ge [sflag:s0], $0x3E80  }
0x96: {  	s30 =	sshll.u32 @!p4 s19, $0xB;
	s18 =	sor.u32 $0x2000, s1;
	[sflag:s0] =	ssyncset.done $0x0  }
0x97: {  	s1 =	sand.u32 $0x1, s19;
	s9 =	sadd.s32 @!p4 s15, s30;
	s14 =	sor.u32 $0x1000, s17  }
0x98: {  	s17 =	simm.s32 @!p4 $0x4;
	[sflag:s0] =	ssyncadd.s32 $0xFFFFC180;
	s9 =	sshrl.u32 @!p4 s9, $0x3  }
0x99: {  	[spmem:s2] =	stream.indirect.scatter.add.f32 [tilespmem:s18], [sflag:$0x3], $0x80, s14, s28, $0xb8;
	v63 =	vld [tilespmem:$0x0]  }
0x9a: {  	s19 =	simm.s32 @!p4 $0x0;
	s14 =	sshll.u32 @!p4 s1, $0xB;
	s18 =	sadd.s32 @!p4 s5, s9  }
0x9b: {  	[tilespmem:s14], [sflag:$0x4] =	stream.linear.gather @!p4 [hbm4b:s18+s19], $0x800, $0x38;
	v63 =	vld [tilespmem:$0x0]  }
0x9c: {  	_ =	swait.ge @!p4 [sflag:s17], $0x800  }
0x9d: {  	[sflag:s17] =	ssyncset.done @!p4 $0x0  }
0x9e: {  	s9 =	sadd.s32 @!p4 s6, s9;
	s14 =	sor.u32 @!p4 $0x1000, s14;
	[sflag:s17] =	ssyncadd.s32 @!p4 $0xFFFFF800  }
0x9f: {  	[tilespmem:s14], [sflag:$0x4] =	stream.linear.gather @!p4 [hbm4b:s9+s19], $0x800, $0x38;
	v63 =	vld [tilespmem:$0x0]  }
0xa0: {  	_ =	swait.ge @!p4 [sflag:s17], $0x800  }
0xa1: {  	[sflag:s17] =	ssyncset.done @!p4 $0x0  }
0xa2: {  	s14 =	sadd.s32 $0xFFFFFFFF, s13;
	[sflag:s17] =	ssyncadd.s32 @!p4 $0xFFFFF800  }
0xa3: {  	s1 =	sshll.u32 s1, $0xB;
	s9 =	sand.u32 $0x1, s14;
	_ =	swait.ge [sflag:s8], $0x3E80  }
0xa4: {  	s9 =	sshll.u32 s9, $0xE;
	s17 =	sshll.u32 s16, $0x7;
	[sflag:s8] =	ssyncset.done $0x0  }
0xa5: {  	s18 =	sxor.u32 $0x6000, s9;
	s1 =	sor.u32 s17, s1;
	[sflag:s8] =	ssyncadd.s32 $0xFFFFC180  }
0xa6: {  	[tilespmem:s18], [sflag:$0x1] =	stream.indirect.gather [hbm4b:s4+s28], $0x80, s1, s28, $0xb8;
	v63 =	vld [tilespmem:$0x0]  }
0xa7: {  	s19 =	sand.u32 $0x3E00, s12;
	_ =	swait.ge [sflag:s0], $0x3E80  }
0xa8: {  	s1 =	sshrl.u32 s19, $0x2;
	[sflag:s0] =	ssyncset.done $0x0  }
0xa9: {  	s9 =	sor.u32 $0x2000, s9;
	s1 =	sor.u32 $0x1000, s1;
	[sflag:s0] =	ssyncadd.s32 $0xFFFFC180  }
0xaa: {  	[spmem:s2] =	stream.indirect.scatter.add.f32 [tilespmem:s9], [sflag:$0x3], $0x80, s1, s28, $0xb8;
	v63 =	vld [tilespmem:$0x0]  }
0xab: {  	_ =	swait.ge [sflag:s8], $0x3E80  }
0xac: {  	[sflag:s8] =	ssyncset.done $0x0  }
0xad: {  	[sflag:s8] =	ssyncadd.s32 $0xFFFFC180  }
0xae: {  	_ =	swait.ge [sflag:s0], $0x3E80  }
0xaf: {  	[sflag:s0] =	ssyncset.done $0x0  }
0xb0: {  	s20 =	simm.s32 $0x1780;
	[sflag:s0] =	ssyncadd.s32 $0xFFFFC180  }
0xb1: {  	[spmem:s2] =	stream.indirect.scatter.add.f32 [tilespmem:s31], [sflag:$0x3], $0x80, s20, s28, $0xb8;
	v63 =	vld [tilespmem:$0x0]  }
0xb2: {  	s24 =	stileid.u32;
	_ =	swait.ge [sflag:s8], $0x3E80  }
0xb3: {  	s30 =	sshrl.u32 s7, $0x3;
	s11 =	sadd.s32 $0x1, s11;
	[sflag:s8] =	ssyncset.done $0x0  }
0xb4: {  	p4 =	sne.s32 s11, s23;
	s1 =	sshll.u32 s24, $0x6;
	[sflag:s8] =	ssyncadd.s32 $0xFFFFC180  }
.Ltmp4:
0xb5: {  	s1 =	sor.u32 $0x1C04, s1;
	[bflag:$0x0] =	sbarrier.arrive $0xFFFF;
	(pc) =	sbr.rel @p4 .LBB2_1-.Ltmp4, $4  }
0xb6: {  	[hbm:s22], [sflag:s1] =	dma.local [spmem:s30], $0x2800  }
0xb7: {  	_ =	swait.ge [sflag:s25], $0x2800  }
0xb8: {  	[sflag:s25] =	ssyncset.done $0x0  }
0xb9: {  	[sflag:s25] =	ssyncadd.s32 $0xFFFFD800  }
0xba: {  	_ =	sfence.sel $0x180000  }
0xbb: {  	[bflag:$0x0] =	sbarrier.arrive $0xFFFF  }
0xbc: {  	_ =	strace $0x9000004D  }
0xbd: {  	s0 =	stileid.u32;
	[bflag:$0x2] =	sbarrier.arrive $0xFFFF  }
0xbe: {  	p0 =	sne.s32 s0, $0x0;
	s0 =	rddreg [dreg:$0x2]  }
0xbf: {  	s0 =	sadd.s32 @!p0 $0x100000, s0  }
0xc0: {  	[sflag:s0] =	ssyncadd.tile.s32 @!p0 $0x1;
	_ =	shalt  }
.Lfunc_end2:
_tile_overlayer_lowered:
.L_overlay_start_2:
0xc1: {  	(tag) =	ssettag $0x2  }
0xc2: {  	s0 =	rddreg [dreg:$0x0];
	s2 =	stileid.u32  }
0xc3: {  	s1 =	rddreg [dreg:$0x1];
	p0 =	sne.s32 s2, $0x0  }
0xc4: {  	s3 =	rddreg [dreg:$0x2];
	[bflag:$0x3] =	sbarrier.arrive $0xFFFF;
	s2 =	simm.s32 @!p0 $0x1C04  }
0xc5: {  	[timem:s3], [sflag:s2] =	dma.local @!p0 [hbm:s0], s1  }
0xc6: {  	s0 =	simm.s32 @!p0 $0x4  }
0xc7: {  	_ =	swait.ge @!p0 [sflag:s0], s1  }
0xc8: {  	s1 =	ssub.s32 @!p0 $0x0, s1;
	[sflag:s0] =	ssyncset.done @!p0 $0x0  }
0xc9: {  	[sflag:s0] =	ssyncadd.s32 @!p0 s1  }
0xca: {  	[bflag:$0x3] =	sbarrier.arrive $0xFFFF  }
0xcb: {  	_ =	shalt  }

// kernel: kernel.8.cloned.1.call-start
scs
__scs_entry_jumppad:
0x0: {  	(pc) =	sbr.rel $0x88, $3  }
0x1: {  	(tag) =	ssettag $0x0;
	lr =	simm.s32 $0x1  }
0x2: {  	[smem:$0x3F95] =	sst lr;
	_ =	strace $0xD0000000  }
0x3: {  	_ = 	snop  }
0x4: {  	_ = 	snop  }
0x5: {  	_ = 	snop  }
0x6: {  	_ = 	snop  }
0x7: {  	_ = 	snop  }
__scs_overlays_trampoline_lowered:
0x8: {  	[smem:$0x3FA4] =	sst s0  }
0x9: {  	[smem:$0x3FA5] =	sst s1  }
0xa: {  	[smem:$0x3FA6] =	sst s2  }
0xb: {  	[smem:$0x3FA7] =	sst s3  }
0xc: {  	[smem:$0x3FA8] =	sst s4  }
0xd: {  	[smem:$0x3FA9] =	sst s5  }
0xe: {  	[smem:$0x3FAA] =	sst s6  }
0xf: {  	[smem:$0x3FAB] =	sst s7  }
0x10: {  	[smem:$0x3FAC] =	sst s8  }
0x11: {  	[smem:$0x3FAD] =	sst s9;
	s0 =	simm.s32 @!p0 $0x0  }
0x12: {  	s1 =	sld [smem:$0x3F93];
	s0 =	simm.s32 @p0 $0x1  }
0x13: {  	[smem:$0x3FAE] =	sst s0;
	s0 =	simm.s32 @!p1 $0x0  }
0x14: {  	s2 =	sld [smem:$0x3F92];
	s0 =	simm.s32 @p1 $0x1  }
0x15: {  	[smem:$0x3FAF] =	sst s0;
	s0 =	simm.s32 @!p2 $0x0  }
0x16: {  	s3 =	sld [smem:$0x3FDB];
	s0 =	simm.s32 @p2 $0x1  }
0x17: {  	s4 =	simm.s32 $0x1BF5;
	[smem:$0x3FB1] =	sst s0  }
0x18: {  	s0 =	sld [smem:$0x3F94];
	_ =	swait.ge [sflag:s4], $0x0  }
0x19: {  	s7 =	sld [smem:$0x3F95]  }
0x1a: {  	s8 =	sadd.s32 $0xFFFFE003, lr  }
0x1b: {  	s9 =	sadd.s32 $0xFFFFFEF7, lr;
	s5 =	simm.s32 $0xFFFFFFFF;
	p2 =	slt.u32 s8, $0xFFFFF086  }
0x1c: {  	p1 =	slt.u32 s9, $0xF7A;
	s5 =	simm.s32 @!p2 $0x0  }
0x1d: {  	s5 =	simm.s32 @p1 $0x1;
	p0 =	seq.s32 s7, s2  }
0x1e: {  	s7 =	smul.u32 @!p0 $0xF7A, s2;
	p2 =	seq.s32 @!p0 s5, $0x0  }
0x1f: {  	s9 =	smul.u32 $0xF7A, s1;
	s8 =	simm.s32 @!p0 $0x1BF5;
	p2 =	por !p2, p0  }
0x20: {  	[sflag:s8] =	ssyncset.s32 @!p0 $0xFFFFF086;
	s6 =	sadd.s32 @!p0 s3, s7;
	s7 =	simm.s32 @!p0 $0x108  }
0x21: {  	s3 =	sadd.s32 s3, s9;
	s6 =	sadd.s32 @!p0 $0x88, s6;
	s7 =	simm.s32 @p2 $0x1082  }
0x22: {  	[simem:s7], [sflag:s8] =	dma.local @!p0 [hbm:s6], $0xF7A  }
0x23: {  	s9 =	sor.u32 $0xD0000000, s2;
	s6 =	simm.s32 $0x108;
	_ =	swait.ge @!p0 [sflag:s8], $0x0  }
0x24: {  	s3 =	sadd.s32 $0x88, s3;
	s6 =	simm.s32 @!p1 $0x1082;
	[sflag:s4] =	ssyncset.s32 $0xFFFFF086  }
0x25: {  	[simem:s6], [sflag:s4] =	dma.local [hbm:s3], $0xF7A  }
0x26: {  	[smem:$0x3F95] =	sst s1;
	(tag) =	ssettag s2;
	_ =	strace s9  }
0x27: {  	s1 =	sld [smem:$0x3FA5]  }
0x28: {  	s2 =	sld [smem:$0x3FA6]  }
0x29: {  	s4 =	sld [smem:$0x3FA8]  }
0x2a: {  	p0 =	seq.s32 s5, $0x0;
	s5 =	sld [smem:$0x3FA9]  }
0x2b: {  	s6 =	sld [smem:$0x3FAA]  }
0x2c: {  	s7 =	sld [smem:$0x3FAB]  }
0x2d: {  	s3 =	simm.s32 $0x108;
	s8 =	sld [smem:$0x3FAC]  }
0x2e: {  	s3 =	simm.s32 @!p0 $0x1082;
	s9 =	sld [smem:$0x3FAD]  }
0x2f: {  	lr =	sadd.s32 s0, s3;
	s0 =	sld [smem:$0x3FA4]  }
0x30: {  	s3 =	sld [smem:$0x3FA7]  }
0x31: {  	[smem:$0x3FB0] =	sst s10  }
0x32: {  	s10 =	sld [smem:$0x3FAE];
	_ =	sdelay $0x3  }
0x33: {  	p0 =	seq.s32 s10, $0x1;
	s10 =	sld [smem:$0x3FB0];
	_ =	sdelay $0x3  }
0x34: {  	[smem:$0x3FB0] =	sst s10  }
0x35: {  	s10 =	sld [smem:$0x3FAF];
	_ =	sdelay $0x3  }
0x36: {  	p1 =	seq.s32 s10, $0x1;
	s10 =	sld [smem:$0x3FB0];
	_ =	sdelay $0x3  }
0x37: {  	[smem:$0x3FB0] =	sst s10  }
0x38: {  	s10 =	sld [smem:$0x3FB1]  }
0x39: {  	_ = 	snop;
	(pc) =	sbr.ind lr, $3  }
0x3a: {  	_ = 	snop  }
0x3b: {  	_ = 	snop  }
0x3c: {  	p2 =	seq.s32 s10, $0x1;
	s10 =	sld [smem:$0x3FB0]  }
0x3d: {  	_ =	shalt  }
0x3e: {  	_ =	shalt  }
0x3f: {  	_ =	shalt  }
0x40: {  	_ =	shalt  }
0x41: {  	_ =	shalt  }
0x42: {  	_ =	shalt  }
0x43: {  	_ =	shalt  }
0x44: {  	_ =	shalt  }
0x45: {  	_ =	shalt  }
0x46: {  	_ =	shalt  }
0x47: {  	_ =	shalt  }
0x48: {  	_ =	shalt  }
0x49: {  	_ =	shalt  }
0x4a: {  	_ =	shalt  }
0x4b: {  	_ =	shalt  }
0x4c: {  	_ =	shalt  }
0x4d: {  	_ =	shalt  }
0x4e: {  	_ =	shalt  }
0x4f: {  	_ =	shalt  }
0x50: {  	_ =	shalt  }
0x51: {  	_ =	shalt  }
0x52: {  	_ =	shalt  }
0x53: {  	_ =	shalt  }
0x54: {  	_ =	shalt  }
0x55: {  	_ =	shalt  }
0x56: {  	_ =	shalt  }
0x57: {  	_ =	shalt  }
0x58: {  	_ =	shalt  }
0x59: {  	_ =	shalt  }
0x5a: {  	_ =	shalt  }
0x5b: {  	_ =	shalt  }
0x5c: {  	_ =	shalt  }
0x5d: {  	_ =	shalt  }
0x5e: {  	_ =	shalt  }
0x5f: {  	_ =	shalt  }
0x60: {  	_ =	shalt  }
0x61: {  	_ =	shalt  }
0x62: {  	_ =	shalt  }
0x63: {  	_ =	shalt  }
0x64: {  	_ =	shalt  }
0x65: {  	_ =	shalt  }
0x66: {  	_ =	shalt  }
0x67: {  	_ =	shalt  }
0x68: {  	_ =	shalt  }
0x69: {  	_ =	shalt  }
0x6a: {  	_ =	shalt  }
0x6b: {  	_ =	shalt  }
0x6c: {  	_ =	shalt  }
0x6d: {  	_ =	shalt  }
0x6e: {  	_ =	shalt  }
0x6f: {  	_ =	shalt  }
0x70: {  	_ =	shalt  }
0x71: {  	_ =	shalt  }
0x72: {  	_ =	shalt  }
0x73: {  	_ =	shalt  }
0x74: {  	_ =	shalt  }
0x75: {  	_ =	shalt  }
0x76: {  	_ =	shalt  }
0x77: {  	_ =	shalt  }
0x78: {  	_ =	shalt  }
0x79: {  	_ =	shalt  }
0x7a: {  	_ =	shalt  }
0x7b: {  	_ =	shalt  }
0x7c: {  	_ =	shalt  }
0x7d: {  	_ =	shalt  }
0x7e: {  	_ =	shalt  }
0x7f: {  	_ =	shalt  }
0x80: {  	_ =	shalt  }
0x81: {  	_ =	shalt  }
0x82: {  	_ =	shalt  }
0x83: {  	_ =	shalt  }
0x84: {  	_ =	shalt  }
0x85: {  	_ =	shalt  }
0x86: {  	_ =	shalt  }
0x87: {  	_ =	shalt  }
.Lfunc_end0:
.L_simem_size_0:
called_computation_lowered:
.L_overlay_start_0:
0x88: {  	s2 =	sld [smem:$0x3FD9]  }
0x89: {  	s3 =	sld [smem:$0x3FFE];
	_ =	sdelay $0x1  }
0x8a: {  	s1 =	srdreg.scid  }
0x8b: {  	s0 =	sand.u32 $0x1, s1  }
0x8c: {  	s17 =	sshll.u32 s0, $0xA;
	s2 =	sadd.s32 s3, s2  }
0x8d: {  	s2 =	sadd.s32 s2, s17  }
0x8e: {  	[smem:$0x3FBC] =	sst s2  }
0x8f: {  	_ = 	snop  }
0x90: {  	s2 =	sld [smem:$0x3FC9];
	(tm) =	ssettm $0x1  }
0x91: {  	s18 =	sld [smem:$0x3FFB];
	_ =	sdelay $0x3  }
0x92: {  	_ =	strace s18  }
0x93: {  	s3 =	sld [smem:$0x3FFC];
	_ =	sdelay $0x3  }
0x94: {  	_ =	strace s3  }
0x95: {  	s3 =	sld [smem:$0x3FFD];
	_ =	sdelay $0x3  }
0x96: {  	_ =	strace s3  }
0x97: {  	_ =	strace $0x8FFFFFFF  }
0x98: {  	s19 =	sld [smem:$0x3FDB];
	_ =	sdelay $0x1  }
0x99: {  	s4 =	simm.s32 $_scs_section_size  }
0x9a: {  	s5 =	simm.s32 $_size__tile_overlayer_lowered;
	s6 =	simm.s32 $_tile_overlayer_lowered  }
0x9b: {  	s22 =	simm.s32 $0x1BFF;
	s21 =	sshll.u32 s6, $0x1;
	s3 =	sadd.s32 s4, s19  }
0x9c: {  	s7 =	simm.s32 $0x0;
	s20 =	sshll.u32 s5, $0x1;
	s5 =	sadd.s32 s21, s3  }
0x9d: {  	[timem:s7], [sflag:s22] =	dma.local [hbm:s5], s20  }
0x9e: {  	_ =	swait.ge [sflag:s22], s20  }
0x9f: {  	s4 =	ssub.s32 $0x0, s20;
	[sflag:s22] =	ssyncset.done $0x0  }
0xa0: {  	[sflag:s22] =	ssyncadd.s32 s4;
	_ =	sdelay $0x1  }
0xa1: {  	s23 =	simm.s32 $0x1B8B  }
0xa2: {  	_ =	swait.ge [sflag:s23], $0x1  }
0xa3: {  	[sflag:s23] =	ssyncset.done $0x0  }
0xa4: {  	s25 =	simm.s32 $0x1B8E;
	s24 =	sld [smem:$0x3FFE];
	[sflag:s23] =	ssyncadd.s32 $0xFFFFFFFF  }
0xa5: {  	s26 =	simm.s32 $execute0_lowered;
	[smem:$0x3FD2] =	sst s25  }
0xa6: {  	s5 =	sshll.u32 s26, $0x1;
	_ =	strace $0x80000046;
	[dreg:$0x1] =	wrdreg $0xFFFFFFFF  }
0xa7: {  	s28 =	simm.s32 $_size_execute0_lowered;
	s3 =	sadd.s32 s3, s5;
	[dreg:$0x0] =	wrdreg $0x0  }
0xa8: {  	s5 =	sshll.u32 s28, $0x1;
	[dreg:$0x2] =	wrdreg s3  }
0xa9: {  	[dreg:$0x3] =	wrdreg s5  }
0xaa: {  	[dreg:$0x4] =	wrdreg $0xC0  }
0xab: {  	_ =	task [dreg:s7], $0x5FFFF  }
0xac: {  	[dreg:$0x1] =	wrdreg $0xFFFFFFFF  }
0xad: {  	[dreg:$0x0] =	wrdreg $0x60  }
0xae: {  	[dreg:$0x2] =	wrdreg s2  }
0xaf: {  	[dreg:$0x3] =	wrdreg s24  }
0xb0: {  	[dreg:$0x4] =	wrdreg $0xC0000  }
0xb1: {  	[dreg:$0x5] =	wrdreg $0x9  }
0xb2: {  	_ =	task.clear_ibuf [dreg:s7], $0x6FFFF;
	_ =	strace $0x90000046  }
0xb3: {  	s29 =	simm.s32 $0x9;
	_ =	strace $0x80000048  }
0xb4: {  	_ =	swait.ge [sflag:s29], $0x1  }
0xb5: {  	[sflag:s29] =	ssyncadd.s32 $0xFFFFFFFF  }
0xb6: {  	_ =	strace $0x90000048  }
0xb7: {  	_ =	sfence  }
0xb8: {  	s30 =	sld [smem:$0x0];
	_ =	sdelay $0x2  }
0xb9: {  	s31 =	sshll.u32 s1, $0xD;
	s1 =	sshrl.u32 s1, $0x2  }
0xba: {  	s3 =	sand.u32 $0x4000, s31;
	s1 =	sadd.s32 s1, s30  }
0xbb: {  	s0 =	sor.u32 s3, s0;
	s1 =	sshll.u32 s1, $0x11  }
0xbc: {  	s0 =	sor.u32 s1, s0  }
0xbd: {  	s0 =	sadd.s32 $0x8F2B, s0  }
0xbe: {  	[sflag:s0] =	ssyncadd.remote.s32 $0x1  }
0xbf: {  	_ =	sfence.sel $0xFFFF  }
0xc0: {  	[dreg:$0x0] =	wrdreg $0xFFFFFFFF;
	(pc) =	sbr.abs _section_cstart, $3  }
0xc1: {  	[dreg:$0x1] =	wrdreg $0xFFFFFFFF  }
0xc2: {  	_ =	task.clear_ibuf [dreg:s7], $0x2FFFF;
	_ =	strace $0x9FFFFFFF  }
0xc3: {  	(tm) =	ssettm $0x7FFFFFFF  }
tec
execute0_lowered:
.L_overlay_start_1:
0x0: {  	(tag) =	ssettag $0x1  }
0x1: {  	s0 =	rddreg [dreg:$0x0]  }
0x2: {  	s1 =	rddreg [dreg:$0x1]  }
0x3: {  	s2 =	srdreg.scid;
	s3 =	rddreg [dreg:$0x2];
	s4 =	simm.s32 $0x0  }
0x4: {  	s28 =	simm.s32 $0x7D;
	s29 =	simm.s32 $0x2000;
	s8 =	sand.u32 $0x1, s2  }
0x5: {  	s31 =	simm.s32 $0x6000;
	s2 =	stileid.u32;
	s5 =	smul.u32 $0x140000, s8  }
0x6: {  	[smem:$0x7FF] =	sst s4;
	s25 =	sadd.s32 $0x25800, s0;
	s6 =	smul.u32 $0x14000, s2  }
0x7: {  	_ =	strace $0x80000047;
	s9 =	smul.u32 $0x50000, s2;
	s16 =	ssub.s32 $0x2, s8  }
0x8: {  	s11 =	sshll.u32 s2, $0x1;
	s21 =	smul.u32 $0x2800, s2;
	[dreg:$0xe] =	wrdreg s25  }
0x9: {  	p0 =	sne.s32 s8, $0x0;
	p1 =	seq.s32 s2, $0xF;
	s6 =	sadd.s32 s6, s5  }
0xa: {  	s5 =	sadd.s32 $0x2200, s1;
	s9 =	sshrl.u32 s9, $0x2;
	s7 =	sshrl.u32 s6, $0x3  }
0xb: {  	s6 =	sadd.s32 $0xC200, s1;
	s1 =	sadd.s32 s7, s1;
	s7 =	sadd.s32 s9, s3  }
0xc: {  	s25 =	simm.s32 $0x4;
	s10 =	sshrl.u32 s16, $0x1;
	s9 =	sadd.s32 $0x2000, s7  }
0xd: {  	s11 =	sor.u32 s8, s11;
	s17 =	sadd.s32 $0x4000, s7;
	[dreg:$0x4] =	wrdreg s9  }
0xe: {  	p3 =	seq.s32 @!p0 s2, $0xF;
	s18 =	sadd.s32 $0x6000, s7;
	[dreg:$0x5] =	wrdreg s17  }
0xf: {  	s8 =	simm.s32 $0x3;
	s19 =	sadd.s32 $0x8000, s7;
	[dreg:$0x6] =	wrdreg s18  }
0x10: {  	s10 =	ssub.s32 s16, s10;
	s20 =	sadd.s32 $0xA000, s7;
	[dreg:$0x7] =	wrdreg s19  }
0x11: {  	s15 =	smul.u32 $0x2800, s11;
	s12 =	sadd.s32 $0xC000, s7;
	[dreg:$0x8] =	wrdreg s20  }
0x12: {  	p2 =	por !p3, p0;
	s22 =	sadd.s32 $0xE000, s7;
	[dreg:$0x9] =	wrdreg s12  }
0x13: {  	p3 =	por p3, p0;
	s23 =	sadd.s32 $0x10000, s7;
	[dreg:$0xa] =	wrdreg s22  }
0x14: {  	s26 =	sshrl.u32 s15, $0x3;
	s24 =	sadd.s32 $0x12000, s7;
	[dreg:$0xb] =	wrdreg s23  }
0x15: {  	s11 =	simm.s32 $0x0;
	s30 =	sadd.s32 s5, s26;
	[dreg:$0xc] =	wrdreg s24  }
0x16: {  	s9 =	sadd.s32 s0, s21;
	[dreg:$0xf] =	wrdreg s30;
	s21 =	sadd.s32 s6, s26  }
0x17: {  	s22 =	sadd.s32 $0x16200, s1;
	[dreg:$0xd] =	wrdreg s9;
	s9 =	sadd.s32 $0x12C000, s3  }
0x18: {  	s23 =	smax.u32 s10, $0x1;
	s26 =	simm.s32 $0x1000;
	s1 =	sshrl.u32 @p1 s9, $0x3  }
0x19: {  	v0 =	vimm.f32 $0.0e+00;
	s10 =	simm.s32 $0xA000;
	[dreg:$0x10] =	wrdreg s1;
	s1 =	simm.s32 $0x1  }
.LBB2_1:
.Ltmp0:
0x1a: {  	(pc) =	sbr.rel @p0 .LBB2_3-.Ltmp0, $1  }
0x1b: {  	_ =	sdelay $0x3  }
0x1c: {  	s2 =	rddreg [dreg:$0xe]  }
0x1d: {  	s12 =	simm.s32 @p1 $0x1FC2;
	s9 =	rddreg [dreg:$0x10]  }
0x1e: {  	[spmem:s9], [sflag:s12] =	dma.local @p1 [hbm:s2], $0x1900  }
.Ltmp1:
0x1f: {  	_ = 	snop;
	(pc) =	sbr.rel .LBB2_6-.Ltmp1, $4  }
0x20: {  	s2 =	stileid.u32  }
0x21: {  	s12 =	sshll.u32 @!p1 s2, $0x6  }
0x22: {  	s13 =	sshrl.u32 @!p1 s7, $0x3;
	s2 =	rddreg [dreg:$0xd];
	s12 =	sor.u32 @!p1 $0x1C02, s12  }
0x23: {  	[spmem:s13], [sflag:s12] =	dma.local @!p1 [hbm:s2], $0x2800  }
.LBB2_3:
0x24: {  	s12 =	sand.u32 $0x7E00, s4  }
0x25: {  	s13 =	sand.u32 $0x70, s4;
	s14 =	sshrl.u32 s12, $0x2  }
0x26: {  	s12 =	simm.s32 $0x40;
	s14 =	sor.u32 s13, s14;
	s13 =	simm.s32 $0x0  }
.LBB2_4:
0x27: {  	p4 =	sne.s32 s12, $0x7FC0  }
0x28: {  	[tilespmem:s14+$0xA000] =	vst v0;
	s13 =	sadd.s32 $0x10, s13;
	s14 =	smov.u32 s12;
	s12 =	sadd.s32 $0x40, s12  }
.Ltmp2:
0x29: {  	(pc) =	sbr.rel @p4 .LBB2_4-.Ltmp2, $4  }
0x2a: {  	_ = 	snop  }
0x2b: {  	s14 =	sand.u32 $0x7E00, s14  }
0x2c: {  	s16 =	sand.u32 $0x70, s13;
	s14 =	sshrl.u32 s14, $0x2  }
0x2d: {  	s14 =	sor.u32 s16, s14  }
0x2e: {  	[tilespmem:s14+$0xA000] =	vst v0  }
0x2f: {  	[spmem:s7] =	stream.linear.scatter [tilespmem:s10], [sflag:$0x2], $0x2000, $0x38;
	v63 =	vld [tilespmem:$0x0]  }
0x30: {  	s2 =	rddreg [dreg:$0x4]  }
0x31: {  	[spmem:s2] =	stream.linear.scatter [tilespmem:s10], [sflag:$0x2], $0x2000, $0x38;
	v63 =	vld [tilespmem:$0x0]  }
0x32: {  	s14 =	rddreg [dreg:$0x5]  }
0x33: {  	[spmem:s14] =	stream.linear.scatter [tilespmem:s10], [sflag:$0x2], $0x2000, $0x38;
	v63 =	vld [tilespmem:$0x0]  }
0x34: {  	s16 =	rddreg [dreg:$0x6]  }
0x35: {  	[spmem:s16] =	stream.linear.scatter [tilespmem:s10], [sflag:$0x2], $0x2000, $0x38;
	v63 =	vld [tilespmem:$0x0]  }
0x36: {  	s17 =	rddreg [dreg:$0x7]  }
0x37: {  	[spmem:s17] =	stream.linear.scatter [tilespmem:s10], [sflag:$0x2], $0x2000, $0x38;
	v63 =	vld [tilespmem:$0x0]  }
0x38: {  	s18 =	rddreg [dreg:$0x8]  }
0x39: {  	[spmem:s18] =	stream.linear.scatter [tilespmem:s10], [sflag:$0x2], $0x2000, $0x38;
	v63 =	vld [tilespmem:$0x0]  }
0x3a: {  	s19 =	rddreg [dreg:$0x9]  }
0x3b: {  	[spmem:s19] =	stream.linear.scatter [tilespmem:s10], [sflag:$0x2], $0x2000, $0x38;
	v63 =	vld [tilespmem:$0x0]  }
0x3c: {  	s20 =	rddreg [dreg:$0xa]  }
0x3d: {  	[spmem:s20] =	stream.linear.scatter [tilespmem:s10], [sflag:$0x2], $0x2000, $0x38;
	v63 =	vld [tilespmem:$0x0]  }
0x3e: {  	s24 =	rddreg [dreg:$0xb]  }
0x3f: {  	[spmem:s24] =	stream.linear.scatter [tilespmem:s10], [sflag:$0x2], $0x2000, $0x38;
	v63 =	vld [tilespmem:$0x0]  }
0x40: {  	s30 =	rddreg [dreg:$0xc]  }
0x41: {  	[spmem:s30] =	stream.linear.scatter [tilespmem:s10], [sflag:$0x2], $0x2000, $0x38;
	v63 =	vld [tilespmem:$0x0]  }
.LBB2_6:
0x42: {  	s2 =	rddreg [dreg:$0xf]  }
0x43: {  	[tilespmem:s4], [sflag:$0x4] =	stream.linear.gather [hbm4b:s2+s4], $0x800, $0x38;
	v63 =	vld [tilespmem:$0x0]  }
0x44: {  	_ =	swait.ge [sflag:s25], $0x800  }
0x45: {  	[sflag:s25] =	ssyncset.done $0x0  }
0x46: {  	[sflag:s25] =	ssyncadd.s32 $0xFFFFF800  }
0x47: {  	[tilespmem:s26], [sflag:$0x4] =	stream.linear.gather [hbm4b:s21+s4], $0x800, $0x38;
	v63 =	vld [tilespmem:$0x0]  }
0x48: {  	_ =	swait.ge [sflag:s25], $0x800  }
0x49: {  	[sflag:s25] =	ssyncset.done $0x0  }
0x4a: {  	s12 =	simm.s32 @p0 $0x2;
	[sflag:s25] =	ssyncadd.s32 $0xFFFFF800  }
0x4b: {  	[tilespmem:s29], [sflag:$0x1] =	stream.indirect.gather [hbm4b:s0+s28], $0x80, s4, s28, $0xb8;
	v63 =	vld [tilespmem:$0x0]  }
0x4c: {  	_ =	swait.ge @p0 [sflag:s12], $0x2000  }
0x4d: {  	[sflag:s12] =	ssyncset.done @p0 $0x0  }
0x4e: {  	[sflag:s12] =	ssyncadd.s32 @p0 $0xFFFFE000  }
0x4f: {  	_ =	swait.ge @p0 [sflag:s12], $0x2000  }
0x50: {  	[sflag:s12] =	ssyncset.done @p0 $0x0  }
0x51: {  	[sflag:s12] =	ssyncadd.s32 @p0 $0xFFFFE000  }
0x52: {  	_ =	swait.ge @p0 [sflag:s12], $0x2000  }
0x53: {  	[sflag:s12] =	ssyncset.done @p0 $0x0  }
0x54: {  	[sflag:s12] =	ssyncadd.s32 @p0 $0xFFFFE000  }
0x55: {  	_ =	swait.ge @p0 [sflag:s12], $0x2000  }
0x56: {  	[sflag:s12] =	ssyncset.done @p0 $0x0  }
0x57: {  	[sflag:s12] =	ssyncadd.s32 @p0 $0xFFFFE000  }
0x58: {  	_ =	swait.ge @p0 [sflag:s12], $0x2000  }
0x59: {  	[sflag:s12] =	ssyncset.done @p0 $0x0  }
0x5a: {  	[sflag:s12] =	ssyncadd.s32 @p0 $0xFFFFE000  }
0x5b: {  	_ =	swait.ge @p0 [sflag:s12], $0x2000  }
0x5c: {  	[sflag:s12] =	ssyncset.done @p0 $0x0  }
0x5d: {  	[sflag:s12] =	ssyncadd.s32 @p0 $0xFFFFE000  }
0x5e: {  	_ =	swait.ge @p0 [sflag:s12], $0x2000  }
0x5f: {  	[sflag:s12] =	ssyncset.done @p0 $0x0  }
0x60: {  	[sflag:s12] =	ssyncadd.s32 @p0 $0xFFFFE000  }
0x61: {  	_ =	swait.ge @p0 [sflag:s12], $0x2000  }
0x62: {  	[sflag:s12] =	ssyncset.done @p0 $0x0  }
0x63: {  	[sflag:s12] =	ssyncadd.s32 @p0 $0xFFFFE000  }
0x64: {  	_ =	swait.ge @p0 [sflag:s12], $0x2000  }
0x65: {  	[sflag:s12] =	ssyncset.done @p0 $0x0  }
0x66: {  	[sflag:s12] =	ssyncadd.s32 @p0 $0xFFFFE000  }
0x67: {  	_ =	swait.ge @p0 [sflag:s12], $0x2000  }
0x68: {  	[sflag:s12] =	ssyncset.done @p0 $0x0  }
0x69: {  	[sflag:s12] =	ssyncadd.s32 @p0 $0xFFFFE000;
	s12 =	simm.s32 @!p2 $0x2  }
0x6a: {  	_ =	swait.ge @!p2 [sflag:s12], $0x1900  }
0x6b: {  	[sflag:s12] =	ssyncset.done @!p2 $0x0  }
0x6c: {  	[sflag:s12] =	ssyncadd.s32 @!p2 $0xFFFFE700;
	s12 =	simm.s32 @!p3 $0x2  }
0x6d: {  	_ =	swait.ge @!p3 [sflag:s12], $0x2800  }
0x6e: {  	[sflag:s12] =	ssyncset.done @!p3 $0x0  }
0x6f: {  	s24 =	simm.s32 $0x2;
	[sflag:s12] =	ssyncadd.s32 @!p3 $0xFFFFD800  }
0x70: {  	s20 =	simm.s32 $0x80;
	s13 =	sand.u32 $0xF, s24;
	[bflag:$0x0] =	sbarrier.arrive $0xFFFF  }
0x71: {  	[tilespmem:s31], [sflag:$0x1] =	stream.indirect.gather [hbm4b:s0+s28], $0x80, s20, s28, $0xb8;
	v63 =	vld [tilespmem:$0x0]  }
0x72: {  	s2 =	simm.s32 $0x0;
	p4 =	sne.s32 s13, $0x0;
	_ =	swait.ge [sflag:s1], $0x3E80  }
0x73: {  	s16 =	sand.u32 $0x1, s2;
	s14 =	sadd.s32 @!p4 $0x0, s15;
	[sflag:s1] =	ssyncset.done $0x0  }
0x74: {  	s17 =	simm.s32 @!p4 $0x4;
	s14 =	sshrl.u32 @!p4 s14, $0x3;
	[sflag:s1] =	ssyncadd.s32 $0xFFFFC180  }
0x75: {  	[spmem:s3] =	stream.indirect.scatter.add.f32 [tilespmem:s29], [sflag:$0x3], $0x80, s26, s28, $0xb8;
	v63 =	vld [tilespmem:$0x0]  }
0x76: {  	s18 =	sshll.u32 @!p4 s16, $0xB;
	s19 =	simm.s32 @!p4 $0x0;
	s12 =	sadd.s32 @!p4 s5, s14  }
0x77: {  	[tilespmem:s18], [sflag:$0x4] =	stream.linear.gather @!p4 [hbm4b:s12+s19], $0x800, $0x38;
	v63 =	vld [tilespmem:$0x0]  }
0x78: {  	_ =	swait.ge @!p4 [sflag:s17], $0x800  }
0x79: {  	s30 =	simm.s32 $0x200;
	s9 =	sshll.u32 s13, $0x7;
	[sflag:s17] =	ssyncset.done @!p4 $0x0  }
0x7a: {  	s14 =	sadd.s32 @!p4 s6, s14;
	s18 =	sor.u32 @!p4 $0x1000, s18;
	[sflag:s17] =	ssyncadd.s32 @!p4 $0xFFFFF800  }
0x7b: {  	[tilespmem:s18], [sflag:$0x4] =	stream.linear.gather @!p4 [hbm4b:s14+s19], $0x800, $0x38;
	v63 =	vld [tilespmem:$0x0]  }
0x7c: {  	s20 =	sand.u32 $0x3E00, s30;
	s30 =	simm.s32 $0x1;
	_ =	swait.ge @!p4 [sflag:s17], $0x800  }
0x7d: {  	s13 =	simm.s32 $0x3;
	s24 =	sand.u32 $0x1, s30;
	[sflag:s17] =	ssyncset.done @!p4 $0x0  }
0x7e: {  	s16 =	sshll.u32 s16, $0xB;
	s24 =	sshll.u32 s24, $0xE;
	[sflag:s17] =	ssyncadd.s32 @!p4 $0xFFFFF800  }
0x7f: {  	s12 =	simm.s32 $0x400;
	s14 =	simm.s32 $0x600;
	_ =	swait.ge [sflag:s8], $0x3E80  }
0x80: {  	s18 =	sor.u32 s9, s16;
	s16 =	sand.u32 $0xF, s13;
	[sflag:s8] =	ssyncset.done $0x0  }
0x81: {  	s19 =	sxor.u32 $0x6000, s24;
	p4 =	sne.s32 s16, $0x0;
	[sflag:s8] =	ssyncadd.s32 $0xFFFFC180  }
0x82: {  	[tilespmem:s19], [sflag:$0x1] =	stream.indirect.gather [hbm4b:s0+s28], $0x80, s18, s28, $0xb8;
	v63 =	vld [tilespmem:$0x0]  }
0x83: {  	s17 =	sshrl.u32 s20, $0x2;
	s30 =	simm.s32 @!p4 $0x0;
	_ =	swait.ge [sflag:s1], $0x3E80  }
0x84: {  	s19 =	simm.s32 $0x0;
	s18 =	sor.u32 $0x2000, s24;
	[sflag:s1] =	ssyncset.done $0x0  }
.LBB2_7:
0x85: {  	s19 =	sand.u32 $0x1, s19;
	s24 =	sadd.s32 @!p4 s15, s30;
	s17 =	sor.u32 $0x1000, s17  }
0x86: {  	s30 =	smov.u32 s12;
	s12 =	smov.u32 s14;
	s9 =	smov.u32 s13  }
0x87: {  	s2 =	simm.s32 @!p4 $0x4;
	s24 =	sshrl.u32 @!p4 s24, $0x3;
	[sflag:s1] =	ssyncadd.s32 $0xFFFFC180  }
0x88: {  	[spmem:s3] =	stream.indirect.scatter.add.f32 [tilespmem:s18], [sflag:$0x3], $0x80, s17, s28, $0xb8;
	v63 =	vld [tilespmem:$0x0]  }
0x89: {  	s20 =	simm.s32 @!p4 $0x0;
	s17 =	sshll.u32 @!p4 s19, $0xB;
	s18 =	sadd.s32 @!p4 s5, s24  }
0x8a: {  	[tilespmem:s17], [sflag:$0x4] =	stream.linear.gather @!p4 [hbm4b:s18+s20], $0x800, $0x38;
	v63 =	vld [tilespmem:$0x0]  }
0x8b: {  	s17 =	sor.u32 @!p4 $0x1000, s17;
	s18 =	sadd.s32 @!p4 s6, s24;
	_ =	swait.ge @!p4 [sflag:s2], $0x800  }
0x8c: {  	s14 =	sadd.s32 $0x200, s14;
	s19 =	sshll.u32 s19, $0xB;
	[sflag:s2] =	ssyncset.done @!p4 $0x0  }
0x8d: {  	p5 =	sne.s32 s14, $0x9E00;
	[sflag:s2] =	ssyncadd.s32 @!p4 $0xFFFFF800  }
0x8e: {  	[tilespmem:s17], [sflag:$0x4] =	stream.linear.gather @!p4 [hbm4b:s18+s20], $0x800, $0x38;
	v63 =	vld [tilespmem:$0x0]  }
0x8f: {  	s16 =	sshll.u32 s16, $0x7;
	_ =	swait.ge @!p4 [sflag:s2], $0x800  }
0x90: {  	s13 =	sadd.s32 $0x1, s13;
	s17 =	sand.u32 $0x3E00, s30;
	[sflag:s2] =	ssyncset.done @!p4 $0x0  }
0x91: {  	s9 =	sadd.s32 $0xFFFFFFFF, s9;
	s17 =	sshrl.u32 s17, $0x2;
	[sflag:s2] =	ssyncadd.s32 @!p4 $0xFFFFF800  }
0x92: {  	s2 =	sand.u32 $0x1, s9;
	s9 =	sor.u32 s16, s19;
	_ =	swait.ge [sflag:s8], $0x3E80  }
.Ltmp3:
0x93: {  	s2 =	sshll.u32 s2, $0xE;
	[sflag:s8] =	ssyncset.done $0x0;
	(pc) =	sbr.rel @p5 .LBB2_7-.Ltmp3, $4  }
0x94: {  	s16 =	sand.u32 $0xF, s13;
	s18 =	sxor.u32 $0x6000, s2;
	[sflag:s8] =	ssyncadd.s32 $0xFFFFC180  }
0x95: {  	[tilespmem:s18], [sflag:$0x1] =	stream.indirect.gather [hbm4b:s0+s28], $0x80, s9, s28, $0xb8;
	v63 =	vld [tilespmem:$0x0]  }
0x96: {  	s19 =	sshrl.u32 s13, $0x4;
	p4 =	sne.s32 s16, $0x0;
	_ =	swait.ge [sflag:s1], $0x3E80  }
0x97: {  	s30 =	sshll.u32 @!p4 s19, $0xB;
	s18 =	sor.u32 $0x2000, s2;
	[sflag:s1] =	ssyncset.done $0x0  }
0x98: {  	s2 =	sand.u32 $0x1, s19;
	s9 =	sadd.s32 @!p4 s15, s30;
	s14 =	sor.u32 $0x1000, s17  }
0x99: {  	s17 =	simm.s32 @!p4 $0x4;
	[sflag:s1] =	ssyncadd.s32 $0xFFFFC180;
	s9 =	sshrl.u32 @!p4 s9, $0x3  }
0x9a: {  	[spmem:s3] =	stream.indirect.scatter.add.f32 [tilespmem:s18], [sflag:$0x3], $0x80, s14, s28, $0xb8;
	v63 =	vld [tilespmem:$0x0]  }
0x9b: {  	s19 =	simm.s32 @!p4 $0x0;
	s14 =	sshll.u32 @!p4 s2, $0xB;
	s18 =	sadd.s32 @!p4 s5, s9  }
0x9c: {  	[tilespmem:s14], [sflag:$0x4] =	stream.linear.gather @!p4 [hbm4b:s18+s19], $0x800, $0x38;
	v63 =	vld [tilespmem:$0x0]  }
0x9d: {  	_ =	swait.ge @!p4 [sflag:s17], $0x800  }
0x9e: {  	[sflag:s17] =	ssyncset.done @!p4 $0x0  }
0x9f: {  	s9 =	sadd.s32 @!p4 s6, s9;
	s14 =	sor.u32 @!p4 $0x1000, s14;
	[sflag:s17] =	ssyncadd.s32 @!p4 $0xFFFFF800  }
0xa0: {  	[tilespmem:s14], [sflag:$0x4] =	stream.linear.gather @!p4 [hbm4b:s9+s19], $0x800, $0x38;
	v63 =	vld [tilespmem:$0x0]  }
0xa1: {  	_ =	swait.ge @!p4 [sflag:s17], $0x800  }
0xa2: {  	[sflag:s17] =	ssyncset.done @!p4 $0x0  }
0xa3: {  	s14 =	sadd.s32 $0xFFFFFFFF, s13;
	[sflag:s17] =	ssyncadd.s32 @!p4 $0xFFFFF800  }
0xa4: {  	s2 =	sshll.u32 s2, $0xB;
	s9 =	sand.u32 $0x1, s14;
	_ =	swait.ge [sflag:s8], $0x3E80  }
0xa5: {  	s9 =	sshll.u32 s9, $0xE;
	s17 =	sshll.u32 s16, $0x7;
	[sflag:s8] =	ssyncset.done $0x0  }
0xa6: {  	s18 =	sxor.u32 $0x6000, s9;
	s2 =	sor.u32 s17, s2;
	[sflag:s8] =	ssyncadd.s32 $0xFFFFC180  }
0xa7: {  	[tilespmem:s18], [sflag:$0x1] =	stream.indirect.gather [hbm4b:s0+s28], $0x80, s2, s28, $0xb8;
	v63 =	vld [tilespmem:$0x0]  }
0xa8: {  	s19 =	sand.u32 $0x3E00, s12;
	_ =	swait.ge [sflag:s1], $0x3E80  }
0xa9: {  	s2 =	sshrl.u32 s19, $0x2;
	[sflag:s1] =	ssyncset.done $0x0  }
0xaa: {  	s9 =	sor.u32 $0x2000, s9;
	s2 =	sor.u32 $0x1000, s2;
	[sflag:s1] =	ssyncadd.s32 $0xFFFFC180  }
0xab: {  	[spmem:s3] =	stream.indirect.scatter.add.f32 [tilespmem:s9], [sflag:$0x3], $0x80, s2, s28, $0xb8;
	v63 =	vld [tilespmem:$0x0]  }
0xac: {  	_ =	swait.ge [sflag:s8], $0x3E80  }
0xad: {  	[sflag:s8] =	ssyncset.done $0x0  }
0xae: {  	[sflag:s8] =	ssyncadd.s32 $0xFFFFC180  }
0xaf: {  	_ =	swait.ge [sflag:s1], $0x3E80  }
0xb0: {  	[sflag:s1] =	ssyncset.done $0x0  }
0xb1: {  	s20 =	simm.s32 $0x1780;
	[sflag:s1] =	ssyncadd.s32 $0xFFFFC180  }
0xb2: {  	[spmem:s3] =	stream.indirect.scatter.add.f32 [tilespmem:s31], [sflag:$0x3], $0x80, s20, s28, $0xb8;
	v63 =	vld [tilespmem:$0x0]  }
0xb3: {  	s24 =	stileid.u32;
	_ =	swait.ge [sflag:s8], $0x3E80  }
0xb4: {  	s30 =	sshrl.u32 s7, $0x3;
	s11 =	sadd.s32 $0x1, s11;
	[sflag:s8] =	ssyncset.done $0x0  }
0xb5: {  	p4 =	sne.s32 s11, s23;
	s2 =	sshll.u32 s24, $0x6;
	[sflag:s8] =	ssyncadd.s32 $0xFFFFC180  }
.Ltmp4:
0xb6: {  	s2 =	sor.u32 $0x1C04, s2;
	[bflag:$0x0] =	sbarrier.arrive $0xFFFF;
	(pc) =	sbr.rel @p4 .LBB2_1-.Ltmp4, $4  }
0xb7: {  	[hbm:s22], [sflag:s2] =	dma.local [spmem:s30], $0x2800  }
0xb8: {  	_ =	swait.ge [sflag:s25], $0x2800  }
0xb9: {  	[sflag:s25] =	ssyncset.done $0x0  }
0xba: {  	[sflag:s25] =	ssyncadd.s32 $0xFFFFD800  }
0xbb: {  	_ =	sfence.sel $0x180000  }
0xbc: {  	[bflag:$0x0] =	sbarrier.arrive $0xFFFF  }
0xbd: {  	_ =	strace $0x90000047  }
0xbe: {  	s0 =	stileid.u32;
	[bflag:$0x2] =	sbarrier.arrive $0xFFFF  }
0xbf: {  	p0 =	sne.s32 s0, $0x0;
	s0 =	rddreg [dreg:$0x3]  }
0xc0: {  	s0 =	sadd.s32 @!p0 $0x100000, s0  }
0xc1: {  	[sflag:s0] =	ssyncadd.tile.s32 @!p0 $0x1;
	_ =	shalt  }
.Lfunc_end2:
_tile_overlayer_lowered:
.L_overlay_start_2:
0xc2: {  	(tag) =	ssettag $0x2  }
0xc3: {  	s0 =	rddreg [dreg:$0x0];
	s2 =	stileid.u32  }
0xc4: {  	s1 =	rddreg [dreg:$0x1];
	p0 =	sne.s32 s2, $0x0  }
0xc5: {  	s3 =	rddreg [dreg:$0x2];
	[bflag:$0x3] =	sbarrier.arrive $0xFFFF;
	s2 =	simm.s32 @!p0 $0x1C04  }
0xc6: {  	[timem:s3], [sflag:s2] =	dma.local @!p0 [hbm:s0], s1  }
0xc7: {  	s0 =	simm.s32 @!p0 $0x4  }
0xc8: {  	_ =	swait.ge @!p0 [sflag:s0], s1  }
0xc9: {  	s1 =	ssub.s32 @!p0 $0x0, s1;
	[sflag:s0] =	ssyncset.done @!p0 $0x0  }
0xca: {  	[sflag:s0] =	ssyncadd.s32 @!p0 s1  }
0xcb: {  	[bflag:$0x3] =	sbarrier.arrive $0xFFFF  }
0xcc: {  	_ =	shalt  }

</sc_bundles>
